<compile_context>
chip_gen: v7x
topology: tpu7x:2x2x1
jax: 0.10.2.dev20260603
libtpu: 0.0.44.dev20260713+nightly
codegen_flags: <defaults>
</compile_context>

<pallas_src>
import functools
import jax
import jax.numpy as jnp
from jax import lax
from jax.experimental import pallas as pl
from jax.experimental.pallas import tpu as pltpu
from jax.experimental.pallas import tpu_sc as plsc

N_NODES = 10000
N_EDGES = 320000
D = 128
G = 128

NC = 2
NS = 16
NW = NC * NS

K = 128
NCH = 80
E_PER_W = NCH * K
E_PAD = NW * E_PER_W
NPR = 10240

NSEG = 3
SEGW = 3328
RPW = 78 * K
SEG_CH = (26, 26, 26)
SEG_LEN = tuple(c * K for c in SEG_CH)
XTRA = N_EDGES - NW * RPW

BLK = 2048
N_BLOCKS = NPR // BLK


_sc_mesh = plsc.VectorSubcoreMesh(core_axis_name="c", subcore_axis_name="s")


@functools.partial(
    pl.kernel,
    out_type=jax.ShapeDtypeStruct((NC, NPR, D), jnp.float32),
    mesh=_sc_mesh,
    scratch_types=[
        pltpu.VMEM((2, 2, SEGW), jnp.int32),
        pltpu.VMEM((2, K, D), jnp.float32),
        pltpu.VMEM_SHARED((NPR, D), jnp.float32),
        pltpu.SemaphoreType.DMA,
        pltpu.SemaphoreType.DMA,
        pltpu.SemaphoreType.DMA,
        pltpu.SemaphoreType.DMA,
    ],
)
def _sc_scatter_add(x_hbm, ei_hbm, out_hbm,
                    seg_v, rows_v, agg_sh, gsem0, gsem1, isem0, isem1):
    cid = lax.axis_index("c")
    sid = lax.axis_index("s")
    wid = cid * NS + sid
    gsems = (gsem0, gsem1)
    isems = (isem0, isem1)
    base = wid * RPW

    def seg_dma(u, slot, sem):
        n = SEG_LEN[u]
        return pltpu.make_async_copy(
            ei_hbm.at[:, pl.ds(base + u * SEGW, n)],
            seg_v.at[slot, :, pl.ds(0, n)], sem)

    seg_dma(0, 0, isem0).start()

    @pl.loop(0, K)
    def _(r):
        for c in range(D // 16):
            rows_v[0, r, pl.ds(c * 16, 16)] = jnp.zeros((16,), jnp.float32)

    zrows = NPR // NS
    half = NS // 2
    xlo = cid * half
    is_x_tile = (sid >= xlo) & (sid < xlo + half)
    tail_tile = (cid == 1) & (sid == NS - 1)

    @pl.when(is_x_tile & ~tail_tile)
    def _():
        pltpu.sync_copy(x_hbm.at[pl.ds(sid * zrows, zrows)],
                        agg_sh.at[pl.ds(sid * zrows, zrows)])

    @pl.when(tail_tile)
    def _():
        pltpu.sync_copy(x_hbm.at[pl.ds(9600, 400)],
                        agg_sh.at[pl.ds(9600, 400)])
        pltpu.sync_copy(rows_v.at[0], agg_sh.at[pl.ds(10000, K)])
        pltpu.sync_copy(rows_v.at[0, pl.ds(0, 112)],
                        agg_sh.at[pl.ds(10128, 112)])

    @pl.when(~is_x_tile)
    def _():
        for q in range(zrows // K):
            pltpu.sync_copy(rows_v.at[0],
                            agg_sh.at[pl.ds(sid * zrows + q * K, K)])

    plsc.subcore_barrier()

    HK = K // 2

    def gather(slot, t, rb, sem):
        for h2 in range(2):
            pltpu.async_copy(
                x_hbm.at[seg_v.at[slot, 0, pl.ds(t * K + h2 * HK, HK)]],
                rows_v.at[rb, pl.ds(h2 * HK, HK)], sem)

    def gwait(slot, t, rb, sem):
        for h2 in range(2):
            pltpu.make_async_copy(
                x_hbm.at[seg_v.at[slot, 0, pl.ds(t * K + h2 * HK, HK)]],
                rows_v.at[rb, pl.ds(h2 * HK, HK)], sem).wait()

    def scatter(slot, t, rb):
        pltpu.sync_copy(rows_v.at[rb],
                        agg_sh.at[seg_v.at[slot, 1, pl.ds(t * K, K)]],
                        add=True)

    seg_dma(0, 0, isem0).wait()
    seg_dma(1, 1, isem1).start()
    gather(0, 0, 0, gsem0)
    gather(0, 1, 1, gsem1)

    for u in range(NSEG):
        b = u % 2
        if 0 < u < NSEG - 1:
            seg_dma(u + 1, 1 - b, isems[1 - b]).start()
        nch = SEG_CH[u]

        @pl.loop(0, (nch - 2) // 2)
        def _(it):
            for rb in range(2):
                t = 2 * it + rb
                gwait(b, t, rb, gsems[rb])
                scatter(b, t, rb)
                gather(b, t + 2, rb, gsems[rb])

        if u + 1 < NSEG:
            seg_dma(u + 1, 1 - b, isems[1 - b]).wait()
            for rb in range(2):
                t = nch - 2 + rb
                gwait(b, t, rb, gsems[rb])
                scatter(b, t, rb)
                gather(1 - b, rb, rb, gsems[rb])
        else:
            for rb in range(2):
                t = nch - 2 + rb
                gwait(b, t, rb, gsems[rb])
                scatter(b, t, rb)

    q = sid * NC + cid

    @pl.when(sid < (XTRA // K) // NC)
    def _():
        pltpu.make_async_copy(
            ei_hbm.at[:, pl.ds(NW * RPW + q * K, K)],
            seg_v.at[0, :, pl.ds(0, K)], isem0).start()
        pltpu.make_async_copy(
            ei_hbm.at[:, pl.ds(NW * RPW + q * K, K)],
            seg_v.at[0, :, pl.ds(0, K)], isem0).wait()
        pltpu.make_async_copy(
            x_hbm.at[seg_v.at[0, 0, pl.ds(0, K)]],
            rows_v.at[0], gsem0).start()
        pltpu.make_async_copy(
            x_hbm.at[seg_v.at[0, 0, pl.ds(0, K)]],
            rows_v.at[0], gsem0).wait()
        scatter(0, 0, 0)

    plsc.subcore_barrier()

    pltpu.sync_copy(agg_sh.at[pl.ds(sid * zrows, zrows)],
                    out_hbm.at[cid, pl.ds(sid * zrows, zrows)])


def _tc_body(agg_ref, batch_ref, W1_ref, b1_ref, W2_ref, b2_ref,
             Wlin_ref, blin_ref, out_ref, pool_acc):
    i = pl.program_id(0)
    h = agg_ref[0] + agg_ref[1]
    z = jnp.dot(h, W1_ref[...], preferred_element_type=jnp.float32)
    z = jnp.maximum(z + b1_ref[...], 0.0)
    h2 = jnp.dot(z, W2_ref[...],
                 preferred_element_type=jnp.float32) + b2_ref[...]
    b = batch_ref[0]
    gids = lax.broadcasted_iota(jnp.int32, (G, BLK), 0)
    mask = (gids == b).astype(jnp.float32)
    seg = jnp.dot(mask, h2, preferred_element_type=jnp.float32,
                  precision=lax.Precision.HIGHEST)

    @pl.when(i == 0)
    def _():
        pool_acc[...] = jnp.zeros_like(pool_acc)
        out_ref[...] = jnp.zeros_like(out_ref)

    pool_acc[...] += seg

    @pl.when(i == pl.num_programs(0) - 1)
    def _():
        out_ref[...] = jnp.dot(
            pool_acc[...], Wlin_ref[...],
            preferred_element_type=jnp.float32) + blin_ref[...]


_tc_call = pl.pallas_call(
    _tc_body,
    grid=(N_BLOCKS,),
    in_specs=[
        pl.BlockSpec((NC, BLK, D), lambda i: (0, i, 0)),
        pl.BlockSpec((1, 1, BLK), lambda i: (i, 0, 0)),
        pl.BlockSpec((D, D), lambda i: (0, 0)),
        pl.BlockSpec((1, D), lambda i: (0, 0)),
        pl.BlockSpec((D, D), lambda i: (0, 0)),
        pl.BlockSpec((1, D), lambda i: (0, 0)),
        pl.BlockSpec((D, 1), lambda i: (0, 0)),
        pl.BlockSpec((1, 1), lambda i: (0, 0)),
    ],
    out_specs=pl.BlockSpec((G, 1), lambda i: (0, 0)),
    out_shape=jax.ShapeDtypeStruct((G, 1), jnp.float32),
    scratch_shapes=[pltpu.VMEM((G, D), jnp.float32)],
)


def kernel(x, edge_index, batch, W1, b1, W2, b2, Wlin, blin):
    ei = edge_index.astype(jnp.int32)
    agg = _sc_scatter_add(x, ei)

    batch_p = jnp.pad(batch.astype(jnp.int32), (0, NPR - N_NODES),
                      constant_values=G)
    batch3 = batch_p.reshape(N_BLOCKS, 1, BLK)
    out = _tc_call(agg, batch3, W1, b1.reshape(1, D), W2,
                   b2.reshape(1, D), Wlin, blin.reshape(1, 1))
    return out

# --- scband reference (transcript-rebuilt; emitter-appended) ---
"""Pipeline reference for scband-gin-91268055040640 (READ-ONLY COPY).

The authoritative reference and input builder live on the scoring server;
editing this copy changes nothing except your own understanding.
"""

import jax, jax.numpy as jnp
import numpy as np

N_NODES = 10000
N_EDGES = 320000
D_IN = 128
D_HID = 128
D_OUT = 1
N_GRAPHS = 128

def setup_inputs(seed: int = 0) -> dict:
    key = jax.random.key(seed)
    ks = jax.random.split(key, 10)
    x = jax.random.normal(ks[0], (N_NODES, D_IN), dtype=jnp.float32)
    edge_index = jax.random.randint(ks[1], (2, N_EDGES), 0, N_NODES, dtype=jnp.int64)
    batch = jnp.sort(jax.random.randint(ks[2], (N_NODES,), 0, N_GRAPHS, dtype=jnp.int64))
    s1 = 1.0 / np.sqrt(D_IN)
    s2 = 1.0 / np.sqrt(D_HID)
    W1 = jax.random.uniform(ks[3], (D_IN, D_HID), minval=-s1, maxval=s1, dtype=jnp.float32)
    b1 = jax.random.uniform(ks[4], (D_HID,), minval=-s1, maxval=s1, dtype=jnp.float32)
    W2 = jax.random.uniform(ks[5], (D_HID, D_HID), minval=-s2, maxval=s2, dtype=jnp.float32)
    b2 = jax.random.uniform(ks[6], (D_HID,), minval=-s2, maxval=s2, dtype=jnp.float32)
    Wlin = jax.random.uniform(ks[7], (D_HID, D_OUT), minval=-s2, maxval=s2, dtype=jnp.float32)
    blin = jax.random.uniform(ks[8], (D_OUT,), minval=-s2, maxval=s2, dtype=jnp.float32)
    return {"x": x, "edge_index": edge_index, "batch": batch, "W1": W1, "b1": b1, "W2": W2, "b2": b2, "Wlin": Wlin, "blin": blin}

def reference(x, edge_index, batch, W1, b1, W2, b2, Wlin, blin):
    src = edge_index[0]
    dst = edge_index[1]
    # GINConv message passing: sum aggregation of source features at target nodes
    agg = jnp.zeros_like(x).at[dst].add(x[src])
    eps = 0.0
    h = (1.0 + eps) * x + agg
    # nn1: Linear -> ReLU -> Linear
    h = jax.nn.relu(h @ W1 + b1)
    h = h @ W2 + b2
    # global_add_pool over batch assignment
    pooled = jax.ops.segment_sum(h, batch, num_segments=N_GRAPHS)
    out = pooled @ Wlin + blin
    return out

if __name__ == "__main__":
    import jax
    _d = setup_inputs()
    print(jax.jit(kernel)(*tuple(_d.values())))

</pallas_src>

<mosaic_0001>
#map = affine_map<(d0, d1) -> (0, 0)>
#map1 = affine_map<(d0, d1) -> (0, 0, 0)>
module attributes {stable_mosaic.version = 14 : i64} {
  func.func @_sc_scatter_add(%arg0: i32, %arg1: i32, %arg2: memref<10000x128xf32, #tpu.memory_space<hbm>>, %arg3: memref<2x320000xi32, #tpu.memory_space<hbm>>, %arg4: memref<2x10240x128xf32, #tpu.memory_space<hbm>>, %arg5: memref<2x2x3328xi32, #tpu.memory_space<vmem>>, %arg6: memref<2x128x128xf32, #tpu.memory_space<vmem>>, %arg7: memref<10240x128xf32, #tpu.memory_space<vmem_shared>>, %arg8: memref<!tpu.dma_semaphore, #tpu.memory_space<semaphore_mem>>, %arg9: memref<!tpu.dma_semaphore, #tpu.memory_space<semaphore_mem>>, %arg10: memref<!tpu.dma_semaphore, #tpu.memory_space<semaphore_mem>>, %arg11: memref<!tpu.dma_semaphore, #tpu.memory_space<semaphore_mem>>) attributes {dimension_semantics = [#tpu.dimension_semantics<core_parallel>, #tpu.dimension_semantics<subcore_parallel>], iteration_bounds = array<i64: 2, 16>, scalar_prefetch = 0 : i64, scratch_operands = 7 : i64, tpu.core_type = #tpu.core_type<sc_vector_subcore>, window_params = [{transform_indices = #map}, {transform_indices = #map}, {transform_indices = #map1}]} {
    %mul3A = arith.constant 16 : i32
    %mul3A_0 = arith.muli %arg0, %mul3A : i32
    %add3A = arith.addi %mul3A_0, %arg1 : i32
    %mul3A_1 = arith.constant 9984 : i32
    %mul3A_2 = arith.muli %add3A, %mul3A_1 : i32
    %add3A_3 = arith.constant 0 : i32
    %add3A_4 = arith.addi %mul3A_2, %add3A_3 : i32
    %dma_start3A = arith.constant 0 : i32
    %dma_start3A_5 = arith.constant 0 : i32
    %dma_start3A_6 = arith.constant 0 : i32
    %dma_start3A_7 = tpu.memref_slice %arg5[%dma_start3A, %dma_start3A_5, %dma_start3A_6] : memref<2x2x3328xi32, #tpu.memory_space<vmem>> -> memref<1x2x3328xi32, #tpu.memory_space<vmem>>
    %dma_start3A_8 = tpu.memref_squeeze %dma_start3A_7 : memref<1x2x3328xi32, #tpu.memory_space<vmem>> -> memref<2x3328xi32, #tpu.memory_space<vmem>>
    %dma_start3A_9 = arith.constant 0 : i32
    %dma_start3A_10 = tpu.memref_slice %arg3[%dma_start3A_9, %add3A_4] : memref<2x320000xi32, #tpu.memory_space<hbm>> -> memref<2x3328xi32, #tpu.memory_space<hbm>>
    %dma_start3A_11 = arith.constant 0 : i32
    %dma_start3A_12 = arith.constant 0 : i32
    %dma_start3A_13 = tpu.memref_slice %arg5[%dma_start3A, %dma_start3A_11, %dma_start3A_12] : memref<2x2x3328xi32, #tpu.memory_space<vmem>> -> memref<1x2x3328xi32, #tpu.memory_space<vmem>>
    %dma_start3A_14 = tpu.memref_squeeze %dma_start3A_13 : memref<1x2x3328xi32, #tpu.memory_space<vmem>> -> memref<2x3328xi32, #tpu.memory_space<vmem>>
    %dma_start3A_15 = arith.constant 0 : i32
    %dma_start3A_16 = tpu.memref_slice %arg3[%dma_start3A_15, %add3A_4] : memref<2x320000xi32, #tpu.memory_space<hbm>> -> memref<2x3328xi32, #tpu.memory_space<hbm>>
    tpu.enqueue_dma source(%dma_start3A_16 : memref<2x3328xi32, #tpu.memory_space<hbm>>) target(%dma_start3A_14 : memref<2x3328xi32, #tpu.memory_space<vmem>>) target_semaphore(%arg10 : memref<!tpu.dma_semaphore, #tpu.memory_space<semaphore_mem>>)
    %scan3A = arith.constant 0 : i32
    %scan3A_17 = arith.constant 128 : i32
    %scan3A_18 = arith.addi %scan3A, %scan3A_17 : i32
    %scan3A_19 = arith.constant 1 : i32
    scf.for %scan3A_471 = %scan3A to %scan3A_18 step %scan3A_19  : i32 {
      %mul3A_472 = arith.constant 1 : i32
      %mul3A_473 = arith.muli %scan3A_471, %mul3A_472 : i32
      %add3A_474 = arith.constant 0 : i32
      %add3A_475 = arith.addi %add3A_474, %mul3A_473 : i32
      %broadcast_in_dim3A = arith.constant 0.000000e+00 : f32
      %broadcast_in_dim3A_476 = vector.broadcast %broadcast_in_dim3A : f32 to vector<16xf32>
      %swap3A = arith.constant 0 : i32
      %swap3A_477 = arith.index_cast %swap3A : i32 to index
      %swap3A_478 = arith.index_cast %add3A_475 : i32 to index
      %swap3A_479 = arith.constant 0 : index
      %swap3A_480 = tpu.vector_load %arg6[%swap3A_477, %swap3A_478, %swap3A_479] {strides = array<i32>} : memref<2x128x128xf32, #tpu.memory_space<vmem>>, vector<1x1x16xf32>,
      %swap3A_481 = vector.shape_cast %swap3A_480 : vector<1x1x16xf32> to vector<16xf32>
      %swap3A_482 = vector.shape_cast %broadcast_in_dim3A_476 : vector<16xf32> to vector<1x1x16xf32>
      tpu.vector_store %arg6[%swap3A_477, %swap3A_478, %swap3A_479], %swap3A_482 {strides = array<i32>} : memref<2x128x128xf32, #tpu.memory_space<vmem>>, vector<1x1x16xf32>,
      %broadcast_in_dim3A_483 = arith.constant 0.000000e+00 : f32
      %broadcast_in_dim3A_484 = vector.broadcast %broadcast_in_dim3A_483 : f32 to vector<16xf32>
      %swap3A_485 = arith.constant 0 : i32
      %swap3A_486 = arith.index_cast %swap3A_485 : i32 to index
      %swap3A_487 = arith.index_cast %add3A_475 : i32 to index
      %swap3A_488 = arith.constant 16 : index
      %swap3A_489 = tpu.vector_load %arg6[%swap3A_486, %swap3A_487, %swap3A_488] {strides = array<i32>} : memref<2x128x128xf32, #tpu.memory_space<vmem>>, vector<1x1x16xf32>,
      %swap3A_490 = vector.shape_cast %swap3A_489 : vector<1x1x16xf32> to vector<16xf32>
      %swap3A_491 = vector.shape_cast %broadcast_in_dim3A_484 : vector<16xf32> to vector<1x1x16xf32>
      tpu.vector_store %arg6[%swap3A_486, %swap3A_487, %swap3A_488], %swap3A_491 {strides = array<i32>} : memref<2x128x128xf32, #tpu.memory_space<vmem>>, vector<1x1x16xf32>,
      %broadcast_in_dim3A_492 = arith.constant 0.000000e+00 : f32
      %broadcast_in_dim3A_493 = vector.broadcast %broadcast_in_dim3A_492 : f32 to vector<16xf32>
      %swap3A_494 = arith.constant 0 : i32
      %swap3A_495 = arith.index_cast %swap3A_494 : i32 to index
      %swap3A_496 = arith.index_cast %add3A_475 : i32 to index
      %swap3A_497 = arith.constant 32 : index
      %swap3A_498 = tpu.vector_load %arg6[%swap3A_495, %swap3A_496, %swap3A_497] {strides = array<i32>} : memref<2x128x128xf32, #tpu.memory_space<vmem>>, vector<1x1x16xf32>,
      %swap3A_499 = vector.shape_cast %swap3A_498 : vector<1x1x16xf32> to vector<16xf32>
      %swap3A_500 = vector.shape_cast %broadcast_in_dim3A_493 : vector<16xf32> to vector<1x1x16xf32>
      tpu.vector_store %arg6[%swap3A_495, %swap3A_496, %swap3A_497], %swap3A_500 {strides = array<i32>} : memref<2x128x128xf32, #tpu.memory_space<vmem>>, vector<1x1x16xf32>,
      %broadcast_in_dim3A_501 = arith.constant 0.000000e+00 : f32
      %broadcast_in_dim3A_502 = vector.broadcast %broadcast_in_dim3A_501 : f32 to vector<16xf32>
      %swap3A_503 = arith.constant 0 : i32
      %swap3A_504 = arith.index_cast %swap3A_503 : i32 to index
      %swap3A_505 = arith.index_cast %add3A_475 : i32 to index
      %swap3A_506 = arith.constant 48 : index
      %swap3A_507 = tpu.vector_load %arg6[%swap3A_504, %swap3A_505, %swap3A_506] {strides = array<i32>} : memref<2x128x128xf32, #tpu.memory_space<vmem>>, vector<1x1x16xf32>,
      %swap3A_508 = vector.shape_cast %swap3A_507 : vector<1x1x16xf32> to vector<16xf32>
      %swap3A_509 = vector.shape_cast %broadcast_in_dim3A_502 : vector<16xf32> to vector<1x1x16xf32>
      tpu.vector_store %arg6[%swap3A_504, %swap3A_505, %swap3A_506], %swap3A_509 {strides = array<i32>} : memref<2x128x128xf32, #tpu.memory_space<vmem>>, vector<1x1x16xf32>,
      %broadcast_in_dim3A_510 = arith.constant 0.000000e+00 : f32
      %broadcast_in_dim3A_511 = vector.broadcast %broadcast_in_dim3A_510 : f32 to vector<16xf32>
      %swap3A_512 = arith.constant 0 : i32
      %swap3A_513 = arith.index_cast %swap3A_512 : i32 to index
      %swap3A_514 = arith.index_cast %add3A_475 : i32 to index
      %swap3A_515 = arith.constant 64 : index
      %swap3A_516 = tpu.vector_load %arg6[%swap3A_513, %swap3A_514, %swap3A_515] {strides = array<i32>} : memref<2x128x128xf32, #tpu.memory_space<vmem>>, vector<1x1x16xf32>,
      %swap3A_517 = vector.shape_cast %swap3A_516 : vector<1x1x16xf32> to vector<16xf32>
      %swap3A_518 = vector.shape_cast %broadcast_in_dim3A_511 : vector<16xf32> to vector<1x1x16xf32>
      tpu.vector_store %arg6[%swap3A_513, %swap3A_514, %swap3A_515], %swap3A_518 {strides = array<i32>} : memref<2x128x128xf32, #tpu.memory_space<vmem>>, vector<1x1x16xf32>,
      %broadcast_in_dim3A_519 = arith.constant 0.000000e+00 : f32
      %broadcast_in_dim3A_520 = vector.broadcast %broadcast_in_dim3A_519 : f32 to vector<16xf32>
      %swap3A_521 = arith.constant 0 : i32
      %swap3A_522 = arith.index_cast %swap3A_521 : i32 to index
      %swap3A_523 = arith.index_cast %add3A_475 : i32 to index
      %swap3A_524 = arith.constant 80 : index
      %swap3A_525 = tpu.vector_load %arg6[%swap3A_522, %swap3A_523, %swap3A_524] {strides = array<i32>} : memref<2x128x128xf32, #tpu.memory_space<vmem>>, vector<1x1x16xf32>,
      %swap3A_526 = vector.shape_cast %swap3A_525 : vector<1x1x16xf32> to vector<16xf32>
      %swap3A_527 = vector.shape_cast %broadcast_in_dim3A_520 : vector<16xf32> to vector<1x1x16xf32>
      tpu.vector_store %arg6[%swap3A_522, %swap3A_523, %swap3A_524], %swap3A_527 {strides = array<i32>} : memref<2x128x128xf32, #tpu.memory_space<vmem>>, vector<1x1x16xf32>,
      %broadcast_in_dim3A_528 = arith.constant 0.000000e+00 : f32
      %broadcast_in_dim3A_529 = vector.broadcast %broadcast_in_dim3A_528 : f32 to vector<16xf32>
      %swap3A_530 = arith.constant 0 : i32
      %swap3A_531 = arith.index_cast %swap3A_530 : i32 to index
      %swap3A_532 = arith.index_cast %add3A_475 : i32 to index
      %swap3A_533 = arith.constant 96 : index
      %swap3A_534 = tpu.vector_load %arg6[%swap3A_531, %swap3A_532, %swap3A_533] {strides = array<i32>} : memref<2x128x128xf32, #tpu.memory_space<vmem>>, vector<1x1x16xf32>,
      %swap3A_535 = vector.shape_cast %swap3A_534 : vector<1x1x16xf32> to vector<16xf32>
      %swap3A_536 = vector.shape_cast %broadcast_in_dim3A_529 : vector<16xf32> to vector<1x1x16xf32>
      tpu.vector_store %arg6[%swap3A_531, %swap3A_532, %swap3A_533], %swap3A_536 {strides = array<i32>} : memref<2x128x128xf32, #tpu.memory_space<vmem>>, vector<1x1x16xf32>,
      %broadcast_in_dim3A_537 = arith.constant 0.000000e+00 : f32
      %broadcast_in_dim3A_538 = vector.broadcast %broadcast_in_dim3A_537 : f32 to vector<16xf32>
      %swap3A_539 = arith.constant 0 : i32
      %swap3A_540 = arith.index_cast %swap3A_539 : i32 to index
      %swap3A_541 = arith.index_cast %add3A_475 : i32 to index
      %swap3A_542 = arith.constant 112 : index
      %swap3A_543 = tpu.vector_load %arg6[%swap3A_540, %swap3A_541, %swap3A_542] {strides = array<i32>} : memref<2x128x128xf32, #tpu.memory_space<vmem>>, vector<1x1x16xf32>,
      %swap3A_544 = vector.shape_cast %swap3A_543 : vector<1x1x16xf32> to vector<16xf32>
      %swap3A_545 = vector.shape_cast %broadcast_in_dim3A_538 : vector<16xf32> to vector<1x1x16xf32>
      tpu.vector_store %arg6[%swap3A_540, %swap3A_541, %swap3A_542], %swap3A_545 {strides = array<i32>} : memref<2x128x128xf32, #tpu.memory_space<vmem>>, vector<1x1x16xf32>,
    }
    %scan3A_20 = arith.constant 128 : i32
    %mul3A_21 = arith.constant 8 : i32
    %mul3A_22 = arith.muli %arg0, %mul3A_21 : i32
    %ge3A = arith.cmpi sge, %arg1, %mul3A_22 : i32
    %add3A_23 = arith.constant 8 : i32
    %add3A_24 = arith.addi %mul3A_22, %add3A_23 : i32
    %lt3A = arith.cmpi slt, %arg1, %add3A_24 : i32
    %and3A = arith.andi %ge3A, %lt3A : i1
    %eq3A = arith.constant 1 : i32
    %eq3A_25 = arith.cmpi eq, %arg0, %eq3A : i32
    %eq3A_26 = arith.constant 15 : i32
    %eq3A_27 = arith.cmpi eq, %arg1, %eq3A_26 : i32
    %and3A_28 = arith.andi %eq3A_25, %eq3A_27 : i1
    %not3A = arith.constant true
    %not3A_29 = arith.xori %and3A_28, %not3A : i1
    %and3A_30 = arith.andi %and3A, %not3A_29 : i1
    %convert_element_type3A = arith.extui %and3A_30 : i1 to i32
    %cond3A = arith.constant 0 : i32
    %cond3A_31 = arith.cmpi ne, %convert_element_type3A, %cond3A : i32
    scf.if %cond3A_31 {
      %mul3A_471 = arith.constant 640 : i32
      %mul3A_472 = arith.muli %arg1, %mul3A_471 : i32
      %mul3A_473 = arith.constant 640 : i32
      %mul3A_474 = arith.muli %arg1, %mul3A_473 : i32
      "tpu.region"() ({
        %run_scoped3A_475 = tpu.sem_alloc : memref<!tpu.dma_semaphore, #tpu.memory_space<semaphore_mem>>
        %dma_start3A_476 = arith.constant 0 : i32
        %dma_start3A_477 = tpu.memref_slice %arg7[%mul3A_474, %dma_start3A_476] : memref<10240x128xf32, #tpu.memory_space<vmem_shared>> -> memref<640x128xf32, #tpu.memory_space<vmem_shared>>
        %dma_start3A_478 = arith.constant 0 : i32
        %dma_start3A_479 = tpu.memref_slice %arg2[%mul3A_472, %dma_start3A_478] : memref<10000x128xf32, #tpu.memory_space<hbm>> -> memref<640x128xf32, #tpu.memory_space<hbm>>
        tpu.enqueue_dma source(%dma_start3A_479 : memref<640x128xf32, #tpu.memory_space<hbm>>) target(%dma_start3A_477 : memref<640x128xf32, #tpu.memory_space<vmem_shared>>) target_semaphore(%run_scoped3A_475 : memref<!tpu.dma_semaphore, #tpu.memory_space<semaphore_mem>>)
        %dma_wait3A_480 = arith.constant 0 : i32
        %dma_wait3A_481 = tpu.memref_slice %arg7[%mul3A_474, %dma_wait3A_480] : memref<10240x128xf32, #tpu.memory_space<vmem_shared>> -> memref<640x128xf32, #tpu.memory_space<vmem_shared>>
        %dma_wait3A_482 = arith.constant 0 : i32
        %dma_wait3A_483 = tpu.memref_slice %arg2[%mul3A_472, %dma_wait3A_482] : memref<10000x128xf32, #tpu.memory_space<hbm>> -> memref<640x128xf32, #tpu.memory_space<hbm>>
        tpu.wait_dma2 semaphore(%run_scoped3A_475 : memref<!tpu.dma_semaphore, #tpu.memory_space<semaphore_mem>>) src(%dma_wait3A_483 : memref<640x128xf32, #tpu.memory_space<hbm>>) dst(%dma_wait3A_481 : memref<640x128xf32, #tpu.memory_space<vmem_shared>>)
        tpu.yield
      }) : () -> ()
    } else {
    }
    %convert_element_type3A_32 = arith.extui %and3A_28 : i1 to i32
    %cond3A_33 = arith.constant 0 : i32
    %cond3A_34 = arith.cmpi ne, %convert_element_type3A_32, %cond3A_33 : i32
    scf.if %cond3A_34 {
      "tpu.region"() ({
        %run_scoped3A_473 = tpu.sem_alloc : memref<!tpu.dma_semaphore, #tpu.memory_space<semaphore_mem>>
        %dma_start3A_474 = arith.constant 9600 : i32
        %dma_start3A_475 = arith.constant 0 : i32
        %dma_start3A_476 = tpu.memref_slice %arg7[%dma_start3A_474, %dma_start3A_475] : memref<10240x128xf32, #tpu.memory_space<vmem_shared>> -> memref<400x128xf32, #tpu.memory_space<vmem_shared>>
        %dma_start3A_477 = arith.constant 9600 : i32
        %dma_start3A_478 = arith.constant 0 : i32
        %dma_start3A_479 = tpu.memref_slice %arg2[%dma_start3A_477, %dma_start3A_478] : memref<10000x128xf32, #tpu.memory_space<hbm>> -> memref<400x128xf32, #tpu.memory_space<hbm>>
        tpu.enqueue_dma source(%dma_start3A_479 : memref<400x128xf32, #tpu.memory_space<hbm>>) target(%dma_start3A_476 : memref<400x128xf32, #tpu.memory_space<vmem_shared>>) target_semaphore(%run_scoped3A_473 : memref<!tpu.dma_semaphore, #tpu.memory_space<semaphore_mem>>)
        %dma_wait3A_480 = arith.constant 9600 : i32
        %dma_wait3A_481 = arith.constant 0 : i32
        %dma_wait3A_482 = tpu.memref_slice %arg7[%dma_wait3A_480, %dma_wait3A_481] : memref<10240x128xf32, #tpu.memory_space<vmem_shared>> -> memref<400x128xf32, #tpu.memory_space<vmem_shared>>
        %dma_wait3A_483 = arith.constant 9600 : i32
        %dma_wait3A_484 = arith.constant 0 : i32
        %dma_wait3A_485 = tpu.memref_slice %arg2[%dma_wait3A_483, %dma_wait3A_484] : memref<10000x128xf32, #tpu.memory_space<hbm>> -> memref<400x128xf32, #tpu.memory_space<hbm>>
        tpu.wait_dma2 semaphore(%run_scoped3A_473 : memref<!tpu.dma_semaphore, #tpu.memory_space<semaphore_mem>>) src(%dma_wait3A_485 : memref<400x128xf32, #tpu.memory_space<hbm>>) dst(%dma_wait3A_482 : memref<400x128xf32, #tpu.memory_space<vmem_shared>>)
        tpu.yield
      }) : () -> ()
      %run_scoped3A_471 = arith.constant 0 : i32
      "tpu.region"() ({
        %run_scoped3A_473 = tpu.sem_alloc : memref<!tpu.dma_semaphore, #tpu.memory_space<semaphore_mem>>
        %dma_start3A_474 = arith.constant 0 : i32
        %dma_start3A_475 = arith.constant 0 : i32
        %dma_start3A_476 = tpu.memref_slice %arg6[%run_scoped3A_471, %dma_start3A_474, %dma_start3A_475] : memref<2x128x128xf32, #tpu.memory_space<vmem>> -> memref<1x128x128xf32, #tpu.memory_space<vmem>>
        %dma_start3A_477 = tpu.memref_squeeze %dma_start3A_476 : memref<1x128x128xf32, #tpu.memory_space<vmem>> -> memref<128x128xf32, #tpu.memory_space<vmem>>
        %dma_start3A_478 = arith.constant 10000 : i32
        %dma_start3A_479 = arith.constant 0 : i32
        %dma_start3A_480 = tpu.memref_slice %arg7[%dma_start3A_478, %dma_start3A_479] : memref<10240x128xf32, #tpu.memory_space<vmem_shared>> -> memref<128x128xf32, #tpu.memory_space<vmem_shared>>
        %dma_start3A_481 = arith.constant 10000 : i32
        %dma_start3A_482 = arith.constant 0 : i32
        %dma_start3A_483 = tpu.memref_slice %arg7[%dma_start3A_481, %dma_start3A_482] : memref<10240x128xf32, #tpu.memory_space<vmem_shared>> -> memref<128x128xf32, #tpu.memory_space<vmem_shared>>
        %dma_start3A_484 = arith.constant 0 : i32
        %dma_start3A_485 = arith.constant 0 : i32
        %dma_start3A_486 = tpu.memref_slice %arg6[%run_scoped3A_471, %dma_start3A_484, %dma_start3A_485] : memref<2x128x128xf32, #tpu.memory_space<vmem>> -> memref<1x128x128xf32, #tpu.memory_space<vmem>>
        %dma_start3A_487 = tpu.memref_squeeze %dma_start3A_486 : memref<1x128x128xf32, #tpu.memory_space<vmem>> -> memref<128x128xf32, #tpu.memory_space<vmem>>
        tpu.enqueue_dma source(%dma_start3A_487 : memref<128x128xf32, #tpu.memory_space<vmem>>) target(%dma_start3A_483 : memref<128x128xf32, #tpu.memory_space<vmem_shared>>) target_semaphore(%run_scoped3A_473 : memref<!tpu.dma_semaphore, #tpu.memory_space<semaphore_mem>>)
        %dma_wait3A_488 = arith.constant 0 : i32
        %dma_wait3A_489 = arith.constant 0 : i32
        %dma_wait3A_490 = tpu.memref_slice %arg6[%run_scoped3A_471, %dma_wait3A_488, %dma_wait3A_489] : memref<2x128x128xf32, #tpu.memory_space<vmem>> -> memref<1x128x128xf32, #tpu.memory_space<vmem>>
        %dma_wait3A_491 = tpu.memref_squeeze %dma_wait3A_490 : memref<1x128x128xf32, #tpu.memory_space<vmem>> -> memref<128x128xf32, #tpu.memory_space<vmem>>
        %dma_wait3A_492 = arith.constant 10000 : i32
        %dma_wait3A_493 = arith.constant 0 : i32
        %dma_wait3A_494 = tpu.memref_slice %arg7[%dma_wait3A_492, %dma_wait3A_493] : memref<10240x128xf32, #tpu.memory_space<vmem_shared>> -> memref<128x128xf32, #tpu.memory_space<vmem_shared>>
        %dma_wait3A_495 = arith.constant 10000 : i32
        %dma_wait3A_496 = arith.constant 0 : i32
        %dma_wait3A_497 = tpu.memref_slice %arg7[%dma_wait3A_495, %dma_wait3A_496] : memref<10240x128xf32, #tpu.memory_space<vmem_shared>> -> memref<128x128xf32, #tpu.memory_space<vmem_shared>>
        %dma_wait3A_498 = arith.constant 0 : i32
        %dma_wait3A_499 = arith.constant 0 : i32
        %dma_wait3A_500 = tpu.memref_slice %arg6[%run_scoped3A_471, %dma_wait3A_498, %dma_wait3A_499] : memref<2x128x128xf32, #tpu.memory_space<vmem>> -> memref<1x128x128xf32, #tpu.memory_space<vmem>>
        %dma_wait3A_501 = tpu.memref_squeeze %dma_wait3A_500 : memref<1x128x128xf32, #tpu.memory_space<vmem>> -> memref<128x128xf32, #tpu.memory_space<vmem>>
        tpu.wait_dma2 semaphore(%run_scoped3A_473 : memref<!tpu.dma_semaphore, #tpu.memory_space<semaphore_mem>>) src(%dma_wait3A_501 : memref<128x128xf32, #tpu.memory_space<vmem>>) dst(%dma_wait3A_497 : memref<128x128xf32, #tpu.memory_space<vmem_shared>>)
        tpu.yield
      }) : () -> ()
      %run_scoped3A_472 = arith.constant 0 : i32
      "tpu.region"() ({
        %run_scoped3A_473 = tpu.sem_alloc : memref<!tpu.dma_semaphore, #tpu.memory_space<semaphore_mem>>
        %dma_start3A_474 = arith.constant 0 : i32
        %dma_start3A_475 = arith.constant 0 : i32
        %dma_start3A_476 = tpu.memref_slice %arg6[%run_scoped3A_472, %dma_start3A_474, %dma_start3A_475] : memref<2x128x128xf32, #tpu.memory_space<vmem>> -> memref<1x112x128xf32, #tpu.memory_space<vmem>>
        %dma_start3A_477 = tpu.memref_squeeze %dma_start3A_476 : memref<1x112x128xf32, #tpu.memory_space<vmem>> -> memref<112x128xf32, #tpu.memory_space<vmem>>
        %dma_start3A_478 = arith.constant 10128 : i32
        %dma_start3A_479 = arith.constant 0 : i32
        %dma_start3A_480 = tpu.memref_slice %arg7[%dma_start3A_478, %dma_start3A_479] : memref<10240x128xf32, #tpu.memory_space<vmem_shared>> -> memref<112x128xf32, #tpu.memory_space<vmem_shared>>
        %dma_start3A_481 = arith.constant 10128 : i32
        %dma_start3A_482 = arith.constant 0 : i32
        %dma_start3A_483 = tpu.memref_slice %arg7[%dma_start3A_481, %dma_start3A_482] : memref<10240x128xf32, #tpu.memory_space<vmem_shared>> -> memref<112x128xf32, #tpu.memory_space<vmem_shared>>
        %dma_start3A_484 = arith.constant 0 : i32
        %dma_start3A_485 = arith.constant 0 : i32
        %dma_start3A_486 = tpu.memref_slice %arg6[%run_scoped3A_472, %dma_start3A_484, %dma_start3A_485] : memref<2x128x128xf32, #tpu.memory_space<vmem>> -> memref<1x112x128xf32, #tpu.memory_space<vmem>>
        %dma_start3A_487 = tpu.memref_squeeze %dma_start3A_486 : memref<1x112x128xf32, #tpu.memory_space<vmem>> -> memref<112x128xf32, #tpu.memory_space<vmem>>
        tpu.enqueue_dma source(%dma_start3A_487 : memref<112x128xf32, #tpu.memory_space<vmem>>) target(%dma_start3A_483 : memref<112x128xf32, #tpu.memory_space<vmem_shared>>) target_semaphore(%run_scoped3A_473 : memref<!tpu.dma_semaphore, #tpu.memory_space<semaphore_mem>>)
        %dma_wait3A_488 = arith.constant 0 : i32
        %dma_wait3A_489 = arith.constant 0 : i32
        %dma_wait3A_490 = tpu.memref_slice %arg6[%run_scoped3A_472, %dma_wait3A_488, %dma_wait3A_489] : memref<2x128x128xf32, #tpu.memory_space<vmem>> -> memref<1x112x128xf32, #tpu.memory_space<vmem>>
        %dma_wait3A_491 = tpu.memref_squeeze %dma_wait3A_490 : memref<1x112x128xf32, #tpu.memory_space<vmem>> -> memref<112x128xf32, #tpu.memory_space<vmem>>
        %dma_wait3A_492 = arith.constant 10128 : i32
        %dma_wait3A_493 = arith.constant 0 : i32
        %dma_wait3A_494 = tpu.memref_slice %arg7[%dma_wait3A_492, %dma_wait3A_493] : memref<10240x128xf32, #tpu.memory_space<vmem_shared>> -> memref<112x128xf32, #tpu.memory_space<vmem_shared>>
        %dma_wait3A_495 = arith.constant 10128 : i32
        %dma_wait3A_496 = arith.constant 0 : i32
        %dma_wait3A_497 = tpu.memref_slice %arg7[%dma_wait3A_495, %dma_wait3A_496] : memref<10240x128xf32, #tpu.memory_space<vmem_shared>> -> memref<112x128xf32, #tpu.memory_space<vmem_shared>>
        %dma_wait3A_498 = arith.constant 0 : i32
        %dma_wait3A_499 = arith.constant 0 : i32
        %dma_wait3A_500 = tpu.memref_slice %arg6[%run_scoped3A_472, %dma_wait3A_498, %dma_wait3A_499] : memref<2x128x128xf32, #tpu.memory_space<vmem>> -> memref<1x112x128xf32, #tpu.memory_space<vmem>>
        %dma_wait3A_501 = tpu.memref_squeeze %dma_wait3A_500 : memref<1x112x128xf32, #tpu.memory_space<vmem>> -> memref<112x128xf32, #tpu.memory_space<vmem>>
        tpu.wait_dma2 semaphore(%run_scoped3A_473 : memref<!tpu.dma_semaphore, #tpu.memory_space<semaphore_mem>>) src(%dma_wait3A_501 : memref<112x128xf32, #tpu.memory_space<vmem>>) dst(%dma_wait3A_497 : memref<112x128xf32, #tpu.memory_space<vmem_shared>>)
        tpu.yield
      }) : () -> ()
    } else {
    }
    %not3A_35 = arith.constant true
    %not3A_36 = arith.xori %and3A, %not3A_35 : i1
    %convert_element_type3A_37 = arith.extui %not3A_36 : i1 to i32
    %cond3A_38 = arith.constant 0 : i32
    %cond3A_39 = arith.cmpi ne, %convert_element_type3A_37, %cond3A_38 : i32
    scf.if %cond3A_39 {
      %mul3A_471 = arith.constant 640 : i32
      %mul3A_472 = arith.muli %arg1, %mul3A_471 : i32
      %add3A_473 = arith.constant 0 : i32
      %add3A_474 = arith.addi %mul3A_472, %add3A_473 : i32
      %run_scoped3A_475 = arith.constant 0 : i32
      "tpu.region"() ({
        %run_scoped3A_496 = tpu.sem_alloc : memref<!tpu.dma_semaphore, #tpu.memory_space<semaphore_mem>>
        %dma_start3A_497 = arith.constant 0 : i32
        %dma_start3A_498 = arith.constant 0 : i32
        %dma_start3A_499 = tpu.memref_slice %arg6[%run_scoped3A_475, %dma_start3A_497, %dma_start3A_498] : memref<2x128x128xf32, #tpu.memory_space<vmem>> -> memref<1x128x128xf32, #tpu.memory_space<vmem>>
        %dma_start3A_500 = tpu.memref_squeeze %dma_start3A_499 : memref<1x128x128xf32, #tpu.memory_space<vmem>> -> memref<128x128xf32, #tpu.memory_space<vmem>>
        %dma_start3A_501 = arith.constant 0 : i32
        %dma_start3A_502 = tpu.memref_slice %arg7[%add3A_474, %dma_start3A_501] : memref<10240x128xf32, #tpu.memory_space<vmem_shared>> -> memref<128x128xf32, #tpu.memory_space<vmem_shared>>
        %dma_start3A_503 = arith.constant 0 : i32
        %dma_start3A_504 = tpu.memref_slice %arg7[%add3A_474, %dma_start3A_503] : memref<10240x128xf32, #tpu.memory_space<vmem_shared>> -> memref<128x128xf32, #tpu.memory_space<vmem_shared>>
        %dma_start3A_505 = arith.constant 0 : i32
        %dma_start3A_506 = arith.constant 0 : i32
        %dma_start3A_507 = tpu.memref_slice %arg6[%run_scoped3A_475, %dma_start3A_505, %dma_start3A_506] : memref<2x128x128xf32, #tpu.memory_space<vmem>> -> memref<1x128x128xf32, #tpu.memory_space<vmem>>
        %dma_start3A_508 = tpu.memref_squeeze %dma_start3A_507 : memref<1x128x128xf32, #tpu.memory_space<vmem>> -> memref<128x128xf32, #tpu.memory_space<vmem>>
        tpu.enqueue_dma source(%dma_start3A_508 : memref<128x128xf32, #tpu.memory_space<vmem>>) target(%dma_start3A_504 : memref<128x128xf32, #tpu.memory_space<vmem_shared>>) target_semaphore(%run_scoped3A_496 : memref<!tpu.dma_semaphore, #tpu.memory_space<semaphore_mem>>)
        %dma_wait3A_509 = arith.constant 0 : i32
        %dma_wait3A_510 = arith.constant 0 : i32
        %dma_wait3A_511 = tpu.memref_slice %arg6[%run_scoped3A_475, %dma_wait3A_509, %dma_wait3A_510] : memref<2x128x128xf32, #tpu.memory_space<vmem>> -> memref<1x128x128xf32, #tpu.memory_space<vmem>>
        %dma_wait3A_512 = tpu.memref_squeeze %dma_wait3A_511 : memref<1x128x128xf32, #tpu.memory_space<vmem>> -> memref<128x128xf32, #tpu.memory_space<vmem>>
        %dma_wait3A_513 = arith.constant 0 : i32
        %dma_wait3A_514 = tpu.memref_slice %arg7[%add3A_474, %dma_wait3A_513] : memref<10240x128xf32, #tpu.memory_space<vmem_shared>> -> memref<128x128xf32, #tpu.memory_space<vmem_shared>>
        %dma_wait3A_515 = arith.constant 0 : i32
        %dma_wait3A_516 = tpu.memref_slice %arg7[%add3A_474, %dma_wait3A_515] : memref<10240x128xf32, #tpu.memory_space<vmem_shared>> -> memref<128x128xf32, #tpu.memory_space<vmem_shared>>
        %dma_wait3A_517 = arith.constant 0 : i32
        %dma_wait3A_518 = arith.constant 0 : i32
        %dma_wait3A_519 = tpu.memref_slice %arg6[%run_scoped3A_475, %dma_wait3A_517, %dma_wait3A_518] : memref<2x128x128xf32, #tpu.memory_space<vmem>> -> memref<1x128x128xf32, #tpu.memory_space<vmem>>
        %dma_wait3A_520 = tpu.memref_squeeze %dma_wait3A_519 : memref<1x128x128xf32, #tpu.memory_space<vmem>> -> memref<128x128xf32, #tpu.memory_space<vmem>>
        tpu.wait_dma2 semaphore(%run_scoped3A_496 : memref<!tpu.dma_semaphore, #tpu.memory_space<semaphore_mem>>) src(%dma_wait3A_520 : memref<128x128xf32, #tpu.memory_space<vmem>>) dst(%dma_wait3A_516 : memref<128x128xf32, #tpu.memory_space<vmem_shared>>)
        tpu.yield
      }) : () -> ()
      %mul3A_476 = arith.constant 640 : i32
      %mul3A_477 = arith.muli %arg1, %mul3A_476 : i32
      %add3A_478 = arith.constant 128 : i32
      %add3A_479 = arith.addi %mul3A_477, %add3A_478 : i32
      %run_scoped3A_480 = arith.constant 0 : i32
      "tpu.region"() ({
        %run_scoped3A_496 = tpu.sem_alloc : memref<!tpu.dma_semaphore, #tpu.memory_space<semaphore_mem>>
        %dma_start3A_497 = arith.constant 0 : i32
        %dma_start3A_498 = arith.constant 0 : i32
        %dma_start3A_499 = tpu.memref_slice %arg6[%run_scoped3A_480, %dma_start3A_497, %dma_start3A_498] : memref<2x128x128xf32, #tpu.memory_space<vmem>> -> memref<1x128x128xf32, #tpu.memory_space<vmem>>
        %dma_start3A_500 = tpu.memref_squeeze %dma_start3A_499 : memref<1x128x128xf32, #tpu.memory_space<vmem>> -> memref<128x128xf32, #tpu.memory_space<vmem>>
        %dma_start3A_501 = arith.constant 0 : i32
        %dma_start3A_502 = tpu.memref_slice %arg7[%add3A_479, %dma_start3A_501] : memref<10240x128xf32, #tpu.memory_space<vmem_shared>> -> memref<128x128xf32, #tpu.memory_space<vmem_shared>>
        %dma_start3A_503 = arith.constant 0 : i32
        %dma_start3A_504 = tpu.memref_slice %arg7[%add3A_479, %dma_start3A_503] : memref<10240x128xf32, #tpu.memory_space<vmem_shared>> -> memref<128x128xf32, #tpu.memory_space<vmem_shared>>
        %dma_start3A_505 = arith.constant 0 : i32
        %dma_start3A_506 = arith.constant 0 : i32
        %dma_start3A_507 = tpu.memref_slice %arg6[%run_scoped3A_480, %dma_start3A_505, %dma_start3A_506] : memref<2x128x128xf32, #tpu.memory_space<vmem>> -> memref<1x128x128xf32, #tpu.memory_space<vmem>>
        %dma_start3A_508 = tpu.memref_squeeze %dma_start3A_507 : memref<1x128x128xf32, #tpu.memory_space<vmem>> -> memref<128x128xf32, #tpu.memory_space<vmem>>
        tpu.enqueue_dma source(%dma_start3A_508 : memref<128x128xf32, #tpu.memory_space<vmem>>) target(%dma_start3A_504 : memref<128x128xf32, #tpu.memory_space<vmem_shared>>) target_semaphore(%run_scoped3A_496 : memref<!tpu.dma_semaphore, #tpu.memory_space<semaphore_mem>>)
        %dma_wait3A_509 = arith.constant 0 : i32
        %dma_wait3A_510 = arith.constant 0 : i32
        %dma_wait3A_511 = tpu.memref_slice %arg6[%run_scoped3A_480, %dma_wait3A_509, %dma_wait3A_510] : memref<2x128x128xf32, #tpu.memory_space<vmem>> -> memref<1x128x128xf32, #tpu.memory_space<vmem>>
        %dma_wait3A_512 = tpu.memref_squeeze %dma_wait3A_511 : memref<1x128x128xf32, #tpu.memory_space<vmem>> -> memref<128x128xf32, #tpu.memory_space<vmem>>
        %dma_wait3A_513 = arith.constant 0 : i32
        %dma_wait3A_514 = tpu.memref_slice %arg7[%add3A_479, %dma_wait3A_513] : memref<10240x128xf32, #tpu.memory_space<vmem_shared>> -> memref<128x128xf32, #tpu.memory_space<vmem_shared>>
        %dma_wait3A_515 = arith.constant 0 : i32
        %dma_wait3A_516 = tpu.memref_slice %arg7[%add3A_479, %dma_wait3A_515] : memref<10240x128xf32, #tpu.memory_space<vmem_shared>> -> memref<128x128xf32, #tpu.memory_space<vmem_shared>>
        %dma_wait3A_517 = arith.constant 0 : i32
        %dma_wait3A_518 = arith.constant 0 : i32
        %dma_wait3A_519 = tpu.memref_slice %arg6[%run_scoped3A_480, %dma_wait3A_517, %dma_wait3A_518] : memref<2x128x128xf32, #tpu.memory_space<vmem>> -> memref<1x128x128xf32, #tpu.memory_space<vmem>>
        %dma_wait3A_520 = tpu.memref_squeeze %dma_wait3A_519 : memref<1x128x128xf32, #tpu.memory_space<vmem>> -> memref<128x128xf32, #tpu.memory_space<vmem>>
        tpu.wait_dma2 semaphore(%run_scoped3A_496 : memref<!tpu.dma_semaphore, #tpu.memory_space<semaphore_mem>>) src(%dma_wait3A_520 : memref<128x128xf32, #tpu.memory_space<vmem>>) dst(%dma_wait3A_516 : memref<128x128xf32, #tpu.memory_space<vmem_shared>>)
        tpu.yield
      }) : () -> ()
      %mul3A_481 = arith.constant 640 : i32
      %mul3A_482 = arith.muli %arg1, %mul3A_481 : i32
      %add3A_483 = arith.constant 256 : i32
      %add3A_484 = arith.addi %mul3A_482, %add3A_483 : i32
      %run_scoped3A_485 = arith.constant 0 : i32
      "tpu.region"() ({
        %run_scoped3A_496 = tpu.sem_alloc : memref<!tpu.dma_semaphore, #tpu.memory_space<semaphore_mem>>
        %dma_start3A_497 = arith.constant 0 : i32
        %dma_start3A_498 = arith.constant 0 : i32
        %dma_start3A_499 = tpu.memref_slice %arg6[%run_scoped3A_485, %dma_start3A_497, %dma_start3A_498] : memref<2x128x128xf32, #tpu.memory_space<vmem>> -> memref<1x128x128xf32, #tpu.memory_space<vmem>>
        %dma_start3A_500 = tpu.memref_squeeze %dma_start3A_499 : memref<1x128x128xf32, #tpu.memory_space<vmem>> -> memref<128x128xf32, #tpu.memory_space<vmem>>
        %dma_start3A_501 = arith.constant 0 : i32
        %dma_start3A_502 = tpu.memref_slice %arg7[%add3A_484, %dma_start3A_501] : memref<10240x128xf32, #tpu.memory_space<vmem_shared>> -> memref<128x128xf32, #tpu.memory_space<vmem_shared>>
        %dma_start3A_503 = arith.constant 0 : i32
        %dma_start3A_504 = tpu.memref_slice %arg7[%add3A_484, %dma_start3A_503] : memref<10240x128xf32, #tpu.memory_space<vmem_shared>> -> memref<128x128xf32, #tpu.memory_space<vmem_shared>>
        %dma_start3A_505 = arith.constant 0 : i32
        %dma_start3A_506 = arith.constant 0 : i32
        %dma_start3A_507 = tpu.memref_slice %arg6[%run_scoped3A_485, %dma_start3A_505, %dma_start3A_506] : memref<2x128x128xf32, #tpu.memory_space<vmem>> -> memref<1x128x128xf32, #tpu.memory_space<vmem>>
        %dma_start3A_508 = tpu.memref_squeeze %dma_start3A_507 : memref<1x128x128xf32, #tpu.memory_space<vmem>> -> memref<128x128xf32, #tpu.memory_space<vmem>>
        tpu.enqueue_dma source(%dma_start3A_508 : memref<128x128xf32, #tpu.memory_space<vmem>>) target(%dma_start3A_504 : memref<128x128xf32, #tpu.memory_space<vmem_shared>>) target_semaphore(%run_scoped3A_496 : memref<!tpu.dma_semaphore, #tpu.memory_space<semaphore_mem>>)
        %dma_wait3A_509 = arith.constant 0 : i32
        %dma_wait3A_510 = arith.constant 0 : i32
        %dma_wait3A_511 = tpu.memref_slice %arg6[%run_scoped3A_485, %dma_wait3A_509, %dma_wait3A_510] : memref<2x128x128xf32, #tpu.memory_space<vmem>> -> memref<1x128x128xf32, #tpu.memory_space<vmem>>
        %dma_wait3A_512 = tpu.memref_squeeze %dma_wait3A_511 : memref<1x128x128xf32, #tpu.memory_space<vmem>> -> memref<128x128xf32, #tpu.memory_space<vmem>>
        %dma_wait3A_513 = arith.constant 0 : i32
        %dma_wait3A_514 = tpu.memref_slice %arg7[%add3A_484, %dma_wait3A_513] : memref<10240x128xf32, #tpu.memory_space<vmem_shared>> -> memref<128x128xf32, #tpu.memory_space<vmem_shared>>
        %dma_wait3A_515 = arith.constant 0 : i32
        %dma_wait3A_516 = tpu.memref_slice %arg7[%add3A_484, %dma_wait3A_515] : memref<10240x128xf32, #tpu.memory_space<vmem_shared>> -> memref<128x128xf32, #tpu.memory_space<vmem_shared>>
        %dma_wait3A_517 = arith.constant 0 : i32
        %dma_wait3A_518 = arith.constant 0 : i32
        %dma_wait3A_519 = tpu.memref_slice %arg6[%run_scoped3A_485, %dma_wait3A_517, %dma_wait3A_518] : memref<2x128x128xf32, #tpu.memory_space<vmem>> -> memref<1x128x128xf32, #tpu.memory_space<vmem>>
        %dma_wait3A_520 = tpu.memref_squeeze %dma_wait3A_519 : memref<1x128x128xf32, #tpu.memory_space<vmem>> -> memref<128x128xf32, #tpu.memory_space<vmem>>
        tpu.wait_dma2 semaphore(%run_scoped3A_496 : memref<!tpu.dma_semaphore, #tpu.memory_space<semaphore_mem>>) src(%dma_wait3A_520 : memref<128x128xf32, #tpu.memory_space<vmem>>) dst(%dma_wait3A_516 : memref<128x128xf32, #tpu.memory_space<vmem_shared>>)
        tpu.yield
      }) : () -> ()
      %mul3A_486 = arith.constant 640 : i32
      %mul3A_487 = arith.muli %arg1, %mul3A_486 : i32
      %add3A_488 = arith.constant 384 : i32
      %add3A_489 = arith.addi %mul3A_487, %add3A_488 : i32
      %run_scoped3A_490 = arith.constant 0 : i32
      "tpu.region"() ({
        %run_scoped3A_496 = tpu.sem_alloc : memref<!tpu.dma_semaphore, #tpu.memory_space<semaphore_mem>>
        %dma_start3A_497 = arith.constant 0 : i32
        %dma_start3A_498 = arith.constant 0 : i32
        %dma_start3A_499 = tpu.memref_slice %arg6[%run_scoped3A_490, %dma_start3A_497, %dma_start3A_498] : memref<2x128x128xf32, #tpu.memory_space<vmem>> -> memref<1x128x128xf32, #tpu.memory_space<vmem>>
        %dma_start3A_500 = tpu.memref_squeeze %dma_start3A_499 : memref<1x128x128xf32, #tpu.memory_space<vmem>> -> memref<128x128xf32, #tpu.memory_space<vmem>>
        %dma_start3A_501 = arith.constant 0 : i32
        %dma_start3A_502 = tpu.memref_slice %arg7[%add3A_489, %dma_start3A_501] : memref<10240x128xf32, #tpu.memory_space<vmem_shared>> -> memref<128x128xf32, #tpu.memory_space<vmem_shared>>
        %dma_start3A_503 = arith.constant 0 : i32
        %dma_start3A_504 = tpu.memref_slice %arg7[%add3A_489, %dma_start3A_503] : memref<10240x128xf32, #tpu.memory_space<vmem_shared>> -> memref<128x128xf32, #tpu.memory_space<vmem_shared>>
        %dma_start3A_505 = arith.constant 0 : i32
        %dma_start3A_506 = arith.constant 0 : i32
        %dma_start3A_507 = tpu.memref_slice %arg6[%run_scoped3A_490, %dma_start3A_505, %dma_start3A_506] : memref<2x128x128xf32, #tpu.memory_space<vmem>> -> memref<1x128x128xf32, #tpu.memory_space<vmem>>
        %dma_start3A_508 = tpu.memref_squeeze %dma_start3A_507 : memref<1x128x128xf32, #tpu.memory_space<vmem>> -> memref<128x128xf32, #tpu.memory_space<vmem>>
        tpu.enqueue_dma source(%dma_start3A_508 : memref<128x128xf32, #tpu.memory_space<vmem>>) target(%dma_start3A_504 : memref<128x128xf32, #tpu.memory_space<vmem_shared>>) target_semaphore(%run_scoped3A_496 : memref<!tpu.dma_semaphore, #tpu.memory_space<semaphore_mem>>)
        %dma_wait3A_509 = arith.constant 0 : i32
        %dma_wait3A_510 = arith.constant 0 : i32
        %dma_wait3A_511 = tpu.memref_slice %arg6[%run_scoped3A_490, %dma_wait3A_509, %dma_wait3A_510] : memref<2x128x128xf32, #tpu.memory_space<vmem>> -> memref<1x128x128xf32, #tpu.memory_space<vmem>>
        %dma_wait3A_512 = tpu.memref_squeeze %dma_wait3A_511 : memref<1x128x128xf32, #tpu.memory_space<vmem>> -> memref<128x128xf32, #tpu.memory_space<vmem>>
        %dma_wait3A_513 = arith.constant 0 : i32
        %dma_wait3A_514 = tpu.memref_slice %arg7[%add3A_489, %dma_wait3A_513] : memref<10240x128xf32, #tpu.memory_space<vmem_shared>> -> memref<128x128xf32, #tpu.memory_space<vmem_shared>>
        %dma_wait3A_515 = arith.constant 0 : i32
        %dma_wait3A_516 = tpu.memref_slice %arg7[%add3A_489, %dma_wait3A_515] : memref<10240x128xf32, #tpu.memory_space<vmem_shared>> -> memref<128x128xf32, #tpu.memory_space<vmem_shared>>
        %dma_wait3A_517 = arith.constant 0 : i32
        %dma_wait3A_518 = arith.constant 0 : i32
        %dma_wait3A_519 = tpu.memref_slice %arg6[%run_scoped3A_490, %dma_wait3A_517, %dma_wait3A_518] : memref<2x128x128xf32, #tpu.memory_space<vmem>> -> memref<1x128x128xf32, #tpu.memory_space<vmem>>
        %dma_wait3A_520 = tpu.memref_squeeze %dma_wait3A_519 : memref<1x128x128xf32, #tpu.memory_space<vmem>> -> memref<128x128xf32, #tpu.memory_space<vmem>>
        tpu.wait_dma2 semaphore(%run_scoped3A_496 : memref<!tpu.dma_semaphore, #tpu.memory_space<semaphore_mem>>) src(%dma_wait3A_520 : memref<128x128xf32, #tpu.memory_space<vmem>>) dst(%dma_wait3A_516 : memref<128x128xf32, #tpu.memory_space<vmem_shared>>)
        tpu.yield
      }) : () -> ()
      %mul3A_491 = arith.constant 640 : i32
      %mul3A_492 = arith.muli %arg1, %mul3A_491 : i32
      %add3A_493 = arith.constant 512 : i32
      %add3A_494 = arith.addi %mul3A_492, %add3A_493 : i32
      %run_scoped3A_495 = arith.constant 0 : i32
      "tpu.region"() ({
        %run_scoped3A_496 = tpu.sem_alloc : memref<!tpu.dma_semaphore, #tpu.memory_space<semaphore_mem>>
        %dma_start3A_497 = arith.constant 0 : i32
        %dma_start3A_498 = arith.constant 0 : i32
        %dma_start3A_499 = tpu.memref_slice %arg6[%run_scoped3A_495, %dma_start3A_497, %dma_start3A_498] : memref<2x128x128xf32, #tpu.memory_space<vmem>> -> memref<1x128x128xf32, #tpu.memory_space<vmem>>
        %dma_start3A_500 = tpu.memref_squeeze %dma_start3A_499 : memref<1x128x128xf32, #tpu.memory_space<vmem>> -> memref<128x128xf32, #tpu.memory_space<vmem>>
        %dma_start3A_501 = arith.constant 0 : i32
        %dma_start3A_502 = tpu.memref_slice %arg7[%add3A_494, %dma_start3A_501] : memref<10240x128xf32, #tpu.memory_space<vmem_shared>> -> memref<128x128xf32, #tpu.memory_space<vmem_shared>>
        %dma_start3A_503 = arith.constant 0 : i32
        %dma_start3A_504 = tpu.memref_slice %arg7[%add3A_494, %dma_start3A_503] : memref<10240x128xf32, #tpu.memory_space<vmem_shared>> -> memref<128x128xf32, #tpu.memory_space<vmem_shared>>
        %dma_start3A_505 = arith.constant 0 : i32
        %dma_start3A_506 = arith.constant 0 : i32
        %dma_start3A_507 = tpu.memref_slice %arg6[%run_scoped3A_495, %dma_start3A_505, %dma_start3A_506] : memref<2x128x128xf32, #tpu.memory_space<vmem>> -> memref<1x128x128xf32, #tpu.memory_space<vmem>>
        %dma_start3A_508 = tpu.memref_squeeze %dma_start3A_507 : memref<1x128x128xf32, #tpu.memory_space<vmem>> -> memref<128x128xf32, #tpu.memory_space<vmem>>
        tpu.enqueue_dma source(%dma_start3A_508 : memref<128x128xf32, #tpu.memory_space<vmem>>) target(%dma_start3A_504 : memref<128x128xf32, #tpu.memory_space<vmem_shared>>) target_semaphore(%run_scoped3A_496 : memref<!tpu.dma_semaphore, #tpu.memory_space<semaphore_mem>>)
        %dma_wait3A_509 = arith.constant 0 : i32
        %dma_wait3A_510 = arith.constant 0 : i32
        %dma_wait3A_511 = tpu.memref_slice %arg6[%run_scoped3A_495, %dma_wait3A_509, %dma_wait3A_510] : memref<2x128x128xf32, #tpu.memory_space<vmem>> -> memref<1x128x128xf32, #tpu.memory_space<vmem>>
        %dma_wait3A_512 = tpu.memref_squeeze %dma_wait3A_511 : memref<1x128x128xf32, #tpu.memory_space<vmem>> -> memref<128x128xf32, #tpu.memory_space<vmem>>
        %dma_wait3A_513 = arith.constant 0 : i32
        %dma_wait3A_514 = tpu.memref_slice %arg7[%add3A_494, %dma_wait3A_513] : memref<10240x128xf32, #tpu.memory_space<vmem_shared>> -> memref<128x128xf32, #tpu.memory_space<vmem_shared>>
        %dma_wait3A_515 = arith.constant 0 : i32
        %dma_wait3A_516 = tpu.memref_slice %arg7[%add3A_494, %dma_wait3A_515] : memref<10240x128xf32, #tpu.memory_space<vmem_shared>> -> memref<128x128xf32, #tpu.memory_space<vmem_shared>>
        %dma_wait3A_517 = arith.constant 0 : i32
        %dma_wait3A_518 = arith.constant 0 : i32
        %dma_wait3A_519 = tpu.memref_slice %arg6[%run_scoped3A_495, %dma_wait3A_517, %dma_wait3A_518] : memref<2x128x128xf32, #tpu.memory_space<vmem>> -> memref<1x128x128xf32, #tpu.memory_space<vmem>>
        %dma_wait3A_520 = tpu.memref_squeeze %dma_wait3A_519 : memref<1x128x128xf32, #tpu.memory_space<vmem>> -> memref<128x128xf32, #tpu.memory_space<vmem>>
        tpu.wait_dma2 semaphore(%run_scoped3A_496 : memref<!tpu.dma_semaphore, #tpu.memory_space<semaphore_mem>>) src(%dma_wait3A_520 : memref<128x128xf32, #tpu.memory_space<vmem>>) dst(%dma_wait3A_516 : memref<128x128xf32, #tpu.memory_space<vmem_shared>>)
        tpu.yield
      }) : () -> ()
    } else {
    }
    %barrier3A = arith.constant 0 : index
    tpu.barrier barrier_id(%barrier3A)
    %add3A_40 = arith.constant 0 : i32
    %add3A_41 = arith.addi %mul3A_2, %add3A_40 : i32
    %dma_wait3A = arith.constant 0 : i32
    %dma_wait3A_42 = arith.constant 0 : i32
    %dma_wait3A_43 = arith.constant 0 : i32
    %dma_wait3A_44 = tpu.memref_slice %arg5[%dma_wait3A, %dma_wait3A_42, %dma_wait3A_43] : memref<2x2x3328xi32, #tpu.memory_space<vmem>> -> memref<1x2x3328xi32, #tpu.memory_space<vmem>>
    %dma_wait3A_45 = tpu.memref_squeeze %dma_wait3A_44 : memref<1x2x3328xi32, #tpu.memory_space<vmem>> -> memref<2x3328xi32, #tpu.memory_space<vmem>>
    %dma_wait3A_46 = arith.constant 0 : i32
    %dma_wait3A_47 = tpu.memref_slice %arg3[%dma_wait3A_46, %add3A_41] : memref<2x320000xi32, #tpu.memory_space<hbm>> -> memref<2x3328xi32, #tpu.memory_space<hbm>>
    %dma_wait3A_48 = arith.constant 0 : i32
    %dma_wait3A_49 = arith.constant 0 : i32
    %dma_wait3A_50 = tpu.memref_slice %arg5[%dma_wait3A, %dma_wait3A_48, %dma_wait3A_49] : memref<2x2x3328xi32, #tpu.memory_space<vmem>> -> memref<1x2x3328xi32, #tpu.memory_space<vmem>>
    %dma_wait3A_51 = tpu.memref_squeeze %dma_wait3A_50 : memref<1x2x3328xi32, #tpu.memory_space<vmem>> -> memref<2x3328xi32, #tpu.memory_space<vmem>>
    %dma_wait3A_52 = arith.constant 0 : i32
    %dma_wait3A_53 = tpu.memref_slice %arg3[%dma_wait3A_52, %add3A_41] : memref<2x320000xi32, #tpu.memory_space<hbm>> -> memref<2x3328xi32, #tpu.memory_space<hbm>>
    tpu.wait_dma2 semaphore(%arg10 : memref<!tpu.dma_semaphore, #tpu.memory_space<semaphore_mem>>) src(%dma_wait3A_53 : memref<2x3328xi32, #tpu.memory_space<hbm>>) dst(%dma_wait3A_51 : memref<2x3328xi32, #tpu.memory_space<vmem>>)
    %add3A_54 = arith.constant 3328 : i32
    %add3A_55 = arith.addi %mul3A_2, %add3A_54 : i32
    %dma_start3A_56 = arith.constant 1 : i32
    %dma_start3A_57 = arith.constant 0 : i32
    %dma_start3A_58 = arith.constant 0 : i32
    %dma_start3A_59 = tpu.memref_slice %arg5[%dma_start3A_56, %dma_start3A_57, %dma_start3A_58] : memref<2x2x3328xi32, #tpu.memory_space<vmem>> -> memref<1x2x3328xi32, #tpu.memory_space<vmem>>
    %dma_start3A_60 = tpu.memref_squeeze %dma_start3A_59 : memref<1x2x3328xi32, #tpu.memory_space<vmem>> -> memref<2x3328xi32, #tpu.memory_space<vmem>>
    %dma_start3A_61 = arith.constant 0 : i32
    %dma_start3A_62 = tpu.memref_slice %arg3[%dma_start3A_61, %add3A_55] : memref<2x320000xi32, #tpu.memory_space<hbm>> -> memref<2x3328xi32, #tpu.memory_space<hbm>>
    %dma_start3A_63 = arith.constant 0 : i32
    %dma_start3A_64 = arith.constant 0 : i32
    %dma_start3A_65 = tpu.memref_slice %arg5[%dma_start3A_56, %dma_start3A_63, %dma_start3A_64] : memref<2x2x3328xi32, #tpu.memory_space<vmem>> -> memref<1x2x3328xi32, #tpu.memory_space<vmem>>
    %dma_start3A_66 = tpu.memref_squeeze %dma_start3A_65 : memref<1x2x3328xi32, #tpu.memory_space<vmem>> -> memref<2x3328xi32, #tpu.memory_space<vmem>>
    %dma_start3A_67 = arith.constant 0 : i32
    %dma_start3A_68 = tpu.memref_slice %arg3[%dma_start3A_67, %add3A_55] : memref<2x320000xi32, #tpu.memory_space<hbm>> -> memref<2x3328xi32, #tpu.memory_space<hbm>>
    tpu.enqueue_dma source(%dma_start3A_68 : memref<2x3328xi32, #tpu.memory_space<hbm>>) target(%dma_start3A_66 : memref<2x3328xi32, #tpu.memory_space<vmem>>) target_semaphore(%arg11 : memref<!tpu.dma_semaphore, #tpu.memory_space<semaphore_mem>>)
    %dma_start3A_69 = arith.constant 0 : i32
    %dma_start3A_70 = arith.constant 0 : i32
    %dma_start3A_71 = arith.constant 0 : i32
    %dma_start3A_72 = arith.constant 0 : i32
    %dma_start3A_73 = arith.constant 0 : i32
    %dma_start3A_74 = tpu.memref_slice %arg6[%dma_start3A_71, %dma_start3A_72, %dma_start3A_73] : memref<2x128x128xf32, #tpu.memory_space<vmem>> -> memref<1x64x128xf32, #tpu.memory_space<vmem>>
    %dma_start3A_75 = tpu.memref_squeeze %dma_start3A_74 : memref<1x64x128xf32, #tpu.memory_space<vmem>> -> memref<64x128xf32, #tpu.memory_space<vmem>>
    %dma_start3A_76 = arith.constant 0 : i32
    %dma_start3A_77 = tpu.memref_slice %arg5[%dma_start3A_69, %dma_start3A_70, %dma_start3A_76] : memref<2x2x3328xi32, #tpu.memory_space<vmem>> -> memref<1x1x64xi32, #tpu.memory_space<vmem>>
    %dma_start3A_78 = tpu.memref_squeeze %dma_start3A_77 : memref<1x1x64xi32, #tpu.memory_space<vmem>> -> memref<64xi32, #tpu.memory_space<vmem>>
    %dma_start3A_79 = arith.constant 0 : i32
    %dma_start3A_80 = arith.constant 0 : i32
    %dma_start3A_81 = tpu.memref_slice %arg2[%dma_start3A_79, %dma_start3A_80] : memref<10000x128xf32, #tpu.memory_space<hbm>> -> memref<10000x128xf32, #tpu.memory_space<hbm>>
    tpu.enqueue_indirect_dma source(%dma_start3A_81 : memref<10000x128xf32, #tpu.memory_space<hbm>>) target(%dma_start3A_75 : memref<64x128xf32, #tpu.memory_space<vmem>>) offsets(%dma_start3A_78 : memref<64xi32, #tpu.memory_space<vmem>>) semaphore(%arg8 : memref<!tpu.dma_semaphore, #tpu.memory_space<semaphore_mem>>)
    %dma_start3A_82 = arith.constant 0 : i32
    %dma_start3A_83 = arith.constant 0 : i32
    %dma_start3A_84 = arith.constant 0 : i32
    %dma_start3A_85 = arith.constant 64 : i32
    %dma_start3A_86 = arith.constant 0 : i32
    %dma_start3A_87 = tpu.memref_slice %arg6[%dma_start3A_84, %dma_start3A_85, %dma_start3A_86] : memref<2x128x128xf32, #tpu.memory_space<vmem>> -> memref<1x64x128xf32, #tpu.memory_space<vmem>>
    %dma_start3A_88 = tpu.memref_squeeze %dma_start3A_87 : memref<1x64x128xf32, #tpu.memory_space<vmem>> -> memref<64x128xf32, #tpu.memory_space<vmem>>
    %dma_start3A_89 = arith.constant 64 : i32
    %dma_start3A_90 = tpu.memref_slice %arg5[%dma_start3A_82, %dma_start3A_83, %dma_start3A_89] : memref<2x2x3328xi32, #tpu.memory_space<vmem>> -> memref<1x1x64xi32, #tpu.memory_space<vmem>>
    %dma_start3A_91 = tpu.memref_squeeze %dma_start3A_90 : memref<1x1x64xi32, #tpu.memory_space<vmem>> -> memref<64xi32, #tpu.memory_space<vmem>>
    %dma_start3A_92 = arith.constant 0 : i32
    %dma_start3A_93 = arith.constant 0 : i32
    %dma_start3A_94 = tpu.memref_slice %arg2[%dma_start3A_92, %dma_start3A_93] : memref<10000x128xf32, #tpu.memory_space<hbm>> -> memref<10000x128xf32, #tpu.memory_space<hbm>>
    tpu.enqueue_indirect_dma source(%dma_start3A_94 : memref<10000x128xf32, #tpu.memory_space<hbm>>) target(%dma_start3A_88 : memref<64x128xf32, #tpu.memory_space<vmem>>) offsets(%dma_start3A_91 : memref<64xi32, #tpu.memory_space<vmem>>) semaphore(%arg8 : memref<!tpu.dma_semaphore, #tpu.memory_space<semaphore_mem>>)
    %dma_start3A_95 = arith.constant 0 : i32
    %dma_start3A_96 = arith.constant 0 : i32
    %dma_start3A_97 = arith.constant 1 : i32
    %dma_start3A_98 = arith.constant 0 : i32
    %dma_start3A_99 = arith.constant 0 : i32
    %dma_start3A_100 = tpu.memref_slice %arg6[%dma_start3A_97, %dma_start3A_98, %dma_start3A_99] : memref<2x128x128xf32, #tpu.memory_space<vmem>> -> memref<1x64x128xf32, #tpu.memory_space<vmem>>
    %dma_start3A_101 = tpu.memref_squeeze %dma_start3A_100 : memref<1x64x128xf32, #tpu.memory_space<vmem>> -> memref<64x128xf32, #tpu.memory_space<vmem>>
    %dma_start3A_102 = arith.constant 128 : i32
    %dma_start3A_103 = tpu.memref_slice %arg5[%dma_start3A_95, %dma_start3A_96, %dma_start3A_102] : memref<2x2x3328xi32, #tpu.memory_space<vmem>> -> memref<1x1x64xi32, #tpu.memory_space<vmem>>
    %dma_start3A_104 = tpu.memref_squeeze %dma_start3A_103 : memref<1x1x64xi32, #tpu.memory_space<vmem>> -> memref<64xi32, #tpu.memory_space<vmem>>
    %dma_start3A_105 = arith.constant 0 : i32
    %dma_start3A_106 = arith.constant 0 : i32
    %dma_start3A_107 = tpu.memref_slice %arg2[%dma_start3A_105, %dma_start3A_106] : memref<10000x128xf32, #tpu.memory_space<hbm>> -> memref<10000x128xf32, #tpu.memory_space<hbm>>
    tpu.enqueue_indirect_dma source(%dma_start3A_107 : memref<10000x128xf32, #tpu.memory_space<hbm>>) target(%dma_start3A_101 : memref<64x128xf32, #tpu.memory_space<vmem>>) offsets(%dma_start3A_104 : memref<64xi32, #tpu.memory_space<vmem>>) semaphore(%arg9 : memref<!tpu.dma_semaphore, #tpu.memory_space<semaphore_mem>>)
    %dma_start3A_108 = arith.constant 0 : i32
    %dma_start3A_109 = arith.constant 0 : i32
    %dma_start3A_110 = arith.constant 1 : i32
    %dma_start3A_111 = arith.constant 64 : i32
    %dma_start3A_112 = arith.constant 0 : i32
    %dma_start3A_113 = tpu.memref_slice %arg6[%dma_start3A_110, %dma_start3A_111, %dma_start3A_112] : memref<2x128x128xf32, #tpu.memory_space<vmem>> -> memref<1x64x128xf32, #tpu.memory_space<vmem>>
    %dma_start3A_114 = tpu.memref_squeeze %dma_start3A_113 : memref<1x64x128xf32, #tpu.memory_space<vmem>> -> memref<64x128xf32, #tpu.memory_space<vmem>>
    %dma_start3A_115 = arith.constant 192 : i32
    %dma_start3A_116 = tpu.memref_slice %arg5[%dma_start3A_108, %dma_start3A_109, %dma_start3A_115] : memref<2x2x3328xi32, #tpu.memory_space<vmem>> -> memref<1x1x64xi32, #tpu.memory_space<vmem>>
    %dma_start3A_117 = tpu.memref_squeeze %dma_start3A_116 : memref<1x1x64xi32, #tpu.memory_space<vmem>> -> memref<64xi32, #tpu.memory_space<vmem>>
    %dma_start3A_118 = arith.constant 0 : i32
    %dma_start3A_119 = arith.constant 0 : i32
    %dma_start3A_120 = tpu.memref_slice %arg2[%dma_start3A_118, %dma_start3A_119] : memref<10000x128xf32, #tpu.memory_space<hbm>> -> memref<10000x128xf32, #tpu.memory_space<hbm>>
    tpu.enqueue_indirect_dma source(%dma_start3A_120 : memref<10000x128xf32, #tpu.memory_space<hbm>>) target(%dma_start3A_114 : memref<64x128xf32, #tpu.memory_space<vmem>>) offsets(%dma_start3A_117 : memref<64xi32, #tpu.memory_space<vmem>>) semaphore(%arg9 : memref<!tpu.dma_semaphore, #tpu.memory_space<semaphore_mem>>)
    %scan3A_121 = arith.constant 0 : i32
    %scan3A_122 = arith.constant 12 : i32
    %scan3A_123 = arith.addi %scan3A_121, %scan3A_122 : i32
    %scan3A_124 = arith.constant 1 : i32
    scf.for %scan3A_471 = %scan3A_121 to %scan3A_123 step %scan3A_124  : i32 {
      %mul3A_472 = arith.constant 1 : i32
      %mul3A_473 = arith.muli %scan3A_471, %mul3A_472 : i32
      %add3A_474 = arith.constant 0 : i32
      %add3A_475 = arith.addi %add3A_474, %mul3A_473 : i32
      %mul3A_476 = arith.constant 2 : i32
      %mul3A_477 = arith.muli %mul3A_476, %add3A_475 : i32
      %add3A_478 = arith.constant 0 : i32
      %add3A_479 = arith.addi %mul3A_477, %add3A_478 : i32
      %mul3A_480 = arith.constant 128 : i32
      %mul3A_481 = arith.muli %add3A_479, %mul3A_480 : i32
      %add3A_482 = arith.constant 0 : i32
      %add3A_483 = arith.addi %mul3A_481, %add3A_482 : i32
      %dma_wait3A_484 = arith.constant 0 : i32
      %dma_wait3A_485 = arith.constant 0 : i32
      %dma_wait3A_486 = arith.constant 0 : i32
      %dma_wait3A_487 = arith.constant 0 : i32
      %dma_wait3A_488 = arith.constant 0 : i32
      %dma_wait3A_489 = tpu.memref_slice %arg6[%dma_wait3A_486, %dma_wait3A_487, %dma_wait3A_488] : memref<2x128x128xf32, #tpu.memory_space<vmem>> -> memref<1x64x128xf32, #tpu.memory_space<vmem>>
      %dma_wait3A_490 = tpu.memref_squeeze %dma_wait3A_489 : memref<1x64x128xf32, #tpu.memory_space<vmem>> -> memref<64x128xf32, #tpu.memory_space<vmem>>
      %dma_wait3A_491 = tpu.memref_slice %arg5[%dma_wait3A_484, %dma_wait3A_485, %add3A_483] : memref<2x2x3328xi32, #tpu.memory_space<vmem>> -> memref<1x1x64xi32, #tpu.memory_space<vmem>>
      %dma_wait3A_492 = tpu.memref_squeeze %dma_wait3A_491 : memref<1x1x64xi32, #tpu.memory_space<vmem>> -> memref<64xi32, #tpu.memory_space<vmem>>
      %dma_wait3A_493 = arith.constant 0 : i32
      %dma_wait3A_494 = arith.constant 0 : i32
      %dma_wait3A_495 = tpu.memref_slice %arg2[%dma_wait3A_493, %dma_wait3A_494] : memref<10000x128xf32, #tpu.memory_space<hbm>> -> memref<10000x128xf32, #tpu.memory_space<hbm>>
      tpu.wait_indirect_dma semaphore(%arg8 : memref<!tpu.dma_semaphore, #tpu.memory_space<semaphore_mem>>) src(%dma_wait3A_495 : memref<10000x128xf32, #tpu.memory_space<hbm>>) dst(%dma_wait3A_490 : memref<64x128xf32, #tpu.memory_space<vmem>>)
      %mul3A_496 = arith.constant 128 : i32
      %mul3A_497 = arith.muli %add3A_479, %mul3A_496 : i32
      %add3A_498 = arith.constant 64 : i32
      %add3A_499 = arith.addi %mul3A_497, %add3A_498 : i32
      %dma_wait3A_500 = arith.constant 0 : i32
      %dma_wait3A_501 = arith.constant 0 : i32
      %dma_wait3A_502 = arith.constant 0 : i32
      %dma_wait3A_503 = arith.constant 64 : i32
      %dma_wait3A_504 = arith.constant 0 : i32
      %dma_wait3A_505 = tpu.memref_slice %arg6[%dma_wait3A_502, %dma_wait3A_503, %dma_wait3A_504] : memref<2x128x128xf32, #tpu.memory_space<vmem>> -> memref<1x64x128xf32, #tpu.memory_space<vmem>>
      %dma_wait3A_506 = tpu.memref_squeeze %dma_wait3A_505 : memref<1x64x128xf32, #tpu.memory_space<vmem>> -> memref<64x128xf32, #tpu.memory_space<vmem>>
      %dma_wait3A_507 = tpu.memref_slice %arg5[%dma_wait3A_500, %dma_wait3A_501, %add3A_499] : memref<2x2x3328xi32, #tpu.memory_space<vmem>> -> memref<1x1x64xi32, #tpu.memory_space<vmem>>
      %dma_wait3A_508 = tpu.memref_squeeze %dma_wait3A_507 : memref<1x1x64xi32, #tpu.memory_space<vmem>> -> memref<64xi32, #tpu.memory_space<vmem>>
      %dma_wait3A_509 = arith.constant 0 : i32
      %dma_wait3A_510 = arith.constant 0 : i32
      %dma_wait3A_511 = tpu.memref_slice %arg2[%dma_wait3A_509, %dma_wait3A_510] : memref<10000x128xf32, #tpu.memory_space<hbm>> -> memref<10000x128xf32, #tpu.memory_space<hbm>>
      tpu.wait_indirect_dma semaphore(%arg8 : memref<!tpu.dma_semaphore, #tpu.memory_space<semaphore_mem>>) src(%dma_wait3A_511 : memref<10000x128xf32, #tpu.memory_space<hbm>>) dst(%dma_wait3A_506 : memref<64x128xf32, #tpu.memory_space<vmem>>)
      %mul3A_512 = arith.constant 128 : i32
      %mul3A_513 = arith.muli %add3A_479, %mul3A_512 : i32
      %run_scoped3A_514 = arith.constant 0 : i32
      %run_scoped3A_515 = arith.constant 0 : i32
      %run_scoped3A_516 = arith.constant 1 : i32
      "tpu.region"() ({
        %run_scoped3A_626 = tpu.sem_alloc : memref<!tpu.dma_semaphore, #tpu.memory_space<semaphore_mem>>
        %dma_start3A_627 = arith.constant 0 : i32
        %dma_start3A_628 = arith.constant 0 : i32
        %dma_start3A_629 = tpu.memref_slice %arg6[%run_scoped3A_514, %dma_start3A_627, %dma_start3A_628] : memref<2x128x128xf32, #tpu.memory_space<vmem>> -> memref<1x128x128xf32, #tpu.memory_space<vmem>>
        %dma_start3A_630 = tpu.memref_squeeze %dma_start3A_629 : memref<1x128x128xf32, #tpu.memory_space<vmem>> -> memref<128x128xf32, #tpu.memory_space<vmem>>
        %dma_start3A_631 = tpu.memref_slice %arg5[%run_scoped3A_515, %run_scoped3A_516, %mul3A_513] : memref<2x2x3328xi32, #tpu.memory_space<vmem>> -> memref<1x1x128xi32, #tpu.memory_space<vmem>>
        %dma_start3A_632 = tpu.memref_squeeze %dma_start3A_631 : memref<1x1x128xi32, #tpu.memory_space<vmem>> -> memref<128xi32, #tpu.memory_space<vmem>>
        %dma_start3A_633 = arith.constant 0 : i32
        %dma_start3A_634 = arith.constant 0 : i32
        %dma_start3A_635 = tpu.memref_slice %arg7[%dma_start3A_633, %dma_start3A_634] : memref<10240x128xf32, #tpu.memory_space<vmem_shared>> -> memref<10240x128xf32, #tpu.memory_space<vmem_shared>>
        tpu.enqueue_indirect_dma source(%dma_start3A_630 : memref<128x128xf32, #tpu.memory_space<vmem>>) target(%dma_start3A_635 : memref<10240x128xf32, #tpu.memory_space<vmem_shared>>) offsets(%dma_start3A_632 : memref<128xi32, #tpu.memory_space<vmem>>) semaphore(%run_scoped3A_626 : memref<!tpu.dma_semaphore, #tpu.memory_space<semaphore_mem>>) {add = true}
        %dma_wait3A_636 = arith.constant 0 : i32
        %dma_wait3A_637 = arith.constant 0 : i32
        %dma_wait3A_638 = tpu.memref_slice %arg6[%run_scoped3A_514, %dma_wait3A_636, %dma_wait3A_637] : memref<2x128x128xf32, #tpu.memory_space<vmem>> -> memref<1x128x128xf32, #tpu.memory_space<vmem>>
        %dma_wait3A_639 = tpu.memref_squeeze %dma_wait3A_638 : memref<1x128x128xf32, #tpu.memory_space<vmem>> -> memref<128x128xf32, #tpu.memory_space<vmem>>
        %dma_wait3A_640 = tpu.memref_slice %arg5[%run_scoped3A_515, %run_scoped3A_516, %mul3A_513] : memref<2x2x3328xi32, #tpu.memory_space<vmem>> -> memref<1x1x128xi32, #tpu.memory_space<vmem>>
        %dma_wait3A_641 = tpu.memref_squeeze %dma_wait3A_640 : memref<1x1x128xi32, #tpu.memory_space<vmem>> -> memref<128xi32, #tpu.memory_space<vmem>>
        %dma_wait3A_642 = arith.constant 0 : i32
        %dma_wait3A_643 = arith.constant 0 : i32
        %dma_wait3A_644 = tpu.memref_slice %arg7[%dma_wait3A_642, %dma_wait3A_643] : memref<10240x128xf32, #tpu.memory_space<vmem_shared>> -> memref<10240x128xf32, #tpu.memory_space<vmem_shared>>
        tpu.wait_indirect_dma semaphore(%run_scoped3A_626 : memref<!tpu.dma_semaphore, #tpu.memory_space<semaphore_mem>>) src(%dma_wait3A_639 : memref<128x128xf32, #tpu.memory_space<vmem>>) dst(%dma_wait3A_644 : memref<10240x128xf32, #tpu.memory_space<vmem_shared>>)
        tpu.yield
      }) : () -> ()
      %add3A_517 = arith.constant 2 : i32
      %add3A_518 = arith.addi %add3A_479, %add3A_517 : i32
      %mul3A_519 = arith.constant 128 : i32
      %mul3A_520 = arith.muli %add3A_518, %mul3A_519 : i32
      %add3A_521 = arith.constant 0 : i32
      %add3A_522 = arith.addi %mul3A_520, %add3A_521 : i32
      %dma_start3A_523 = arith.constant 0 : i32
      %dma_start3A_524 = arith.constant 0 : i32
      %dma_start3A_525 = arith.constant 0 : i32
      %dma_start3A_526 = arith.constant 0 : i32
      %dma_start3A_527 = arith.constant 0 : i32
      %dma_start3A_528 = tpu.memref_slice %arg6[%dma_start3A_525, %dma_start3A_526, %dma_start3A_527] : memref<2x128x128xf32, #tpu.memory_space<vmem>> -> memref<1x64x128xf32, #tpu.memory_space<vmem>>
      %dma_start3A_529 = tpu.memref_squeeze %dma_start3A_528 : memref<1x64x128xf32, #tpu.memory_space<vmem>> -> memref<64x128xf32, #tpu.memory_space<vmem>>
      %dma_start3A_530 = tpu.memref_slice %arg5[%dma_start3A_523, %dma_start3A_524, %add3A_522] : memref<2x2x3328xi32, #tpu.memory_space<vmem>> -> memref<1x1x64xi32, #tpu.memory_space<vmem>>
      %dma_start3A_531 = tpu.memref_squeeze %dma_start3A_530 : memref<1x1x64xi32, #tpu.memory_space<vmem>> -> memref<64xi32, #tpu.memory_space<vmem>>
      %dma_start3A_532 = arith.constant 0 : i32
      %dma_start3A_533 = arith.constant 0 : i32
      %dma_start3A_534 = tpu.memref_slice %arg2[%dma_start3A_532, %dma_start3A_533] : memref<10000x128xf32, #tpu.memory_space<hbm>> -> memref<10000x128xf32, #tpu.memory_space<hbm>>
      tpu.enqueue_indirect_dma source(%dma_start3A_534 : memref<10000x128xf32, #tpu.memory_space<hbm>>) target(%dma_start3A_529 : memref<64x128xf32, #tpu.memory_space<vmem>>) offsets(%dma_start3A_531 : memref<64xi32, #tpu.memory_space<vmem>>) semaphore(%arg8 : memref<!tpu.dma_semaphore, #tpu.memory_space<semaphore_mem>>)
      %mul3A_535 = arith.constant 128 : i32
      %mul3A_536 = arith.muli %add3A_518, %mul3A_535 : i32
      %add3A_537 = arith.constant 64 : i32
      %add3A_538 = arith.addi %mul3A_536, %add3A_537 : i32
      %dma_start3A_539 = arith.constant 0 : i32
      %dma_start3A_540 = arith.constant 0 : i32
      %dma_start3A_541 = arith.constant 0 : i32
      %dma_start3A_542 = arith.constant 64 : i32
      %dma_start3A_543 = arith.constant 0 : i32
      %dma_start3A_544 = tpu.memref_slice %arg6[%dma_start3A_541, %dma_start3A_542, %dma_start3A_543] : memref<2x128x128xf32, #tpu.memory_space<vmem>> -> memref<1x64x128xf32, #tpu.memory_space<vmem>>
      %dma_start3A_545 = tpu.memref_squeeze %dma_start3A_544 : memref<1x64x128xf32, #tpu.memory_space<vmem>> -> memref<64x128xf32, #tpu.memory_space<vmem>>
      %dma_start3A_546 = tpu.memref_slice %arg5[%dma_start3A_539, %dma_start3A_540, %add3A_538] : memref<2x2x3328xi32, #tpu.memory_space<vmem>> -> memref<1x1x64xi32, #tpu.memory_space<vmem>>
      %dma_start3A_547 = tpu.memref_squeeze %dma_start3A_546 : memref<1x1x64xi32, #tpu.memory_space<vmem>> -> memref<64xi32, #tpu.memory_space<vmem>>
      %dma_start3A_548 = arith.constant 0 : i32
      %dma_start3A_549 = arith.constant 0 : i32
      %dma_start3A_550 = tpu.memref_slice %arg2[%dma_start3A_548, %dma_start3A_549] : memref<10000x128xf32, #tpu.memory_space<hbm>> -> memref<10000x128xf32, #tpu.memory_space<hbm>>
      tpu.enqueue_indirect_dma source(%dma_start3A_550 : memref<10000x128xf32, #tpu.memory_space<hbm>>) target(%dma_start3A_545 : memref<64x128xf32, #tpu.memory_space<vmem>>) offsets(%dma_start3A_547 : memref<64xi32, #tpu.memory_space<vmem>>) semaphore(%arg8 : memref<!tpu.dma_semaphore, #tpu.memory_space<semaphore_mem>>)
      %mul3A_551 = arith.constant 2 : i32
      %mul3A_552 = arith.muli %mul3A_551, %add3A_475 : i32
      %add3A_553 = arith.constant 1 : i32
      %add3A_554 = arith.addi %mul3A_552, %add3A_553 : i32
      %mul3A_555 = arith.constant 128 : i32
      %mul3A_556 = arith.muli %add3A_554, %mul3A_555 : i32
      %add3A_557 = arith.constant 0 : i32
      %add3A_558 = arith.addi %mul3A_556, %add3A_557 : i32
      %dma_wait3A_559 = arith.constant 0 : i32
      %dma_wait3A_560 = arith.constant 0 : i32
      %dma_wait3A_561 = arith.constant 1 : i32
      %dma_wait3A_562 = arith.constant 0 : i32
      %dma_wait3A_563 = arith.constant 0 : i32
      %dma_wait3A_564 = tpu.memref_slice %arg6[%dma_wait3A_561, %dma_wait3A_562, %dma_wait3A_563] : memref<2x128x128xf32, #tpu.memory_space<vmem>> -> memref<1x64x128xf32, #tpu.memory_space<vmem>>
      %dma_wait3A_565 = tpu.memref_squeeze %dma_wait3A_564 : memref<1x64x128xf32, #tpu.memory_space<vmem>> -> memref<64x128xf32, #tpu.memory_space<vmem>>
      %dma_wait3A_566 = tpu.memref_slice %arg5[%dma_wait3A_559, %dma_wait3A_560, %add3A_558] : memref<2x2x3328xi32, #tpu.memory_space<vmem>> -> memref<1x1x64xi32, #tpu.memory_space<vmem>>
      %dma_wait3A_567 = tpu.memref_squeeze %dma_wait3A_566 : memref<1x1x64xi32, #tpu.memory_space<vmem>> -> memref<64xi32, #tpu.memory_space<vmem>>
      %dma_wait3A_568 = arith.constant 0 : i32
      %dma_wait3A_569 = arith.constant 0 : i32
      %dma_wait3A_570 = tpu.memref_slice %arg2[%dma_wait3A_568, %dma_wait3A_569] : memref<10000x128xf32, #tpu.memory_space<hbm>> -> memref<10000x128xf32, #tpu.memory_space<hbm>>
      tpu.wait_indirect_dma semaphore(%arg9 : memref<!tpu.dma_semaphore, #tpu.memory_space<semaphore_mem>>) src(%dma_wait3A_570 : memref<10000x128xf32, #tpu.memory_space<hbm>>) dst(%dma_wait3A_565 : memref<64x128xf32, #tpu.memory_space<vmem>>)
      %mul3A_571 = arith.constant 128 : i32
      %mul3A_572 = arith.muli %add3A_554, %mul3A_571 : i32
      %add3A_573 = arith.constant 64 : i32
      %add3A_574 = arith.addi %mul3A_572, %add3A_573 : i32
      %dma_wait3A_575 = arith.constant 0 : i32
      %dma_wait3A_576 = arith.constant 0 : i32
      %dma_wait3A_577 = arith.constant 1 : i32
      %dma_wait3A_578 = arith.constant 64 : i32
      %dma_wait3A_579 = arith.constant 0 : i32
      %dma_wait3A_580 = tpu.memref_slice %arg6[%dma_wait3A_577, %dma_wait3A_578, %dma_wait3A_579] : memref<2x128x128xf32, #tpu.memory_space<vmem>> -> memref<1x64x128xf32, #tpu.memory_space<vmem>>
      %dma_wait3A_581 = tpu.memref_squeeze %dma_wait3A_580 : memref<1x64x128xf32, #tpu.memory_space<vmem>> -> memref<64x128xf32, #tpu.memory_space<vmem>>
      %dma_wait3A_582 = tpu.memref_slice %arg5[%dma_wait3A_575, %dma_wait3A_576, %add3A_574] : memref<2x2x3328xi32, #tpu.memory_space<vmem>> -> memref<1x1x64xi32, #tpu.memory_space<vmem>>
      %dma_wait3A_583 = tpu.memref_squeeze %dma_wait3A_582 : memref<1x1x64xi32, #tpu.memory_space<vmem>> -> memref<64xi32, #tpu.memory_space<vmem>>
      %dma_wait3A_584 = arith.constant 0 : i32
      %dma_wait3A_585 = arith.constant 0 : i32
      %dma_wait3A_586 = tpu.memref_slice %arg2[%dma_wait3A_584, %dma_wait3A_585] : memref<10000x128xf32, #tpu.memory_space<hbm>> -> memref<10000x128xf32, #tpu.memory_space<hbm>>
      tpu.wait_indirect_dma semaphore(%arg9 : memref<!tpu.dma_semaphore, #tpu.memory_space<semaphore_mem>>) src(%dma_wait3A_586 : memref<10000x128xf32, #tpu.memory_space<hbm>>) dst(%dma_wait3A_581 : memref<64x128xf32, #tpu.memory_space<vmem>>)
      %mul3A_587 = arith.constant 128 : i32
      %mul3A_588 = arith.muli %add3A_554, %mul3A_587 : i32
      %run_scoped3A_589 = arith.constant 1 : i32
      %run_scoped3A_590 = arith.constant 0 : i32
      %run_scoped3A_591 = arith.constant 1 : i32
      "tpu.region"() ({
        %run_scoped3A_626 = tpu.sem_alloc : memref<!tpu.dma_semaphore, #tpu.memory_space<semaphore_mem>>
        %dma_start3A_627 = arith.constant 0 : i32
        %dma_start3A_628 = arith.constant 0 : i32
        %dma_start3A_629 = tpu.memref_slice %arg6[%run_scoped3A_589, %dma_start3A_627, %dma_start3A_628] : memref<2x128x128xf32, #tpu.memory_space<vmem>> -> memref<1x128x128xf32, #tpu.memory_space<vmem>>
        %dma_start3A_630 = tpu.memref_squeeze %dma_start3A_629 : memref<1x128x128xf32, #tpu.memory_space<vmem>> -> memref<128x128xf32, #tpu.memory_space<vmem>>
        %dma_start3A_631 = tpu.memref_slice %arg5[%run_scoped3A_590, %run_scoped3A_591, %mul3A_588] : memref<2x2x3328xi32, #tpu.memory_space<vmem>> -> memref<1x1x128xi32, #tpu.memory_space<vmem>>
        %dma_start3A_632 = tpu.memref_squeeze %dma_start3A_631 : memref<1x1x128xi32, #tpu.memory_space<vmem>> -> memref<128xi32, #tpu.memory_space<vmem>>
        %dma_start3A_633 = arith.constant 0 : i32
        %dma_start3A_634 = arith.constant 0 : i32
        %dma_start3A_635 = tpu.memref_slice %arg7[%dma_start3A_633, %dma_start3A_634] : memref<10240x128xf32, #tpu.memory_space<vmem_shared>> -> memref<10240x128xf32, #tpu.memory_space<vmem_shared>>
        tpu.enqueue_indirect_dma source(%dma_start3A_630 : memref<128x128xf32, #tpu.memory_space<vmem>>) target(%dma_start3A_635 : memref<10240x128xf32, #tpu.memory_space<vmem_shared>>) offsets(%dma_start3A_632 : memref<128xi32, #tpu.memory_space<vmem>>) semaphore(%run_scoped3A_626 : memref<!tpu.dma_semaphore, #tpu.memory_space<semaphore_mem>>) {add = true}
        %dma_wait3A_636 = arith.constant 0 : i32
        %dma_wait3A_637 = arith.constant 0 : i32
        %dma_wait3A_638 = tpu.memref_slice %arg6[%run_scoped3A_589, %dma_wait3A_636, %dma_wait3A_637] : memref<2x128x128xf32, #tpu.memory_space<vmem>> -> memref<1x128x128xf32, #tpu.memory_space<vmem>>
        %dma_wait3A_639 = tpu.memref_squeeze %dma_wait3A_638 : memref<1x128x128xf32, #tpu.memory_space<vmem>> -> memref<128x128xf32, #tpu.memory_space<vmem>>
        %dma_wait3A_640 = tpu.memref_slice %arg5[%run_scoped3A_590, %run_scoped3A_591, %mul3A_588] : memref<2x2x3328xi32, #tpu.memory_space<vmem>> -> memref<1x1x128xi32, #tpu.memory_space<vmem>>
        %dma_wait3A_641 = tpu.memref_squeeze %dma_wait3A_640 : memref<1x1x128xi32, #tpu.memory_space<vmem>> -> memref<128xi32, #tpu.memory_space<vmem>>
        %dma_wait3A_642 = arith.constant 0 : i32
        %dma_wait3A_643 = arith.constant 0 : i32
        %dma_wait3A_644 = tpu.memref_slice %arg7[%dma_wait3A_642, %dma_wait3A_643] : memref<10240x128xf32, #tpu.memory_space<vmem_shared>> -> memref<10240x128xf32, #tpu.memory_space<vmem_shared>>
        tpu.wait_indirect_dma semaphore(%run_scoped3A_626 : memref<!tpu.dma_semaphore, #tpu.memory_space<semaphore_mem>>) src(%dma_wait3A_639 : memref<128x128xf32, #tpu.memory_space<vmem>>) dst(%dma_wait3A_644 : memref<10240x128xf32, #tpu.memory_space<vmem_shared>>)
        tpu.yield
      }) : () -> ()
      %add3A_592 = arith.constant 2 : i32
      %add3A_593 = arith.addi %add3A_554, %add3A_592 : i32
      %mul3A_594 = arith.constant 128 : i32
      %mul3A_595 = arith.muli %add3A_593, %mul3A_594 : i32
      %add3A_596 = arith.constant 0 : i32
      %add3A_597 = arith.addi %mul3A_595, %add3A_596 : i32
      %dma_start3A_598 = arith.constant 0 : i32
      %dma_start3A_599 = arith.constant 0 : i32
      %dma_start3A_600 = arith.constant 1 : i32
      %dma_start3A_601 = arith.constant 0 : i32
      %dma_start3A_602 = arith.constant 0 : i32
      %dma_start3A_603 = tpu.memref_slice %arg6[%dma_start3A_600, %dma_start3A_601, %dma_start3A_602] : memref<2x128x128xf32, #tpu.memory_space<vmem>> -> memref<1x64x128xf32, #tpu.memory_space<vmem>>
      %dma_start3A_604 = tpu.memref_squeeze %dma_start3A_603 : memref<1x64x128xf32, #tpu.memory_space<vmem>> -> memref<64x128xf32, #tpu.memory_space<vmem>>
      %dma_start3A_605 = tpu.memref_slice %arg5[%dma_start3A_598, %dma_start3A_599, %add3A_597] : memref<2x2x3328xi32, #tpu.memory_space<vmem>> -> memref<1x1x64xi32, #tpu.memory_space<vmem>>
      %dma_start3A_606 = tpu.memref_squeeze %dma_start3A_605 : memref<1x1x64xi32, #tpu.memory_space<vmem>> -> memref<64xi32, #tpu.memory_space<vmem>>
      %dma_start3A_607 = arith.constant 0 : i32
      %dma_start3A_608 = arith.constant 0 : i32
      %dma_start3A_609 = tpu.memref_slice %arg2[%dma_start3A_607, %dma_start3A_608] : memref<10000x128xf32, #tpu.memory_space<hbm>> -> memref<10000x128xf32, #tpu.memory_space<hbm>>
      tpu.enqueue_indirect_dma source(%dma_start3A_609 : memref<10000x128xf32, #tpu.memory_space<hbm>>) target(%dma_start3A_604 : memref<64x128xf32, #tpu.memory_space<vmem>>) offsets(%dma_start3A_606 : memref<64xi32, #tpu.memory_space<vmem>>) semaphore(%arg9 : memref<!tpu.dma_semaphore, #tpu.memory_space<semaphore_mem>>)
      %mul3A_610 = arith.constant 128 : i32
      %mul3A_611 = arith.muli %add3A_593, %mul3A_610 : i32
      %add3A_612 = arith.constant 64 : i32
      %add3A_613 = arith.addi %mul3A_611, %add3A_612 : i32
      %dma_start3A_614 = arith.constant 0 : i32
      %dma_start3A_615 = arith.constant 0 : i32
      %dma_start3A_616 = arith.constant 1 : i32
      %dma_start3A_617 = arith.constant 64 : i32
      %dma_start3A_618 = arith.constant 0 : i32
      %dma_start3A_619 = tpu.memref_slice %arg6[%dma_start3A_616, %dma_start3A_617, %dma_start3A_618] : memref<2x128x128xf32, #tpu.memory_space<vmem>> -> memref<1x64x128xf32, #tpu.memory_space<vmem>>
      %dma_start3A_620 = tpu.memref_squeeze %dma_start3A_619 : memref<1x64x128xf32, #tpu.memory_space<vmem>> -> memref<64x128xf32, #tpu.memory_space<vmem>>
      %dma_start3A_621 = tpu.memref_slice %arg5[%dma_start3A_614, %dma_start3A_615, %add3A_613] : memref<2x2x3328xi32, #tpu.memory_space<vmem>> -> memref<1x1x64xi32, #tpu.memory_space<vmem>>
      %dma_start3A_622 = tpu.memref_squeeze %dma_start3A_621 : memref<1x1x64xi32, #tpu.memory_space<vmem>> -> memref<64xi32, #tpu.memory_space<vmem>>
      %dma_start3A_623 = arith.constant 0 : i32
      %dma_start3A_624 = arith.constant 0 : i32
      %dma_start3A_625 = tpu.memref_slice %arg2[%dma_start3A_623, %dma_start3A_624] : memref<10000x128xf32, #tpu.memory_space<hbm>> -> memref<10000x128xf32, #tpu.memory_space<hbm>>
      tpu.enqueue_indirect_dma source(%dma_start3A_625 : memref<10000x128xf32, #tpu.memory_space<hbm>>) target(%dma_start3A_620 : memref<64x128xf32, #tpu.memory_space<vmem>>) offsets(%dma_start3A_622 : memref<64xi32, #tpu.memory_space<vmem>>) semaphore(%arg9 : memref<!tpu.dma_semaphore, #tpu.memory_space<semaphore_mem>>)
    }
    %scan3A_125 = arith.constant 12 : i32
    %add3A_126 = arith.constant 3328 : i32
    %add3A_127 = arith.addi %mul3A_2, %add3A_126 : i32
    %dma_wait3A_128 = arith.constant 1 : i32
    %dma_wait3A_129 = arith.constant 0 : i32
    %dma_wait3A_130 = arith.constant 0 : i32
    %dma_wait3A_131 = tpu.memref_slice %arg5[%dma_wait3A_128, %dma_wait3A_129, %dma_wait3A_130] : memref<2x2x3328xi32, #tpu.memory_space<vmem>> -> memref<1x2x3328xi32, #tpu.memory_space<vmem>>
    %dma_wait3A_132 = tpu.memref_squeeze %dma_wait3A_131 : memref<1x2x3328xi32, #tpu.memory_space<vmem>> -> memref<2x3328xi32, #tpu.memory_space<vmem>>
    %dma_wait3A_133 = arith.constant 0 : i32
    %dma_wait3A_134 = tpu.memref_slice %arg3[%dma_wait3A_133, %add3A_127] : memref<2x320000xi32, #tpu.memory_space<hbm>> -> memref<2x3328xi32, #tpu.memory_space<hbm>>
    %dma_wait3A_135 = arith.constant 0 : i32
    %dma_wait3A_136 = arith.constant 0 : i32
    %dma_wait3A_137 = tpu.memref_slice %arg5[%dma_wait3A_128, %dma_wait3A_135, %dma_wait3A_136] : memref<2x2x3328xi32, #tpu.memory_space<vmem>> -> memref<1x2x3328xi32, #tpu.memory_space<vmem>>
    %dma_wait3A_138 = tpu.memref_squeeze %dma_wait3A_137 : memref<1x2x3328xi32, #tpu.memory_space<vmem>> -> memref<2x3328xi32, #tpu.memory_space<vmem>>
    %dma_wait3A_139 = arith.constant 0 : i32
    %dma_wait3A_140 = tpu.memref_slice %arg3[%dma_wait3A_139, %add3A_127] : memref<2x320000xi32, #tpu.memory_space<hbm>> -> memref<2x3328xi32, #tpu.memory_space<hbm>>
    tpu.wait_dma2 semaphore(%arg11 : memref<!tpu.dma_semaphore, #tpu.memory_space<semaphore_mem>>) src(%dma_wait3A_140 : memref<2x3328xi32, #tpu.memory_space<hbm>>) dst(%dma_wait3A_138 : memref<2x3328xi32, #tpu.memory_space<vmem>>)
    %dma_wait3A_141 = arith.constant 0 : i32
    %dma_wait3A_142 = arith.constant 0 : i32
    %dma_wait3A_143 = arith.constant 0 : i32
    %dma_wait3A_144 = arith.constant 0 : i32
    %dma_wait3A_145 = arith.constant 0 : i32
    %dma_wait3A_146 = tpu.memref_slice %arg6[%dma_wait3A_143, %dma_wait3A_144, %dma_wait3A_145] : memref<2x128x128xf32, #tpu.memory_space<vmem>> -> memref<1x64x128xf32, #tpu.memory_space<vmem>>
    %dma_wait3A_147 = tpu.memref_squeeze %dma_wait3A_146 : memref<1x64x128xf32, #tpu.memory_space<vmem>> -> memref<64x128xf32, #tpu.memory_space<vmem>>
    %dma_wait3A_148 = arith.constant 3072 : i32
    %dma_wait3A_149 = tpu.memref_slice %arg5[%dma_wait3A_141, %dma_wait3A_142, %dma_wait3A_148] : memref<2x2x3328xi32, #tpu.memory_space<vmem>> -> memref<1x1x64xi32, #tpu.memory_space<vmem>>
    %dma_wait3A_150 = tpu.memref_squeeze %dma_wait3A_149 : memref<1x1x64xi32, #tpu.memory_space<vmem>> -> memref<64xi32, #tpu.memory_space<vmem>>
    %dma_wait3A_151 = arith.constant 0 : i32
    %dma_wait3A_152 = arith.constant 0 : i32
    %dma_wait3A_153 = tpu.memref_slice %arg2[%dma_wait3A_151, %dma_wait3A_152] : memref<10000x128xf32, #tpu.memory_space<hbm>> -> memref<10000x128xf32, #tpu.memory_space<hbm>>
    tpu.wait_indirect_dma semaphore(%arg8 : memref<!tpu.dma_semaphore, #tpu.memory_space<semaphore_mem>>) src(%dma_wait3A_153 : memref<10000x128xf32, #tpu.memory_space<hbm>>) dst(%dma_wait3A_147 : memref<64x128xf32, #tpu.memory_space<vmem>>)
    %dma_wait3A_154 = arith.constant 0 : i32
    %dma_wait3A_155 = arith.constant 0 : i32
    %dma_wait3A_156 = arith.constant 0 : i32
    %dma_wait3A_157 = arith.constant 64 : i32
    %dma_wait3A_158 = arith.constant 0 : i32
    %dma_wait3A_159 = tpu.memref_slice %arg6[%dma_wait3A_156, %dma_wait3A_157, %dma_wait3A_158] : memref<2x128x128xf32, #tpu.memory_space<vmem>> -> memref<1x64x128xf32, #tpu.memory_space<vmem>>
    %dma_wait3A_160 = tpu.memref_squeeze %dma_wait3A_159 : memref<1x64x128xf32, #tpu.memory_space<vmem>> -> memref<64x128xf32, #tpu.memory_space<vmem>>
    %dma_wait3A_161 = arith.constant 3136 : i32
    %dma_wait3A_162 = tpu.memref_slice %arg5[%dma_wait3A_154, %dma_wait3A_155, %dma_wait3A_161] : memref<2x2x3328xi32, #tpu.memory_space<vmem>> -> memref<1x1x64xi32, #tpu.memory_space<vmem>>
    %dma_wait3A_163 = tpu.memref_squeeze %dma_wait3A_162 : memref<1x1x64xi32, #tpu.memory_space<vmem>> -> memref<64xi32, #tpu.memory_space<vmem>>
    %dma_wait3A_164 = arith.constant 0 : i32
    %dma_wait3A_165 = arith.constant 0 : i32
    %dma_wait3A_166 = tpu.memref_slice %arg2[%dma_wait3A_164, %dma_wait3A_165] : memref<10000x128xf32, #tpu.memory_space<hbm>> -> memref<10000x128xf32, #tpu.memory_space<hbm>>
    tpu.wait_indirect_dma semaphore(%arg8 : memref<!tpu.dma_semaphore, #tpu.memory_space<semaphore_mem>>) src(%dma_wait3A_166 : memref<10000x128xf32, #tpu.memory_space<hbm>>) dst(%dma_wait3A_160 : memref<64x128xf32, #tpu.memory_space<vmem>>)
    %run_scoped3A = arith.constant 0 : i32
    %run_scoped3A_167 = arith.constant 0 : i32
    %run_scoped3A_168 = arith.constant 1 : i32
    "tpu.region"() ({
      %run_scoped3A_471 = tpu.sem_alloc : memref<!tpu.dma_semaphore, #tpu.memory_space<semaphore_mem>>
      %dma_start3A_472 = arith.constant 0 : i32
      %dma_start3A_473 = arith.constant 0 : i32
      %dma_start3A_474 = tpu.memref_slice %arg6[%run_scoped3A, %dma_start3A_472, %dma_start3A_473] : memref<2x128x128xf32, #tpu.memory_space<vmem>> -> memref<1x128x128xf32, #tpu.memory_space<vmem>>
      %dma_start3A_475 = tpu.memref_squeeze %dma_start3A_474 : memref<1x128x128xf32, #tpu.memory_space<vmem>> -> memref<128x128xf32, #tpu.memory_space<vmem>>
      %dma_start3A_476 = arith.constant 3072 : i32
      %dma_start3A_477 = tpu.memref_slice %arg5[%run_scoped3A_167, %run_scoped3A_168, %dma_start3A_476] : memref<2x2x3328xi32, #tpu.memory_space<vmem>> -> memref<1x1x128xi32, #tpu.memory_space<vmem>>
      %dma_start3A_478 = tpu.memref_squeeze %dma_start3A_477 : memref<1x1x128xi32, #tpu.memory_space<vmem>> -> memref<128xi32, #tpu.memory_space<vmem>>
      %dma_start3A_479 = arith.constant 0 : i32
      %dma_start3A_480 = arith.constant 0 : i32
      %dma_start3A_481 = tpu.memref_slice %arg7[%dma_start3A_479, %dma_start3A_480] : memref<10240x128xf32, #tpu.memory_space<vmem_shared>> -> memref<10240x128xf32, #tpu.memory_space<vmem_shared>>
      tpu.enqueue_indirect_dma source(%dma_start3A_475 : memref<128x128xf32, #tpu.memory_space<vmem>>) target(%dma_start3A_481 : memref<10240x128xf32, #tpu.memory_space<vmem_shared>>) offsets(%dma_start3A_478 : memref<128xi32, #tpu.memory_space<vmem>>) semaphore(%run_scoped3A_471 : memref<!tpu.dma_semaphore, #tpu.memory_space<semaphore_mem>>) {add = true}
      %dma_wait3A_482 = arith.constant 0 : i32
      %dma_wait3A_483 = arith.constant 0 : i32
      %dma_wait3A_484 = tpu.memref_slice %arg6[%run_scoped3A, %dma_wait3A_482, %dma_wait3A_483] : memref<2x128x128xf32, #tpu.memory_space<vmem>> -> memref<1x128x128xf32, #tpu.memory_space<vmem>>
      %dma_wait3A_485 = tpu.memref_squeeze %dma_wait3A_484 : memref<1x128x128xf32, #tpu.memory_space<vmem>> -> memref<128x128xf32, #tpu.memory_space<vmem>>
      %dma_wait3A_486 = arith.constant 3072 : i32
      %dma_wait3A_487 = tpu.memref_slice %arg5[%run_scoped3A_167, %run_scoped3A_168, %dma_wait3A_486] : memref<2x2x3328xi32, #tpu.memory_space<vmem>> -> memref<1x1x128xi32, #tpu.memory_space<vmem>>
      %dma_wait3A_488 = tpu.memref_squeeze %dma_wait3A_487 : memref<1x1x128xi32, #tpu.memory_space<vmem>> -> memref<128xi32, #tpu.memory_space<vmem>>
      %dma_wait3A_489 = arith.constant 0 : i32
      %dma_wait3A_490 = arith.constant 0 : i32
      %dma_wait3A_491 = tpu.memref_slice %arg7[%dma_wait3A_489, %dma_wait3A_490] : memref<10240x128xf32, #tpu.memory_space<vmem_shared>> -> memref<10240x128xf32, #tpu.memory_space<vmem_shared>>
      tpu.wait_indirect_dma semaphore(%run_scoped3A_471 : memref<!tpu.dma_semaphore, #tpu.memory_space<semaphore_mem>>) src(%dma_wait3A_485 : memref<128x128xf32, #tpu.memory_space<vmem>>) dst(%dma_wait3A_491 : memref<10240x128xf32, #tpu.memory_space<vmem_shared>>)
      tpu.yield
    }) : () -> ()
    %dma_start3A_169 = arith.constant 1 : i32
    %dma_start3A_170 = arith.constant 0 : i32
    %dma_start3A_171 = arith.constant 0 : i32
    %dma_start3A_172 = arith.constant 0 : i32
    %dma_start3A_173 = arith.constant 0 : i32
    %dma_start3A_174 = tpu.memref_slice %arg6[%dma_start3A_171, %dma_start3A_172, %dma_start3A_173] : memref<2x128x128xf32, #tpu.memory_space<vmem>> -> memref<1x64x128xf32, #tpu.memory_space<vmem>>
    %dma_start3A_175 = tpu.memref_squeeze %dma_start3A_174 : memref<1x64x128xf32, #tpu.memory_space<vmem>> -> memref<64x128xf32, #tpu.memory_space<vmem>>
    %dma_start3A_176 = arith.constant 0 : i32
    %dma_start3A_177 = tpu.memref_slice %arg5[%dma_start3A_169, %dma_start3A_170, %dma_start3A_176] : memref<2x2x3328xi32, #tpu.memory_space<vmem>> -> memref<1x1x64xi32, #tpu.memory_space<vmem>>
    %dma_start3A_178 = tpu.memref_squeeze %dma_start3A_177 : memref<1x1x64xi32, #tpu.memory_space<vmem>> -> memref<64xi32, #tpu.memory_space<vmem>>
    %dma_start3A_179 = arith.constant 0 : i32
    %dma_start3A_180 = arith.constant 0 : i32
    %dma_start3A_181 = tpu.memref_slice %arg2[%dma_start3A_179, %dma_start3A_180] : memref<10000x128xf32, #tpu.memory_space<hbm>> -> memref<10000x128xf32, #tpu.memory_space<hbm>>
    tpu.enqueue_indirect_dma source(%dma_start3A_181 : memref<10000x128xf32, #tpu.memory_space<hbm>>) target(%dma_start3A_175 : memref<64x128xf32, #tpu.memory_space<vmem>>) offsets(%dma_start3A_178 : memref<64xi32, #tpu.memory_space<vmem>>) semaphore(%arg8 : memref<!tpu.dma_semaphore, #tpu.memory_space<semaphore_mem>>)
    %dma_start3A_182 = arith.constant 1 : i32
    %dma_start3A_183 = arith.constant 0 : i32
    %dma_start3A_184 = arith.constant 0 : i32
    %dma_start3A_185 = arith.constant 64 : i32
    %dma_start3A_186 = arith.constant 0 : i32
    %dma_start3A_187 = tpu.memref_slice %arg6[%dma_start3A_184, %dma_start3A_185, %dma_start3A_186] : memref<2x128x128xf32, #tpu.memory_space<vmem>> -> memref<1x64x128xf32, #tpu.memory_space<vmem>>
    %dma_start3A_188 = tpu.memref_squeeze %dma_start3A_187 : memref<1x64x128xf32, #tpu.memory_space<vmem>> -> memref<64x128xf32, #tpu.memory_space<vmem>>
    %dma_start3A_189 = arith.constant 64 : i32
    %dma_start3A_190 = tpu.memref_slice %arg5[%dma_start3A_182, %dma_start3A_183, %dma_start3A_189] : memref<2x2x3328xi32, #tpu.memory_space<vmem>> -> memref<1x1x64xi32, #tpu.memory_space<vmem>>
    %dma_start3A_191 = tpu.memref_squeeze %dma_start3A_190 : memref<1x1x64xi32, #tpu.memory_space<vmem>> -> memref<64xi32, #tpu.memory_space<vmem>>
    %dma_start3A_192 = arith.constant 0 : i32
    %dma_start3A_193 = arith.constant 0 : i32
    %dma_start3A_194 = tpu.memref_slice %arg2[%dma_start3A_192, %dma_start3A_193] : memref<10000x128xf32, #tpu.memory_space<hbm>> -> memref<10000x128xf32, #tpu.memory_space<hbm>>
    tpu.enqueue_indirect_dma source(%dma_start3A_194 : memref<10000x128xf32, #tpu.memory_space<hbm>>) target(%dma_start3A_188 : memref<64x128xf32, #tpu.memory_space<vmem>>) offsets(%dma_start3A_191 : memref<64xi32, #tpu.memory_space<vmem>>) semaphore(%arg8 : memref<!tpu.dma_semaphore, #tpu.memory_space<semaphore_mem>>)
    %dma_wait3A_195 = arith.constant 0 : i32
    %dma_wait3A_196 = arith.constant 0 : i32
    %dma_wait3A_197 = arith.constant 1 : i32
    %dma_wait3A_198 = arith.constant 0 : i32
    %dma_wait3A_199 = arith.constant 0 : i32
    %dma_wait3A_200 = tpu.memref_slice %arg6[%dma_wait3A_197, %dma_wait3A_198, %dma_wait3A_199] : memref<2x128x128xf32, #tpu.memory_space<vmem>> -> memref<1x64x128xf32, #tpu.memory_space<vmem>>
    %dma_wait3A_201 = tpu.memref_squeeze %dma_wait3A_200 : memref<1x64x128xf32, #tpu.memory_space<vmem>> -> memref<64x128xf32, #tpu.memory_space<vmem>>
    %dma_wait3A_202 = arith.constant 3200 : i32
    %dma_wait3A_203 = tpu.memref_slice %arg5[%dma_wait3A_195, %dma_wait3A_196, %dma_wait3A_202] : memref<2x2x3328xi32, #tpu.memory_space<vmem>> -> memref<1x1x64xi32, #tpu.memory_space<vmem>>
    %dma_wait3A_204 = tpu.memref_squeeze %dma_wait3A_203 : memref<1x1x64xi32, #tpu.memory_space<vmem>> -> memref<64xi32, #tpu.memory_space<vmem>>
    %dma_wait3A_205 = arith.constant 0 : i32
    %dma_wait3A_206 = arith.constant 0 : i32
    %dma_wait3A_207 = tpu.memref_slice %arg2[%dma_wait3A_205, %dma_wait3A_206] : memref<10000x128xf32, #tpu.memory_space<hbm>> -> memref<10000x128xf32, #tpu.memory_space<hbm>>
    tpu.wait_indirect_dma semaphore(%arg9 : memref<!tpu.dma_semaphore, #tpu.memory_space<semaphore_mem>>) src(%dma_wait3A_207 : memref<10000x128xf32, #tpu.memory_space<hbm>>) dst(%dma_wait3A_201 : memref<64x128xf32, #tpu.memory_space<vmem>>)
    %dma_wait3A_208 = arith.constant 0 : i32
    %dma_wait3A_209 = arith.constant 0 : i32
    %dma_wait3A_210 = arith.constant 1 : i32
    %dma_wait3A_211 = arith.constant 64 : i32
    %dma_wait3A_212 = arith.constant 0 : i32
    %dma_wait3A_213 = tpu.memref_slice %arg6[%dma_wait3A_210, %dma_wait3A_211, %dma_wait3A_212] : memref<2x128x128xf32, #tpu.memory_space<vmem>> -> memref<1x64x128xf32, #tpu.memory_space<vmem>>
    %dma_wait3A_214 = tpu.memref_squeeze %dma_wait3A_213 : memref<1x64x128xf32, #tpu.memory_space<vmem>> -> memref<64x128xf32, #tpu.memory_space<vmem>>
    %dma_wait3A_215 = arith.constant 3264 : i32
    %dma_wait3A_216 = tpu.memref_slice %arg5[%dma_wait3A_208, %dma_wait3A_209, %dma_wait3A_215] : memref<2x2x3328xi32, #tpu.memory_space<vmem>> -> memref<1x1x64xi32, #tpu.memory_space<vmem>>
    %dma_wait3A_217 = tpu.memref_squeeze %dma_wait3A_216 : memref<1x1x64xi32, #tpu.memory_space<vmem>> -> memref<64xi32, #tpu.memory_space<vmem>>
    %dma_wait3A_218 = arith.constant 0 : i32
    %dma_wait3A_219 = arith.constant 0 : i32
    %dma_wait3A_220 = tpu.memref_slice %arg2[%dma_wait3A_218, %dma_wait3A_219] : memref<10000x128xf32, #tpu.memory_space<hbm>> -> memref<10000x128xf32, #tpu.memory_space<hbm>>
    tpu.wait_indirect_dma semaphore(%arg9 : memref<!tpu.dma_semaphore, #tpu.memory_space<semaphore_mem>>) src(%dma_wait3A_220 : memref<10000x128xf32, #tpu.memory_space<hbm>>) dst(%dma_wait3A_214 : memref<64x128xf32, #tpu.memory_space<vmem>>)
    %run_scoped3A_221 = arith.constant 1 : i32
    %run_scoped3A_222 = arith.constant 0 : i32
    %run_scoped3A_223 = arith.constant 1 : i32
    "tpu.region"() ({
      %run_scoped3A_471 = tpu.sem_alloc : memref<!tpu.dma_semaphore, #tpu.memory_space<semaphore_mem>>
      %dma_start3A_472 = arith.constant 0 : i32
      %dma_start3A_473 = arith.constant 0 : i32
      %dma_start3A_474 = tpu.memref_slice %arg6[%run_scoped3A_221, %dma_start3A_472, %dma_start3A_473] : memref<2x128x128xf32, #tpu.memory_space<vmem>> -> memref<1x128x128xf32, #tpu.memory_space<vmem>>
      %dma_start3A_475 = tpu.memref_squeeze %dma_start3A_474 : memref<1x128x128xf32, #tpu.memory_space<vmem>> -> memref<128x128xf32, #tpu.memory_space<vmem>>
      %dma_start3A_476 = arith.constant 3200 : i32
      %dma_start3A_477 = tpu.memref_slice %arg5[%run_scoped3A_222, %run_scoped3A_223, %dma_start3A_476] : memref<2x2x3328xi32, #tpu.memory_space<vmem>> -> memref<1x1x128xi32, #tpu.memory_space<vmem>>
      %dma_start3A_478 = tpu.memref_squeeze %dma_start3A_477 : memref<1x1x128xi32, #tpu.memory_space<vmem>> -> memref<128xi32, #tpu.memory_space<vmem>>
      %dma_start3A_479 = arith.constant 0 : i32
      %dma_start3A_480 = arith.constant 0 : i32
      %dma_start3A_481 = tpu.memref_slice %arg7[%dma_start3A_479, %dma_start3A_480] : memref<10240x128xf32, #tpu.memory_space<vmem_shared>> -> memref<10240x128xf32, #tpu.memory_space<vmem_shared>>
      tpu.enqueue_indirect_dma source(%dma_start3A_475 : memref<128x128xf32, #tpu.memory_space<vmem>>) target(%dma_start3A_481 : memref<10240x128xf32, #tpu.memory_space<vmem_shared>>) offsets(%dma_start3A_478 : memref<128xi32, #tpu.memory_space<vmem>>) semaphore(%run_scoped3A_471 : memref<!tpu.dma_semaphore, #tpu.memory_space<semaphore_mem>>) {add = true}
      %dma_wait3A_482 = arith.constant 0 : i32
      %dma_wait3A_483 = arith.constant 0 : i32
      %dma_wait3A_484 = tpu.memref_slice %arg6[%run_scoped3A_221, %dma_wait3A_482, %dma_wait3A_483] : memref<2x128x128xf32, #tpu.memory_space<vmem>> -> memref<1x128x128xf32, #tpu.memory_space<vmem>>
      %dma_wait3A_485 = tpu.memref_squeeze %dma_wait3A_484 : memref<1x128x128xf32, #tpu.memory_space<vmem>> -> memref<128x128xf32, #tpu.memory_space<vmem>>
      %dma_wait3A_486 = arith.constant 3200 : i32
      %dma_wait3A_487 = tpu.memref_slice %arg5[%run_scoped3A_222, %run_scoped3A_223, %dma_wait3A_486] : memref<2x2x3328xi32, #tpu.memory_space<vmem>> -> memref<1x1x128xi32, #tpu.memory_space<vmem>>
      %dma_wait3A_488 = tpu.memref_squeeze %dma_wait3A_487 : memref<1x1x128xi32, #tpu.memory_space<vmem>> -> memref<128xi32, #tpu.memory_space<vmem>>
      %dma_wait3A_489 = arith.constant 0 : i32
      %dma_wait3A_490 = arith.constant 0 : i32
      %dma_wait3A_491 = tpu.memref_slice %arg7[%dma_wait3A_489, %dma_wait3A_490] : memref<10240x128xf32, #tpu.memory_space<vmem_shared>> -> memref<10240x128xf32, #tpu.memory_space<vmem_shared>>
      tpu.wait_indirect_dma semaphore(%run_scoped3A_471 : memref<!tpu.dma_semaphore, #tpu.memory_space<semaphore_mem>>) src(%dma_wait3A_485 : memref<128x128xf32, #tpu.memory_space<vmem>>) dst(%dma_wait3A_491 : memref<10240x128xf32, #tpu.memory_space<vmem_shared>>)
      tpu.yield
    }) : () -> ()
    %dma_start3A_224 = arith.constant 1 : i32
    %dma_start3A_225 = arith.constant 0 : i32
    %dma_start3A_226 = arith.constant 1 : i32
    %dma_start3A_227 = arith.constant 0 : i32
    %dma_start3A_228 = arith.constant 0 : i32
    %dma_start3A_229 = tpu.memref_slice %arg6[%dma_start3A_226, %dma_start3A_227, %dma_start3A_228] : memref<2x128x128xf32, #tpu.memory_space<vmem>> -> memref<1x64x128xf32, #tpu.memory_space<vmem>>
    %dma_start3A_230 = tpu.memref_squeeze %dma_start3A_229 : memref<1x64x128xf32, #tpu.memory_space<vmem>> -> memref<64x128xf32, #tpu.memory_space<vmem>>
    %dma_start3A_231 = arith.constant 128 : i32
    %dma_start3A_232 = tpu.memref_slice %arg5[%dma_start3A_224, %dma_start3A_225, %dma_start3A_231] : memref<2x2x3328xi32, #tpu.memory_space<vmem>> -> memref<1x1x64xi32, #tpu.memory_space<vmem>>
    %dma_start3A_233 = tpu.memref_squeeze %dma_start3A_232 : memref<1x1x64xi32, #tpu.memory_space<vmem>> -> memref<64xi32, #tpu.memory_space<vmem>>
    %dma_start3A_234 = arith.constant 0 : i32
    %dma_start3A_235 = arith.constant 0 : i32
    %dma_start3A_236 = tpu.memref_slice %arg2[%dma_start3A_234, %dma_start3A_235] : memref<10000x128xf32, #tpu.memory_space<hbm>> -> memref<10000x128xf32, #tpu.memory_space<hbm>>
    tpu.enqueue_indirect_dma source(%dma_start3A_236 : memref<10000x128xf32, #tpu.memory_space<hbm>>) target(%dma_start3A_230 : memref<64x128xf32, #tpu.memory_space<vmem>>) offsets(%dma_start3A_233 : memref<64xi32, #tpu.memory_space<vmem>>) semaphore(%arg9 : memref<!tpu.dma_semaphore, #tpu.memory_space<semaphore_mem>>)
    %dma_start3A_237 = arith.constant 1 : i32
    %dma_start3A_238 = arith.constant 0 : i32
    %dma_start3A_239 = arith.constant 1 : i32
    %dma_start3A_240 = arith.constant 64 : i32
    %dma_start3A_241 = arith.constant 0 : i32
    %dma_start3A_242 = tpu.memref_slice %arg6[%dma_start3A_239, %dma_start3A_240, %dma_start3A_241] : memref<2x128x128xf32, #tpu.memory_space<vmem>> -> memref<1x64x128xf32, #tpu.memory_space<vmem>>
    %dma_start3A_243 = tpu.memref_squeeze %dma_start3A_242 : memref<1x64x128xf32, #tpu.memory_space<vmem>> -> memref<64x128xf32, #tpu.memory_space<vmem>>
    %dma_start3A_244 = arith.constant 192 : i32
    %dma_start3A_245 = tpu.memref_slice %arg5[%dma_start3A_237, %dma_start3A_238, %dma_start3A_244] : memref<2x2x3328xi32, #tpu.memory_space<vmem>> -> memref<1x1x64xi32, #tpu.memory_space<vmem>>
    %dma_start3A_246 = tpu.memref_squeeze %dma_start3A_245 : memref<1x1x64xi32, #tpu.memory_space<vmem>> -> memref<64xi32, #tpu.memory_space<vmem>>
    %dma_start3A_247 = arith.constant 0 : i32
    %dma_start3A_248 = arith.constant 0 : i32
    %dma_start3A_249 = tpu.memref_slice %arg2[%dma_start3A_247, %dma_start3A_248] : memref<10000x128xf32, #tpu.memory_space<hbm>> -> memref<10000x128xf32, #tpu.memory_space<hbm>>
    tpu.enqueue_indirect_dma source(%dma_start3A_249 : memref<10000x128xf32, #tpu.memory_space<hbm>>) target(%dma_start3A_243 : memref<64x128xf32, #tpu.memory_space<vmem>>) offsets(%dma_start3A_246 : memref<64xi32, #tpu.memory_space<vmem>>) semaphore(%arg9 : memref<!tpu.dma_semaphore, #tpu.memory_space<semaphore_mem>>)
    %add3A_250 = arith.constant 6656 : i32
    %add3A_251 = arith.addi %mul3A_2, %add3A_250 : i32
    %dma_start3A_252 = arith.constant 0 : i32
    %dma_start3A_253 = arith.constant 0 : i32
    %dma_start3A_254 = arith.constant 0 : i32
    %dma_start3A_255 = tpu.memref_slice %arg5[%dma_start3A_252, %dma_start3A_253, %dma_start3A_254] : memref<2x2x3328xi32, #tpu.memory_space<vmem>> -> memref<1x2x3328xi32, #tpu.memory_space<vmem>>
    %dma_start3A_256 = tpu.memref_squeeze %dma_start3A_255 : memref<1x2x3328xi32, #tpu.memory_space<vmem>> -> memref<2x3328xi32, #tpu.memory_space<vmem>>
    %dma_start3A_257 = arith.constant 0 : i32
    %dma_start3A_258 = tpu.memref_slice %arg3[%dma_start3A_257, %add3A_251] : memref<2x320000xi32, #tpu.memory_space<hbm>> -> memref<2x3328xi32, #tpu.memory_space<hbm>>
    %dma_start3A_259 = arith.constant 0 : i32
    %dma_start3A_260 = arith.constant 0 : i32
    %dma_start3A_261 = tpu.memref_slice %arg5[%dma_start3A_252, %dma_start3A_259, %dma_start3A_260] : memref<2x2x3328xi32, #tpu.memory_space<vmem>> -> memref<1x2x3328xi32, #tpu.memory_space<vmem>>
    %dma_start3A_262 = tpu.memref_squeeze %dma_start3A_261 : memref<1x2x3328xi32, #tpu.memory_space<vmem>> -> memref<2x3328xi32, #tpu.memory_space<vmem>>
    %dma_start3A_263 = arith.constant 0 : i32
    %dma_start3A_264 = tpu.memref_slice %arg3[%dma_start3A_263, %add3A_251] : memref<2x320000xi32, #tpu.memory_space<hbm>> -> memref<2x3328xi32, #tpu.memory_space<hbm>>
    tpu.enqueue_dma source(%dma_start3A_264 : memref<2x3328xi32, #tpu.memory_space<hbm>>) target(%dma_start3A_262 : memref<2x3328xi32, #tpu.memory_space<vmem>>) target_semaphore(%arg10 : memref<!tpu.dma_semaphore, #tpu.memory_space<semaphore_mem>>)
    %scan3A_265 = arith.constant 0 : i32
    %scan3A_266 = arith.constant 12 : i32
    %scan3A_267 = arith.addi %scan3A_265, %scan3A_266 : i32
    %scan3A_268 = arith.constant 1 : i32
    scf.for %scan3A_471 = %scan3A_265 to %scan3A_267 step %scan3A_268  : i32 {
      %mul3A_472 = arith.constant 1 : i32
      %mul3A_473 = arith.muli %scan3A_471, %mul3A_472 : i32
      %add3A_474 = arith.constant 0 : i32
      %add3A_475 = arith.addi %add3A_474, %mul3A_473 : i32
      %mul3A_476 = arith.constant 2 : i32
      %mul3A_477 = arith.muli %mul3A_476, %add3A_475 : i32
      %add3A_478 = arith.constant 0 : i32
      %add3A_479 = arith.addi %mul3A_477, %add3A_478 : i32
      %mul3A_480 = arith.constant 128 : i32
      %mul3A_481 = arith.muli %add3A_479, %mul3A_480 : i32
      %add3A_482 = arith.constant 0 : i32
      %add3A_483 = arith.addi %mul3A_481, %add3A_482 : i32
      %dma_wait3A_484 = arith.constant 1 : i32
      %dma_wait3A_485 = arith.constant 0 : i32
      %dma_wait3A_486 = arith.constant 0 : i32
      %dma_wait3A_487 = arith.constant 0 : i32
      %dma_wait3A_488 = arith.constant 0 : i32
      %dma_wait3A_489 = tpu.memref_slice %arg6[%dma_wait3A_486, %dma_wait3A_487, %dma_wait3A_488] : memref<2x128x128xf32, #tpu.memory_space<vmem>> -> memref<1x64x128xf32, #tpu.memory_space<vmem>>
      %dma_wait3A_490 = tpu.memref_squeeze %dma_wait3A_489 : memref<1x64x128xf32, #tpu.memory_space<vmem>> -> memref<64x128xf32, #tpu.memory_space<vmem>>
      %dma_wait3A_491 = tpu.memref_slice %arg5[%dma_wait3A_484, %dma_wait3A_485, %add3A_483] : memref<2x2x3328xi32, #tpu.memory_space<vmem>> -> memref<1x1x64xi32, #tpu.memory_space<vmem>>
      %dma_wait3A_492 = tpu.memref_squeeze %dma_wait3A_491 : memref<1x1x64xi32, #tpu.memory_space<vmem>> -> memref<64xi32, #tpu.memory_space<vmem>>
      %dma_wait3A_493 = arith.constant 0 : i32
      %dma_wait3A_494 = arith.constant 0 : i32
      %dma_wait3A_495 = tpu.memref_slice %arg2[%dma_wait3A_493, %dma_wait3A_494] : memref<10000x128xf32, #tpu.memory_space<hbm>> -> memref<10000x128xf32, #tpu.memory_space<hbm>>
      tpu.wait_indirect_dma semaphore(%arg8 : memref<!tpu.dma_semaphore, #tpu.memory_space<semaphore_mem>>) src(%dma_wait3A_495 : memref<10000x128xf32, #tpu.memory_space<hbm>>) dst(%dma_wait3A_490 : memref<64x128xf32, #tpu.memory_space<vmem>>)
      %mul3A_496 = arith.constant 128 : i32
      %mul3A_497 = arith.muli %add3A_479, %mul3A_496 : i32
      %add3A_498 = arith.constant 64 : i32
      %add3A_499 = arith.addi %mul3A_497, %add3A_498 : i32
      %dma_wait3A_500 = arith.constant 1 : i32
      %dma_wait3A_501 = arith.constant 0 : i32
      %dma_wait3A_502 = arith.constant 0 : i32
      %dma_wait3A_503 = arith.constant 64 : i32
      %dma_wait3A_504 = arith.constant 0 : i32
      %dma_wait3A_505 = tpu.memref_slice %arg6[%dma_wait3A_502, %dma_wait3A_503, %dma_wait3A_504] : memref<2x128x128xf32, #tpu.memory_space<vmem>> -> memref<1x64x128xf32, #tpu.memory_space<vmem>>
      %dma_wait3A_506 = tpu.memref_squeeze %dma_wait3A_505 : memref<1x64x128xf32, #tpu.memory_space<vmem>> -> memref<64x128xf32, #tpu.memory_space<vmem>>
      %dma_wait3A_507 = tpu.memref_slice %arg5[%dma_wait3A_500, %dma_wait3A_501, %add3A_499] : memref<2x2x3328xi32, #tpu.memory_space<vmem>> -> memref<1x1x64xi32, #tpu.memory_space<vmem>>
      %dma_wait3A_508 = tpu.memref_squeeze %dma_wait3A_507 : memref<1x1x64xi32, #tpu.memory_space<vmem>> -> memref<64xi32, #tpu.memory_space<vmem>>
      %dma_wait3A_509 = arith.constant 0 : i32
      %dma_wait3A_510 = arith.constant 0 : i32
      %dma_wait3A_511 = tpu.memref_slice %arg2[%dma_wait3A_509, %dma_wait3A_510] : memref<10000x128xf32, #tpu.memory_space<hbm>> -> memref<10000x128xf32, #tpu.memory_space<hbm>>
      tpu.wait_indirect_dma semaphore(%arg8 : memref<!tpu.dma_semaphore, #tpu.memory_space<semaphore_mem>>) src(%dma_wait3A_511 : memref<10000x128xf32, #tpu.memory_space<hbm>>) dst(%dma_wait3A_506 : memref<64x128xf32, #tpu.memory_space<vmem>>)
      %mul3A_512 = arith.constant 128 : i32
      %mul3A_513 = arith.muli %add3A_479, %mul3A_512 : i32
      %run_scoped3A_514 = arith.constant 0 : i32
      %run_scoped3A_515 = arith.constant 1 : i32
      %run_scoped3A_516 = arith.constant 1 : i32
      "tpu.region"() ({
        %run_scoped3A_626 = tpu.sem_alloc : memref<!tpu.dma_semaphore, #tpu.memory_space<semaphore_mem>>
        %dma_start3A_627 = arith.constant 0 : i32
        %dma_start3A_628 = arith.constant 0 : i32
        %dma_start3A_629 = tpu.memref_slice %arg6[%run_scoped3A_514, %dma_start3A_627, %dma_start3A_628] : memref<2x128x128xf32, #tpu.memory_space<vmem>> -> memref<1x128x128xf32, #tpu.memory_space<vmem>>
        %dma_start3A_630 = tpu.memref_squeeze %dma_start3A_629 : memref<1x128x128xf32, #tpu.memory_space<vmem>> -> memref<128x128xf32, #tpu.memory_space<vmem>>
        %dma_start3A_631 = tpu.memref_slice %arg5[%run_scoped3A_515, %run_scoped3A_516, %mul3A_513] : memref<2x2x3328xi32, #tpu.memory_space<vmem>> -> memref<1x1x128xi32, #tpu.memory_space<vmem>>
        %dma_start3A_632 = tpu.memref_squeeze %dma_start3A_631 : memref<1x1x128xi32, #tpu.memory_space<vmem>> -> memref<128xi32, #tpu.memory_space<vmem>>
        %dma_start3A_633 = arith.constant 0 : i32
        %dma_start3A_634 = arith.constant 0 : i32
        %dma_start3A_635 = tpu.memref_slice %arg7[%dma_start3A_633, %dma_start3A_634] : memref<10240x128xf32, #tpu.memory_space<vmem_shared>> -> memref<10240x128xf32, #tpu.memory_space<vmem_shared>>
        tpu.enqueue_indirect_dma source(%dma_start3A_630 : memref<128x128xf32, #tpu.memory_space<vmem>>) target(%dma_start3A_635 : memref<10240x128xf32, #tpu.memory_space<vmem_shared>>) offsets(%dma_start3A_632 : memref<128xi32, #tpu.memory_space<vmem>>) semaphore(%run_scoped3A_626 : memref<!tpu.dma_semaphore, #tpu.memory_space<semaphore_mem>>) {add = true}
        %dma_wait3A_636 = arith.constant 0 : i32
        %dma_wait3A_637 = arith.constant 0 : i32
        %dma_wait3A_638 = tpu.memref_slice %arg6[%run_scoped3A_514, %dma_wait3A_636, %dma_wait3A_637] : memref<2x128x128xf32, #tpu.memory_space<vmem>> -> memref<1x128x128xf32, #tpu.memory_space<vmem>>
        %dma_wait3A_639 = tpu.memref_squeeze %dma_wait3A_638 : memref<1x128x128xf32, #tpu.memory_space<vmem>> -> memref<128x128xf32, #tpu.memory_space<vmem>>
        %dma_wait3A_640 = tpu.memref_slice %arg5[%run_scoped3A_515, %run_scoped3A_516, %mul3A_513] : memref<2x2x3328xi32, #tpu.memory_space<vmem>> -> memref<1x1x128xi32, #tpu.memory_space<vmem>>
        %dma_wait3A_641 = tpu.memref_squeeze %dma_wait3A_640 : memref<1x1x128xi32, #tpu.memory_space<vmem>> -> memref<128xi32, #tpu.memory_space<vmem>>
        %dma_wait3A_642 = arith.constant 0 : i32
        %dma_wait3A_643 = arith.constant 0 : i32
        %dma_wait3A_644 = tpu.memref_slice %arg7[%dma_wait3A_642, %dma_wait3A_643] : memref<10240x128xf32, #tpu.memory_space<vmem_shared>> -> memref<10240x128xf32, #tpu.memory_space<vmem_shared>>
        tpu.wait_indirect_dma semaphore(%run_scoped3A_626 : memref<!tpu.dma_semaphore, #tpu.memory_space<semaphore_mem>>) src(%dma_wait3A_639 : memref<128x128xf32, #tpu.memory_space<vmem>>) dst(%dma_wait3A_644 : memref<10240x128xf32, #tpu.memory_space<vmem_shared>>)
        tpu.yield
      }) : () -> ()
      %add3A_517 = arith.constant 2 : i32
      %add3A_518 = arith.addi %add3A_479, %add3A_517 : i32
      %mul3A_519 = arith.constant 128 : i32
      %mul3A_520 = arith.muli %add3A_518, %mul3A_519 : i32
      %add3A_521 = arith.constant 0 : i32
      %add3A_522 = arith.addi %mul3A_520, %add3A_521 : i32
      %dma_start3A_523 = arith.constant 1 : i32
      %dma_start3A_524 = arith.constant 0 : i32
      %dma_start3A_525 = arith.constant 0 : i32
      %dma_start3A_526 = arith.constant 0 : i32
      %dma_start3A_527 = arith.constant 0 : i32
      %dma_start3A_528 = tpu.memref_slice %arg6[%dma_start3A_525, %dma_start3A_526, %dma_start3A_527] : memref<2x128x128xf32, #tpu.memory_space<vmem>> -> memref<1x64x128xf32, #tpu.memory_space<vmem>>
      %dma_start3A_529 = tpu.memref_squeeze %dma_start3A_528 : memref<1x64x128xf32, #tpu.memory_space<vmem>> -> memref<64x128xf32, #tpu.memory_space<vmem>>
      %dma_start3A_530 = tpu.memref_slice %arg5[%dma_start3A_523, %dma_start3A_524, %add3A_522] : memref<2x2x3328xi32, #tpu.memory_space<vmem>> -> memref<1x1x64xi32, #tpu.memory_space<vmem>>
      %dma_start3A_531 = tpu.memref_squeeze %dma_start3A_530 : memref<1x1x64xi32, #tpu.memory_space<vmem>> -> memref<64xi32, #tpu.memory_space<vmem>>
      %dma_start3A_532 = arith.constant 0 : i32
      %dma_start3A_533 = arith.constant 0 : i32
      %dma_start3A_534 = tpu.memref_slice %arg2[%dma_start3A_532, %dma_start3A_533] : memref<10000x128xf32, #tpu.memory_space<hbm>> -> memref<10000x128xf32, #tpu.memory_space<hbm>>
      tpu.enqueue_indirect_dma source(%dma_start3A_534 : memref<10000x128xf32, #tpu.memory_space<hbm>>) target(%dma_start3A_529 : memref<64x128xf32, #tpu.memory_space<vmem>>) offsets(%dma_start3A_531 : memref<64xi32, #tpu.memory_space<vmem>>) semaphore(%arg8 : memref<!tpu.dma_semaphore, #tpu.memory_space<semaphore_mem>>)
      %mul3A_535 = arith.constant 128 : i32
      %mul3A_536 = arith.muli %add3A_518, %mul3A_535 : i32
      %add3A_537 = arith.constant 64 : i32
      %add3A_538 = arith.addi %mul3A_536, %add3A_537 : i32
      %dma_start3A_539 = arith.constant 1 : i32
      %dma_start3A_540 = arith.constant 0 : i32
      %dma_start3A_541 = arith.constant 0 : i32
      %dma_start3A_542 = arith.constant 64 : i32
      %dma_start3A_543 = arith.constant 0 : i32
      %dma_start3A_544 = tpu.memref_slice %arg6[%dma_start3A_541, %dma_start3A_542, %dma_start3A_543] : memref<2x128x128xf32, #tpu.memory_space<vmem>> -> memref<1x64x128xf32, #tpu.memory_space<vmem>>
      %dma_start3A_545 = tpu.memref_squeeze %dma_start3A_544 : memref<1x64x128xf32, #tpu.memory_space<vmem>> -> memref<64x128xf32, #tpu.memory_space<vmem>>
      %dma_start3A_546 = tpu.memref_slice %arg5[%dma_start3A_539, %dma_start3A_540, %add3A_538] : memref<2x2x3328xi32, #tpu.memory_space<vmem>> -> memref<1x1x64xi32, #tpu.memory_space<vmem>>
      %dma_start3A_547 = tpu.memref_squeeze %dma_start3A_546 : memref<1x1x64xi32, #tpu.memory_space<vmem>> -> memref<64xi32, #tpu.memory_space<vmem>>
      %dma_start3A_548 = arith.constant 0 : i32
      %dma_start3A_549 = arith.constant 0 : i32
      %dma_start3A_550 = tpu.memref_slice %arg2[%dma_start3A_548, %dma_start3A_549] : memref<10000x128xf32, #tpu.memory_space<hbm>> -> memref<10000x128xf32, #tpu.memory_space<hbm>>
      tpu.enqueue_indirect_dma source(%dma_start3A_550 : memref<10000x128xf32, #tpu.memory_space<hbm>>) target(%dma_start3A_545 : memref<64x128xf32, #tpu.memory_space<vmem>>) offsets(%dma_start3A_547 : memref<64xi32, #tpu.memory_space<vmem>>) semaphore(%arg8 : memref<!tpu.dma_semaphore, #tpu.memory_space<semaphore_mem>>)
      %mul3A_551 = arith.constant 2 : i32
      %mul3A_552 = arith.muli %mul3A_551, %add3A_475 : i32
      %add3A_553 = arith.constant 1 : i32
      %add3A_554 = arith.addi %mul3A_552, %add3A_553 : i32
      %mul3A_555 = arith.constant 128 : i32
      %mul3A_556 = arith.muli %add3A_554, %mul3A_555 : i32
      %add3A_557 = arith.constant 0 : i32
      %add3A_558 = arith.addi %mul3A_556, %add3A_557 : i32
      %dma_wait3A_559 = arith.constant 1 : i32
      %dma_wait3A_560 = arith.constant 0 : i32
      %dma_wait3A_561 = arith.constant 1 : i32
      %dma_wait3A_562 = arith.constant 0 : i32
      %dma_wait3A_563 = arith.constant 0 : i32
      %dma_wait3A_564 = tpu.memref_slice %arg6[%dma_wait3A_561, %dma_wait3A_562, %dma_wait3A_563] : memref<2x128x128xf32, #tpu.memory_space<vmem>> -> memref<1x64x128xf32, #tpu.memory_space<vmem>>
      %dma_wait3A_565 = tpu.memref_squeeze %dma_wait3A_564 : memref<1x64x128xf32, #tpu.memory_space<vmem>> -> memref<64x128xf32, #tpu.memory_space<vmem>>
      %dma_wait3A_566 = tpu.memref_slice %arg5[%dma_wait3A_559, %dma_wait3A_560, %add3A_558] : memref<2x2x3328xi32, #tpu.memory_space<vmem>> -> memref<1x1x64xi32, #tpu.memory_space<vmem>>
      %dma_wait3A_567 = tpu.memref_squeeze %dma_wait3A_566 : memref<1x1x64xi32, #tpu.memory_space<vmem>> -> memref<64xi32, #tpu.memory_space<vmem>>
      %dma_wait3A_568 = arith.constant 0 : i32
      %dma_wait3A_569 = arith.constant 0 : i32
      %dma_wait3A_570 = tpu.memref_slice %arg2[%dma_wait3A_568, %dma_wait3A_569] : memref<10000x128xf32, #tpu.memory_space<hbm>> -> memref<10000x128xf32, #tpu.memory_space<hbm>>
      tpu.wait_indirect_dma semaphore(%arg9 : memref<!tpu.dma_semaphore, #tpu.memory_space<semaphore_mem>>) src(%dma_wait3A_570 : memref<10000x128xf32, #tpu.memory_space<hbm>>) dst(%dma_wait3A_565 : memref<64x128xf32, #tpu.memory_space<vmem>>)
      %mul3A_571 = arith.constant 128 : i32
      %mul3A_572 = arith.muli %add3A_554, %mul3A_571 : i32
      %add3A_573 = arith.constant 64 : i32
      %add3A_574 = arith.addi %mul3A_572, %add3A_573 : i32
      %dma_wait3A_575 = arith.constant 1 : i32
      %dma_wait3A_576 = arith.constant 0 : i32
      %dma_wait3A_577 = arith.constant 1 : i32
      %dma_wait3A_578 = arith.constant 64 : i32
      %dma_wait3A_579 = arith.constant 0 : i32
      %dma_wait3A_580 = tpu.memref_slice %arg6[%dma_wait3A_577, %dma_wait3A_578, %dma_wait3A_579] : memref<2x128x128xf32, #tpu.memory_space<vmem>> -> memref<1x64x128xf32, #tpu.memory_space<vmem>>
      %dma_wait3A_581 = tpu.memref_squeeze %dma_wait3A_580 : memref<1x64x128xf32, #tpu.memory_space<vmem>> -> memref<64x128xf32, #tpu.memory_space<vmem>>
      %dma_wait3A_582 = tpu.memref_slice %arg5[%dma_wait3A_575, %dma_wait3A_576, %add3A_574] : memref<2x2x3328xi32, #tpu.memory_space<vmem>> -> memref<1x1x64xi32, #tpu.memory_space<vmem>>
      %dma_wait3A_583 = tpu.memref_squeeze %dma_wait3A_582 : memref<1x1x64xi32, #tpu.memory_space<vmem>> -> memref<64xi32, #tpu.memory_space<vmem>>
      %dma_wait3A_584 = arith.constant 0 : i32
      %dma_wait3A_585 = arith.constant 0 : i32
      %dma_wait3A_586 = tpu.memref_slice %arg2[%dma_wait3A_584, %dma_wait3A_585] : memref<10000x128xf32, #tpu.memory_space<hbm>> -> memref<10000x128xf32, #tpu.memory_space<hbm>>
      tpu.wait_indirect_dma semaphore(%arg9 : memref<!tpu.dma_semaphore, #tpu.memory_space<semaphore_mem>>) src(%dma_wait3A_586 : memref<10000x128xf32, #tpu.memory_space<hbm>>) dst(%dma_wait3A_581 : memref<64x128xf32, #tpu.memory_space<vmem>>)
      %mul3A_587 = arith.constant 128 : i32
      %mul3A_588 = arith.muli %add3A_554, %mul3A_587 : i32
      %run_scoped3A_589 = arith.constant 1 : i32
      %run_scoped3A_590 = arith.constant 1 : i32
      %run_scoped3A_591 = arith.constant 1 : i32
      "tpu.region"() ({
        %run_scoped3A_626 = tpu.sem_alloc : memref<!tpu.dma_semaphore, #tpu.memory_space<semaphore_mem>>
        %dma_start3A_627 = arith.constant 0 : i32
        %dma_start3A_628 = arith.constant 0 : i32
        %dma_start3A_629 = tpu.memref_slice %arg6[%run_scoped3A_589, %dma_start3A_627, %dma_start3A_628] : memref<2x128x128xf32, #tpu.memory_space<vmem>> -> memref<1x128x128xf32, #tpu.memory_space<vmem>>
        %dma_start3A_630 = tpu.memref_squeeze %dma_start3A_629 : memref<1x128x128xf32, #tpu.memory_space<vmem>> -> memref<128x128xf32, #tpu.memory_space<vmem>>
        %dma_start3A_631 = tpu.memref_slice %arg5[%run_scoped3A_590, %run_scoped3A_591, %mul3A_588] : memref<2x2x3328xi32, #tpu.memory_space<vmem>> -> memref<1x1x128xi32, #tpu.memory_space<vmem>>
        %dma_start3A_632 = tpu.memref_squeeze %dma_start3A_631 : memref<1x1x128xi32, #tpu.memory_space<vmem>> -> memref<128xi32, #tpu.memory_space<vmem>>
        %dma_start3A_633 = arith.constant 0 : i32
        %dma_start3A_634 = arith.constant 0 : i32
        %dma_start3A_635 = tpu.memref_slice %arg7[%dma_start3A_633, %dma_start3A_634] : memref<10240x128xf32, #tpu.memory_space<vmem_shared>> -> memref<10240x128xf32, #tpu.memory_space<vmem_shared>>
        tpu.enqueue_indirect_dma source(%dma_start3A_630 : memref<128x128xf32, #tpu.memory_space<vmem>>) target(%dma_start3A_635 : memref<10240x128xf32, #tpu.memory_space<vmem_shared>>) offsets(%dma_start3A_632 : memref<128xi32, #tpu.memory_space<vmem>>) semaphore(%run_scoped3A_626 : memref<!tpu.dma_semaphore, #tpu.memory_space<semaphore_mem>>) {add = true}
        %dma_wait3A_636 = arith.constant 0 : i32
        %dma_wait3A_637 = arith.constant 0 : i32
        %dma_wait3A_638 = tpu.memref_slice %arg6[%run_scoped3A_589, %dma_wait3A_636, %dma_wait3A_637] : memref<2x128x128xf32, #tpu.memory_space<vmem>> -> memref<1x128x128xf32, #tpu.memory_space<vmem>>
        %dma_wait3A_639 = tpu.memref_squeeze %dma_wait3A_638 : memref<1x128x128xf32, #tpu.memory_space<vmem>> -> memref<128x128xf32, #tpu.memory_space<vmem>>
        %dma_wait3A_640 = tpu.memref_slice %arg5[%run_scoped3A_590, %run_scoped3A_591, %mul3A_588] : memref<2x2x3328xi32, #tpu.memory_space<vmem>> -> memref<1x1x128xi32, #tpu.memory_space<vmem>>
        %dma_wait3A_641 = tpu.memref_squeeze %dma_wait3A_640 : memref<1x1x128xi32, #tpu.memory_space<vmem>> -> memref<128xi32, #tpu.memory_space<vmem>>
        %dma_wait3A_642 = arith.constant 0 : i32
        %dma_wait3A_643 = arith.constant 0 : i32
        %dma_wait3A_644 = tpu.memref_slice %arg7[%dma_wait3A_642, %dma_wait3A_643] : memref<10240x128xf32, #tpu.memory_space<vmem_shared>> -> memref<10240x128xf32, #tpu.memory_space<vmem_shared>>
        tpu.wait_indirect_dma semaphore(%run_scoped3A_626 : memref<!tpu.dma_semaphore, #tpu.memory_space<semaphore_mem>>) src(%dma_wait3A_639 : memref<128x128xf32, #tpu.memory_space<vmem>>) dst(%dma_wait3A_644 : memref<10240x128xf32, #tpu.memory_space<vmem_shared>>)
        tpu.yield
      }) : () -> ()
      %add3A_592 = arith.constant 2 : i32
      %add3A_593 = arith.addi %add3A_554, %add3A_592 : i32
      %mul3A_594 = arith.constant 128 : i32
      %mul3A_595 = arith.muli %add3A_593, %mul3A_594 : i32
      %add3A_596 = arith.constant 0 : i32
      %add3A_597 = arith.addi %mul3A_595, %add3A_596 : i32
      %dma_start3A_598 = arith.constant 1 : i32
      %dma_start3A_599 = arith.constant 0 : i32
      %dma_start3A_600 = arith.constant 1 : i32
      %dma_start3A_601 = arith.constant 0 : i32
      %dma_start3A_602 = arith.constant 0 : i32
      %dma_start3A_603 = tpu.memref_slice %arg6[%dma_start3A_600, %dma_start3A_601, %dma_start3A_602] : memref<2x128x128xf32, #tpu.memory_space<vmem>> -> memref<1x64x128xf32, #tpu.memory_space<vmem>>
      %dma_start3A_604 = tpu.memref_squeeze %dma_start3A_603 : memref<1x64x128xf32, #tpu.memory_space<vmem>> -> memref<64x128xf32, #tpu.memory_space<vmem>>
      %dma_start3A_605 = tpu.memref_slice %arg5[%dma_start3A_598, %dma_start3A_599, %add3A_597] : memref<2x2x3328xi32, #tpu.memory_space<vmem>> -> memref<1x1x64xi32, #tpu.memory_space<vmem>>
      %dma_start3A_606 = tpu.memref_squeeze %dma_start3A_605 : memref<1x1x64xi32, #tpu.memory_space<vmem>> -> memref<64xi32, #tpu.memory_space<vmem>>
      %dma_start3A_607 = arith.constant 0 : i32
      %dma_start3A_608 = arith.constant 0 : i32
      %dma_start3A_609 = tpu.memref_slice %arg2[%dma_start3A_607, %dma_start3A_608] : memref<10000x128xf32, #tpu.memory_space<hbm>> -> memref<10000x128xf32, #tpu.memory_space<hbm>>
      tpu.enqueue_indirect_dma source(%dma_start3A_609 : memref<10000x128xf32, #tpu.memory_space<hbm>>) target(%dma_start3A_604 : memref<64x128xf32, #tpu.memory_space<vmem>>) offsets(%dma_start3A_606 : memref<64xi32, #tpu.memory_space<vmem>>) semaphore(%arg9 : memref<!tpu.dma_semaphore, #tpu.memory_space<semaphore_mem>>)
      %mul3A_610 = arith.constant 128 : i32
      %mul3A_611 = arith.muli %add3A_593, %mul3A_610 : i32
      %add3A_612 = arith.constant 64 : i32
      %add3A_613 = arith.addi %mul3A_611, %add3A_612 : i32
      %dma_start3A_614 = arith.constant 1 : i32
      %dma_start3A_615 = arith.constant 0 : i32
      %dma_start3A_616 = arith.constant 1 : i32
      %dma_start3A_617 = arith.constant 64 : i32
      %dma_start3A_618 = arith.constant 0 : i32
      %dma_start3A_619 = tpu.memref_slice %arg6[%dma_start3A_616, %dma_start3A_617, %dma_start3A_618] : memref<2x128x128xf32, #tpu.memory_space<vmem>> -> memref<1x64x128xf32, #tpu.memory_space<vmem>>
      %dma_start3A_620 = tpu.memref_squeeze %dma_start3A_619 : memref<1x64x128xf32, #tpu.memory_space<vmem>> -> memref<64x128xf32, #tpu.memory_space<vmem>>
      %dma_start3A_621 = tpu.memref_slice %arg5[%dma_start3A_614, %dma_start3A_615, %add3A_613] : memref<2x2x3328xi32, #tpu.memory_space<vmem>> -> memref<1x1x64xi32, #tpu.memory_space<vmem>>
      %dma_start3A_622 = tpu.memref_squeeze %dma_start3A_621 : memref<1x1x64xi32, #tpu.memory_space<vmem>> -> memref<64xi32, #tpu.memory_space<vmem>>
      %dma_start3A_623 = arith.constant 0 : i32
      %dma_start3A_624 = arith.constant 0 : i32
      %dma_start3A_625 = tpu.memref_slice %arg2[%dma_start3A_623, %dma_start3A_624] : memref<10000x128xf32, #tpu.memory_space<hbm>> -> memref<10000x128xf32, #tpu.memory_space<hbm>>
      tpu.enqueue_indirect_dma source(%dma_start3A_625 : memref<10000x128xf32, #tpu.memory_space<hbm>>) target(%dma_start3A_620 : memref<64x128xf32, #tpu.memory_space<vmem>>) offsets(%dma_start3A_622 : memref<64xi32, #tpu.memory_space<vmem>>) semaphore(%arg9 : memref<!tpu.dma_semaphore, #tpu.memory_space<semaphore_mem>>)
    }
    %scan3A_269 = arith.constant 12 : i32
    %add3A_270 = arith.constant 6656 : i32
    %add3A_271 = arith.addi %mul3A_2, %add3A_270 : i32
    %dma_wait3A_272 = arith.constant 0 : i32
    %dma_wait3A_273 = arith.constant 0 : i32
    %dma_wait3A_274 = arith.constant 0 : i32
    %dma_wait3A_275 = tpu.memref_slice %arg5[%dma_wait3A_272, %dma_wait3A_273, %dma_wait3A_274] : memref<2x2x3328xi32, #tpu.memory_space<vmem>> -> memref<1x2x3328xi32, #tpu.memory_space<vmem>>
    %dma_wait3A_276 = tpu.memref_squeeze %dma_wait3A_275 : memref<1x2x3328xi32, #tpu.memory_space<vmem>> -> memref<2x3328xi32, #tpu.memory_space<vmem>>
    %dma_wait3A_277 = arith.constant 0 : i32
    %dma_wait3A_278 = tpu.memref_slice %arg3[%dma_wait3A_277, %add3A_271] : memref<2x320000xi32, #tpu.memory_space<hbm>> -> memref<2x3328xi32, #tpu.memory_space<hbm>>
    %dma_wait3A_279 = arith.constant 0 : i32
    %dma_wait3A_280 = arith.constant 0 : i32
    %dma_wait3A_281 = tpu.memref_slice %arg5[%dma_wait3A_272, %dma_wait3A_279, %dma_wait3A_280] : memref<2x2x3328xi32, #tpu.memory_space<vmem>> -> memref<1x2x3328xi32, #tpu.memory_space<vmem>>
    %dma_wait3A_282 = tpu.memref_squeeze %dma_wait3A_281 : memref<1x2x3328xi32, #tpu.memory_space<vmem>> -> memref<2x3328xi32, #tpu.memory_space<vmem>>
    %dma_wait3A_283 = arith.constant 0 : i32
    %dma_wait3A_284 = tpu.memref_slice %arg3[%dma_wait3A_283, %add3A_271] : memref<2x320000xi32, #tpu.memory_space<hbm>> -> memref<2x3328xi32, #tpu.memory_space<hbm>>
    tpu.wait_dma2 semaphore(%arg10 : memref<!tpu.dma_semaphore, #tpu.memory_space<semaphore_mem>>) src(%dma_wait3A_284 : memref<2x3328xi32, #tpu.memory_space<hbm>>) dst(%dma_wait3A_282 : memref<2x3328xi32, #tpu.memory_space<vmem>>)
    %dma_wait3A_285 = arith.constant 1 : i32
    %dma_wait3A_286 = arith.constant 0 : i32
    %dma_wait3A_287 = arith.constant 0 : i32
    %dma_wait3A_288 = arith.constant 0 : i32
    %dma_wait3A_289 = arith.constant 0 : i32
    %dma_wait3A_290 = tpu.memref_slice %arg6[%dma_wait3A_287, %dma_wait3A_288, %dma_wait3A_289] : memref<2x128x128xf32, #tpu.memory_space<vmem>> -> memref<1x64x128xf32, #tpu.memory_space<vmem>>
    %dma_wait3A_291 = tpu.memref_squeeze %dma_wait3A_290 : memref<1x64x128xf32, #tpu.memory_space<vmem>> -> memref<64x128xf32, #tpu.memory_space<vmem>>
    %dma_wait3A_292 = arith.constant 3072 : i32
    %dma_wait3A_293 = tpu.memref_slice %arg5[%dma_wait3A_285, %dma_wait3A_286, %dma_wait3A_292] : memref<2x2x3328xi32, #tpu.memory_space<vmem>> -> memref<1x1x64xi32, #tpu.memory_space<vmem>>
    %dma_wait3A_294 = tpu.memref_squeeze %dma_wait3A_293 : memref<1x1x64xi32, #tpu.memory_space<vmem>> -> memref<64xi32, #tpu.memory_space<vmem>>
    %dma_wait3A_295 = arith.constant 0 : i32
    %dma_wait3A_296 = arith.constant 0 : i32
    %dma_wait3A_297 = tpu.memref_slice %arg2[%dma_wait3A_295, %dma_wait3A_296] : memref<10000x128xf32, #tpu.memory_space<hbm>> -> memref<10000x128xf32, #tpu.memory_space<hbm>>
    tpu.wait_indirect_dma semaphore(%arg8 : memref<!tpu.dma_semaphore, #tpu.memory_space<semaphore_mem>>) src(%dma_wait3A_297 : memref<10000x128xf32, #tpu.memory_space<hbm>>) dst(%dma_wait3A_291 : memref<64x128xf32, #tpu.memory_space<vmem>>)
    %dma_wait3A_298 = arith.constant 1 : i32
    %dma_wait3A_299 = arith.constant 0 : i32
    %dma_wait3A_300 = arith.constant 0 : i32
    %dma_wait3A_301 = arith.constant 64 : i32
    %dma_wait3A_302 = arith.constant 0 : i32
    %dma_wait3A_303 = tpu.memref_slice %arg6[%dma_wait3A_300, %dma_wait3A_301, %dma_wait3A_302] : memref<2x128x128xf32, #tpu.memory_space<vmem>> -> memref<1x64x128xf32, #tpu.memory_space<vmem>>
    %dma_wait3A_304 = tpu.memref_squeeze %dma_wait3A_303 : memref<1x64x128xf32, #tpu.memory_space<vmem>> -> memref<64x128xf32, #tpu.memory_space<vmem>>
    %dma_wait3A_305 = arith.constant 3136 : i32
    %dma_wait3A_306 = tpu.memref_slice %arg5[%dma_wait3A_298, %dma_wait3A_299, %dma_wait3A_305] : memref<2x2x3328xi32, #tpu.memory_space<vmem>> -> memref<1x1x64xi32, #tpu.memory_space<vmem>>
    %dma_wait3A_307 = tpu.memref_squeeze %dma_wait3A_306 : memref<1x1x64xi32, #tpu.memory_space<vmem>> -> memref<64xi32, #tpu.memory_space<vmem>>
    %dma_wait3A_308 = arith.constant 0 : i32
    %dma_wait3A_309 = arith.constant 0 : i32
    %dma_wait3A_310 = tpu.memref_slice %arg2[%dma_wait3A_308, %dma_wait3A_309] : memref<10000x128xf32, #tpu.memory_space<hbm>> -> memref<10000x128xf32, #tpu.memory_space<hbm>>
    tpu.wait_indirect_dma semaphore(%arg8 : memref<!tpu.dma_semaphore, #tpu.memory_space<semaphore_mem>>) src(%dma_wait3A_310 : memref<10000x128xf32, #tpu.memory_space<hbm>>) dst(%dma_wait3A_304 : memref<64x128xf32, #tpu.memory_space<vmem>>)
    %run_scoped3A_311 = arith.constant 0 : i32
    %run_scoped3A_312 = arith.constant 1 : i32
    %run_scoped3A_313 = arith.constant 1 : i32
    "tpu.region"() ({
      %run_scoped3A_471 = tpu.sem_alloc : memref<!tpu.dma_semaphore, #tpu.memory_space<semaphore_mem>>
      %dma_start3A_472 = arith.constant 0 : i32
      %dma_start3A_473 = arith.constant 0 : i32
      %dma_start3A_474 = tpu.memref_slice %arg6[%run_scoped3A_311, %dma_start3A_472, %dma_start3A_473] : memref<2x128x128xf32, #tpu.memory_space<vmem>> -> memref<1x128x128xf32, #tpu.memory_space<vmem>>
      %dma_start3A_475 = tpu.memref_squeeze %dma_start3A_474 : memref<1x128x128xf32, #tpu.memory_space<vmem>> -> memref<128x128xf32, #tpu.memory_space<vmem>>
      %dma_start3A_476 = arith.constant 3072 : i32
      %dma_start3A_477 = tpu.memref_slice %arg5[%run_scoped3A_312, %run_scoped3A_313, %dma_start3A_476] : memref<2x2x3328xi32, #tpu.memory_space<vmem>> -> memref<1x1x128xi32, #tpu.memory_space<vmem>>
      %dma_start3A_478 = tpu.memref_squeeze %dma_start3A_477 : memref<1x1x128xi32, #tpu.memory_space<vmem>> -> memref<128xi32, #tpu.memory_space<vmem>>
      %dma_start3A_479 = arith.constant 0 : i32
      %dma_start3A_480 = arith.constant 0 : i32
      %dma_start3A_481 = tpu.memref_slice %arg7[%dma_start3A_479, %dma_start3A_480] : memref<10240x128xf32, #tpu.memory_space<vmem_shared>> -> memref<10240x128xf32, #tpu.memory_space<vmem_shared>>
      tpu.enqueue_indirect_dma source(%dma_start3A_475 : memref<128x128xf32, #tpu.memory_space<vmem>>) target(%dma_start3A_481 : memref<10240x128xf32, #tpu.memory_space<vmem_shared>>) offsets(%dma_start3A_478 : memref<128xi32, #tpu.memory_space<vmem>>) semaphore(%run_scoped3A_471 : memref<!tpu.dma_semaphore, #tpu.memory_space<semaphore_mem>>) {add = true}
      %dma_wait3A_482 = arith.constant 0 : i32
      %dma_wait3A_483 = arith.constant 0 : i32
      %dma_wait3A_484 = tpu.memref_slice %arg6[%run_scoped3A_311, %dma_wait3A_482, %dma_wait3A_483] : memref<2x128x128xf32, #tpu.memory_space<vmem>> -> memref<1x128x128xf32, #tpu.memory_space<vmem>>
      %dma_wait3A_485 = tpu.memref_squeeze %dma_wait3A_484 : memref<1x128x128xf32, #tpu.memory_space<vmem>> -> memref<128x128xf32, #tpu.memory_space<vmem>>
      %dma_wait3A_486 = arith.constant 3072 : i32
      %dma_wait3A_487 = tpu.memref_slice %arg5[%run_scoped3A_312, %run_scoped3A_313, %dma_wait3A_486] : memref<2x2x3328xi32, #tpu.memory_space<vmem>> -> memref<1x1x128xi32, #tpu.memory_space<vmem>>
      %dma_wait3A_488 = tpu.memref_squeeze %dma_wait3A_487 : memref<1x1x128xi32, #tpu.memory_space<vmem>> -> memref<128xi32, #tpu.memory_space<vmem>>
      %dma_wait3A_489 = arith.constant 0 : i32
      %dma_wait3A_490 = arith.constant 0 : i32
      %dma_wait3A_491 = tpu.memref_slice %arg7[%dma_wait3A_489, %dma_wait3A_490] : memref<10240x128xf32, #tpu.memory_space<vmem_shared>> -> memref<10240x128xf32, #tpu.memory_space<vmem_shared>>
      tpu.wait_indirect_dma semaphore(%run_scoped3A_471 : memref<!tpu.dma_semaphore, #tpu.memory_space<semaphore_mem>>) src(%dma_wait3A_485 : memref<128x128xf32, #tpu.memory_space<vmem>>) dst(%dma_wait3A_491 : memref<10240x128xf32, #tpu.memory_space<vmem_shared>>)
      tpu.yield
    }) : () -> ()
    %dma_start3A_314 = arith.constant 0 : i32
    %dma_start3A_315 = arith.constant 0 : i32
    %dma_start3A_316 = arith.constant 0 : i32
    %dma_start3A_317 = arith.constant 0 : i32
    %dma_start3A_318 = arith.constant 0 : i32
    %dma_start3A_319 = tpu.memref_slice %arg6[%dma_start3A_316, %dma_start3A_317, %dma_start3A_318] : memref<2x128x128xf32, #tpu.memory_space<vmem>> -> memref<1x64x128xf32, #tpu.memory_space<vmem>>
    %dma_start3A_320 = tpu.memref_squeeze %dma_start3A_319 : memref<1x64x128xf32, #tpu.memory_space<vmem>> -> memref<64x128xf32, #tpu.memory_space<vmem>>
    %dma_start3A_321 = arith.constant 0 : i32
    %dma_start3A_322 = tpu.memref_slice %arg5[%dma_start3A_314, %dma_start3A_315, %dma_start3A_321] : memref<2x2x3328xi32, #tpu.memory_space<vmem>> -> memref<1x1x64xi32, #tpu.memory_space<vmem>>
    %dma_start3A_323 = tpu.memref_squeeze %dma_start3A_322 : memref<1x1x64xi32, #tpu.memory_space<vmem>> -> memref<64xi32, #tpu.memory_space<vmem>>
    %dma_start3A_324 = arith.constant 0 : i32
    %dma_start3A_325 = arith.constant 0 : i32
    %dma_start3A_326 = tpu.memref_slice %arg2[%dma_start3A_324, %dma_start3A_325] : memref<10000x128xf32, #tpu.memory_space<hbm>> -> memref<10000x128xf32, #tpu.memory_space<hbm>>
    tpu.enqueue_indirect_dma source(%dma_start3A_326 : memref<10000x128xf32, #tpu.memory_space<hbm>>) target(%dma_start3A_320 : memref<64x128xf32, #tpu.memory_space<vmem>>) offsets(%dma_start3A_323 : memref<64xi32, #tpu.memory_space<vmem>>) semaphore(%arg8 : memref<!tpu.dma_semaphore, #tpu.memory_space<semaphore_mem>>)
    %dma_start3A_327 = arith.constant 0 : i32
    %dma_start3A_328 = arith.constant 0 : i32
    %dma_start3A_329 = arith.constant 0 : i32
    %dma_start3A_330 = arith.constant 64 : i32
    %dma_start3A_331 = arith.constant 0 : i32
    %dma_start3A_332 = tpu.memref_slice %arg6[%dma_start3A_329, %dma_start3A_330, %dma_start3A_331] : memref<2x128x128xf32, #tpu.memory_space<vmem>> -> memref<1x64x128xf32, #tpu.memory_space<vmem>>
    %dma_start3A_333 = tpu.memref_squeeze %dma_start3A_332 : memref<1x64x128xf32, #tpu.memory_space<vmem>> -> memref<64x128xf32, #tpu.memory_space<vmem>>
    %dma_start3A_334 = arith.constant 64 : i32
    %dma_start3A_335 = tpu.memref_slice %arg5[%dma_start3A_327, %dma_start3A_328, %dma_start3A_334] : memref<2x2x3328xi32, #tpu.memory_space<vmem>> -> memref<1x1x64xi32, #tpu.memory_space<vmem>>
    %dma_start3A_336 = tpu.memref_squeeze %dma_start3A_335 : memref<1x1x64xi32, #tpu.memory_space<vmem>> -> memref<64xi32, #tpu.memory_space<vmem>>
    %dma_start3A_337 = arith.constant 0 : i32
    %dma_start3A_338 = arith.constant 0 : i32
    %dma_start3A_339 = tpu.memref_slice %arg2[%dma_start3A_337, %dma_start3A_338] : memref<10000x128xf32, #tpu.memory_space<hbm>> -> memref<10000x128xf32, #tpu.memory_space<hbm>>
    tpu.enqueue_indirect_dma source(%dma_start3A_339 : memref<10000x128xf32, #tpu.memory_space<hbm>>) target(%dma_start3A_333 : memref<64x128xf32, #tpu.memory_space<vmem>>) offsets(%dma_start3A_336 : memref<64xi32, #tpu.memory_space<vmem>>) semaphore(%arg8 : memref<!tpu.dma_semaphore, #tpu.memory_space<semaphore_mem>>)
    %dma_wait3A_340 = arith.constant 1 : i32
    %dma_wait3A_341 = arith.constant 0 : i32
    %dma_wait3A_342 = arith.constant 1 : i32
    %dma_wait3A_343 = arith.constant 0 : i32
    %dma_wait3A_344 = arith.constant 0 : i32
    %dma_wait3A_345 = tpu.memref_slice %arg6[%dma_wait3A_342, %dma_wait3A_343, %dma_wait3A_344] : memref<2x128x128xf32, #tpu.memory_space<vmem>> -> memref<1x64x128xf32, #tpu.memory_space<vmem>>
    %dma_wait3A_346 = tpu.memref_squeeze %dma_wait3A_345 : memref<1x64x128xf32, #tpu.memory_space<vmem>> -> memref<64x128xf32, #tpu.memory_space<vmem>>
    %dma_wait3A_347 = arith.constant 3200 : i32
    %dma_wait3A_348 = tpu.memref_slice %arg5[%dma_wait3A_340, %dma_wait3A_341, %dma_wait3A_347] : memref<2x2x3328xi32, #tpu.memory_space<vmem>> -> memref<1x1x64xi32, #tpu.memory_space<vmem>>
    %dma_wait3A_349 = tpu.memref_squeeze %dma_wait3A_348 : memref<1x1x64xi32, #tpu.memory_space<vmem>> -> memref<64xi32, #tpu.memory_space<vmem>>
    %dma_wait3A_350 = arith.constant 0 : i32
    %dma_wait3A_351 = arith.constant 0 : i32
    %dma_wait3A_352 = tpu.memref_slice %arg2[%dma_wait3A_350, %dma_wait3A_351] : memref<10000x128xf32, #tpu.memory_space<hbm>> -> memref<10000x128xf32, #tpu.memory_space<hbm>>
    tpu.wait_indirect_dma semaphore(%arg9 : memref<!tpu.dma_semaphore, #tpu.memory_space<semaphore_mem>>) src(%dma_wait3A_352 : memref<10000x128xf32, #tpu.memory_space<hbm>>) dst(%dma_wait3A_346 : memref<64x128xf32, #tpu.memory_space<vmem>>)
    %dma_wait3A_353 = arith.constant 1 : i32
    %dma_wait3A_354 = arith.constant 0 : i32
    %dma_wait3A_355 = arith.constant 1 : i32
    %dma_wait3A_356 = arith.constant 64 : i32
    %dma_wait3A_357 = arith.constant 0 : i32
    %dma_wait3A_358 = tpu.memref_slice %arg6[%dma_wait3A_355, %dma_wait3A_356, %dma_wait3A_357] : memref<2x128x128xf32, #tpu.memory_space<vmem>> -> memref<1x64x128xf32, #tpu.memory_space<vmem>>
    %dma_wait3A_359 = tpu.memref_squeeze %dma_wait3A_358 : memref<1x64x128xf32, #tpu.memory_space<vmem>> -> memref<64x128xf32, #tpu.memory_space<vmem>>
    %dma_wait3A_360 = arith.constant 3264 : i32
    %dma_wait3A_361 = tpu.memref_slice %arg5[%dma_wait3A_353, %dma_wait3A_354, %dma_wait3A_360] : memref<2x2x3328xi32, #tpu.memory_space<vmem>> -> memref<1x1x64xi32, #tpu.memory_space<vmem>>
    %dma_wait3A_362 = tpu.memref_squeeze %dma_wait3A_361 : memref<1x1x64xi32, #tpu.memory_space<vmem>> -> memref<64xi32, #tpu.memory_space<vmem>>
    %dma_wait3A_363 = arith.constant 0 : i32
    %dma_wait3A_364 = arith.constant 0 : i32
    %dma_wait3A_365 = tpu.memref_slice %arg2[%dma_wait3A_363, %dma_wait3A_364] : memref<10000x128xf32, #tpu.memory_space<hbm>> -> memref<10000x128xf32, #tpu.memory_space<hbm>>
    tpu.wait_indirect_dma semaphore(%arg9 : memref<!tpu.dma_semaphore, #tpu.memory_space<semaphore_mem>>) src(%dma_wait3A_365 : memref<10000x128xf32, #tpu.memory_space<hbm>>) dst(%dma_wait3A_359 : memref<64x128xf32, #tpu.memory_space<vmem>>)
    %run_scoped3A_366 = arith.constant 1 : i32
    %run_scoped3A_367 = arith.constant 1 : i32
    %run_scoped3A_368 = arith.constant 1 : i32
    "tpu.region"() ({
      %run_scoped3A_471 = tpu.sem_alloc : memref<!tpu.dma_semaphore, #tpu.memory_space<semaphore_mem>>
      %dma_start3A_472 = arith.constant 0 : i32
      %dma_start3A_473 = arith.constant 0 : i32
      %dma_start3A_474 = tpu.memref_slice %arg6[%run_scoped3A_366, %dma_start3A_472, %dma_start3A_473] : memref<2x128x128xf32, #tpu.memory_space<vmem>> -> memref<1x128x128xf32, #tpu.memory_space<vmem>>
      %dma_start3A_475 = tpu.memref_squeeze %dma_start3A_474 : memref<1x128x128xf32, #tpu.memory_space<vmem>> -> memref<128x128xf32, #tpu.memory_space<vmem>>
      %dma_start3A_476 = arith.constant 3200 : i32
      %dma_start3A_477 = tpu.memref_slice %arg5[%run_scoped3A_367, %run_scoped3A_368, %dma_start3A_476] : memref<2x2x3328xi32, #tpu.memory_space<vmem>> -> memref<1x1x128xi32, #tpu.memory_space<vmem>>
      %dma_start3A_478 = tpu.memref_squeeze %dma_start3A_477 : memref<1x1x128xi32, #tpu.memory_space<vmem>> -> memref<128xi32, #tpu.memory_space<vmem>>
      %dma_start3A_479 = arith.constant 0 : i32
      %dma_start3A_480 = arith.constant 0 : i32
      %dma_start3A_481 = tpu.memref_slice %arg7[%dma_start3A_479, %dma_start3A_480] : memref<10240x128xf32, #tpu.memory_space<vmem_shared>> -> memref<10240x128xf32, #tpu.memory_space<vmem_shared>>
      tpu.enqueue_indirect_dma source(%dma_start3A_475 : memref<128x128xf32, #tpu.memory_space<vmem>>) target(%dma_start3A_481 : memref<10240x128xf32, #tpu.memory_space<vmem_shared>>) offsets(%dma_start3A_478 : memref<128xi32, #tpu.memory_space<vmem>>) semaphore(%run_scoped3A_471 : memref<!tpu.dma_semaphore, #tpu.memory_space<semaphore_mem>>) {add = true}
      %dma_wait3A_482 = arith.constant 0 : i32
      %dma_wait3A_483 = arith.constant 0 : i32
      %dma_wait3A_484 = tpu.memref_slice %arg6[%run_scoped3A_366, %dma_wait3A_482, %dma_wait3A_483] : memref<2x128x128xf32, #tpu.memory_space<vmem>> -> memref<1x128x128xf32, #tpu.memory_space<vmem>>
      %dma_wait3A_485 = tpu.memref_squeeze %dma_wait3A_484 : memref<1x128x128xf32, #tpu.memory_space<vmem>> -> memref<128x128xf32, #tpu.memory_space<vmem>>
      %dma_wait3A_486 = arith.constant 3200 : i32
      %dma_wait3A_487 = tpu.memref_slice %arg5[%run_scoped3A_367, %run_scoped3A_368, %dma_wait3A_486] : memref<2x2x3328xi32, #tpu.memory_space<vmem>> -> memref<1x1x128xi32, #tpu.memory_space<vmem>>
      %dma_wait3A_488 = tpu.memref_squeeze %dma_wait3A_487 : memref<1x1x128xi32, #tpu.memory_space<vmem>> -> memref<128xi32, #tpu.memory_space<vmem>>
      %dma_wait3A_489 = arith.constant 0 : i32
      %dma_wait3A_490 = arith.constant 0 : i32
      %dma_wait3A_491 = tpu.memref_slice %arg7[%dma_wait3A_489, %dma_wait3A_490] : memref<10240x128xf32, #tpu.memory_space<vmem_shared>> -> memref<10240x128xf32, #tpu.memory_space<vmem_shared>>
      tpu.wait_indirect_dma semaphore(%run_scoped3A_471 : memref<!tpu.dma_semaphore, #tpu.memory_space<semaphore_mem>>) src(%dma_wait3A_485 : memref<128x128xf32, #tpu.memory_space<vmem>>) dst(%dma_wait3A_491 : memref<10240x128xf32, #tpu.memory_space<vmem_shared>>)
      tpu.yield
    }) : () -> ()
    %dma_start3A_369 = arith.constant 0 : i32
    %dma_start3A_370 = arith.constant 0 : i32
    %dma_start3A_371 = arith.constant 1 : i32
    %dma_start3A_372 = arith.constant 0 : i32
    %dma_start3A_373 = arith.constant 0 : i32
    %dma_start3A_374 = tpu.memref_slice %arg6[%dma_start3A_371, %dma_start3A_372, %dma_start3A_373] : memref<2x128x128xf32, #tpu.memory_space<vmem>> -> memref<1x64x128xf32, #tpu.memory_space<vmem>>
    %dma_start3A_375 = tpu.memref_squeeze %dma_start3A_374 : memref<1x64x128xf32, #tpu.memory_space<vmem>> -> memref<64x128xf32, #tpu.memory_space<vmem>>
    %dma_start3A_376 = arith.constant 128 : i32
    %dma_start3A_377 = tpu.memref_slice %arg5[%dma_start3A_369, %dma_start3A_370, %dma_start3A_376] : memref<2x2x3328xi32, #tpu.memory_space<vmem>> -> memref<1x1x64xi32, #tpu.memory_space<vmem>>
    %dma_start3A_378 = tpu.memref_squeeze %dma_start3A_377 : memref<1x1x64xi32, #tpu.memory_space<vmem>> -> memref<64xi32, #tpu.memory_space<vmem>>
    %dma_start3A_379 = arith.constant 0 : i32
    %dma_start3A_380 = arith.constant 0 : i32
    %dma_start3A_381 = tpu.memref_slice %arg2[%dma_start3A_379, %dma_start3A_380] : memref<10000x128xf32, #tpu.memory_space<hbm>> -> memref<10000x128xf32, #tpu.memory_space<hbm>>
    tpu.enqueue_indirect_dma source(%dma_start3A_381 : memref<10000x128xf32, #tpu.memory_space<hbm>>) target(%dma_start3A_375 : memref<64x128xf32, #tpu.memory_space<vmem>>) offsets(%dma_start3A_378 : memref<64xi32, #tpu.memory_space<vmem>>) semaphore(%arg9 : memref<!tpu.dma_semaphore, #tpu.memory_space<semaphore_mem>>)
    %dma_start3A_382 = arith.constant 0 : i32
    %dma_start3A_383 = arith.constant 0 : i32
    %dma_start3A_384 = arith.constant 1 : i32
    %dma_start3A_385 = arith.constant 64 : i32
    %dma_start3A_386 = arith.constant 0 : i32
    %dma_start3A_387 = tpu.memref_slice %arg6[%dma_start3A_384, %dma_start3A_385, %dma_start3A_386] : memref<2x128x128xf32, #tpu.memory_space<vmem>> -> memref<1x64x128xf32, #tpu.memory_space<vmem>>
    %dma_start3A_388 = tpu.memref_squeeze %dma_start3A_387 : memref<1x64x128xf32, #tpu.memory_space<vmem>> -> memref<64x128xf32, #tpu.memory_space<vmem>>
    %dma_start3A_389 = arith.constant 192 : i32
    %dma_start3A_390 = tpu.memref_slice %arg5[%dma_start3A_382, %dma_start3A_383, %dma_start3A_389] : memref<2x2x3328xi32, #tpu.memory_space<vmem>> -> memref<1x1x64xi32, #tpu.memory_space<vmem>>
    %dma_start3A_391 = tpu.memref_squeeze %dma_start3A_390 : memref<1x1x64xi32, #tpu.memory_space<vmem>> -> memref<64xi32, #tpu.memory_space<vmem>>
    %dma_start3A_392 = arith.constant 0 : i32
    %dma_start3A_393 = arith.constant 0 : i32
    %dma_start3A_394 = tpu.memref_slice %arg2[%dma_start3A_392, %dma_start3A_393] : memref<10000x128xf32, #tpu.memory_space<hbm>> -> memref<10000x128xf32, #tpu.memory_space<hbm>>
    tpu.enqueue_indirect_dma source(%dma_start3A_394 : memref<10000x128xf32, #tpu.memory_space<hbm>>) target(%dma_start3A_388 : memref<64x128xf32, #tpu.memory_space<vmem>>) offsets(%dma_start3A_391 : memref<64xi32, #tpu.memory_space<vmem>>) semaphore(%arg9 : memref<!tpu.dma_semaphore, #tpu.memory_space<semaphore_mem>>)
    %scan3A_395 = arith.constant 0 : i32
    %scan3A_396 = arith.constant 12 : i32
    %scan3A_397 = arith.addi %scan3A_395, %scan3A_396 : i32
    %scan3A_398 = arith.constant 1 : i32
    scf.for %scan3A_471 = %scan3A_395 to %scan3A_397 step %scan3A_398  : i32 {
      %mul3A_472 = arith.constant 1 : i32
      %mul3A_473 = arith.muli %scan3A_471, %mul3A_472 : i32
      %add3A_474 = arith.constant 0 : i32
      %add3A_475 = arith.addi %add3A_474, %mul3A_473 : i32
      %mul3A_476 = arith.constant 2 : i32
      %mul3A_477 = arith.muli %mul3A_476, %add3A_475 : i32
      %add3A_478 = arith.constant 0 : i32
      %add3A_479 = arith.addi %mul3A_477, %add3A_478 : i32
      %mul3A_480 = arith.constant 128 : i32
      %mul3A_481 = arith.muli %add3A_479, %mul3A_480 : i32
      %add3A_482 = arith.constant 0 : i32
      %add3A_483 = arith.addi %mul3A_481, %add3A_482 : i32
      %dma_wait3A_484 = arith.constant 0 : i32
      %dma_wait3A_485 = arith.constant 0 : i32
      %dma_wait3A_486 = arith.constant 0 : i32
      %dma_wait3A_487 = arith.constant 0 : i32
      %dma_wait3A_488 = arith.constant 0 : i32
      %dma_wait3A_489 = tpu.memref_slice %arg6[%dma_wait3A_486, %dma_wait3A_487, %dma_wait3A_488] : memref<2x128x128xf32, #tpu.memory_space<vmem>> -> memref<1x64x128xf32, #tpu.memory_space<vmem>>
      %dma_wait3A_490 = tpu.memref_squeeze %dma_wait3A_489 : memref<1x64x128xf32, #tpu.memory_space<vmem>> -> memref<64x128xf32, #tpu.memory_space<vmem>>
      %dma_wait3A_491 = tpu.memref_slice %arg5[%dma_wait3A_484, %dma_wait3A_485, %add3A_483] : memref<2x2x3328xi32, #tpu.memory_space<vmem>> -> memref<1x1x64xi32, #tpu.memory_space<vmem>>
      %dma_wait3A_492 = tpu.memref_squeeze %dma_wait3A_491 : memref<1x1x64xi32, #tpu.memory_space<vmem>> -> memref<64xi32, #tpu.memory_space<vmem>>
      %dma_wait3A_493 = arith.constant 0 : i32
      %dma_wait3A_494 = arith.constant 0 : i32
      %dma_wait3A_495 = tpu.memref_slice %arg2[%dma_wait3A_493, %dma_wait3A_494] : memref<10000x128xf32, #tpu.memory_space<hbm>> -> memref<10000x128xf32, #tpu.memory_space<hbm>>
      tpu.wait_indirect_dma semaphore(%arg8 : memref<!tpu.dma_semaphore, #tpu.memory_space<semaphore_mem>>) src(%dma_wait3A_495 : memref<10000x128xf32, #tpu.memory_space<hbm>>) dst(%dma_wait3A_490 : memref<64x128xf32, #tpu.memory_space<vmem>>)
      %mul3A_496 = arith.constant 128 : i32
      %mul3A_497 = arith.muli %add3A_479, %mul3A_496 : i32
      %add3A_498 = arith.constant 64 : i32
      %add3A_499 = arith.addi %mul3A_497, %add3A_498 : i32
      %dma_wait3A_500 = arith.constant 0 : i32
      %dma_wait3A_501 = arith.constant 0 : i32
      %dma_wait3A_502 = arith.constant 0 : i32
      %dma_wait3A_503 = arith.constant 64 : i32
      %dma_wait3A_504 = arith.constant 0 : i32
      %dma_wait3A_505 = tpu.memref_slice %arg6[%dma_wait3A_502, %dma_wait3A_503, %dma_wait3A_504] : memref<2x128x128xf32, #tpu.memory_space<vmem>> -> memref<1x64x128xf32, #tpu.memory_space<vmem>>
      %dma_wait3A_506 = tpu.memref_squeeze %dma_wait3A_505 : memref<1x64x128xf32, #tpu.memory_space<vmem>> -> memref<64x128xf32, #tpu.memory_space<vmem>>
      %dma_wait3A_507 = tpu.memref_slice %arg5[%dma_wait3A_500, %dma_wait3A_501, %add3A_499] : memref<2x2x3328xi32, #tpu.memory_space<vmem>> -> memref<1x1x64xi32, #tpu.memory_space<vmem>>
      %dma_wait3A_508 = tpu.memref_squeeze %dma_wait3A_507 : memref<1x1x64xi32, #tpu.memory_space<vmem>> -> memref<64xi32, #tpu.memory_space<vmem>>
      %dma_wait3A_509 = arith.constant 0 : i32
      %dma_wait3A_510 = arith.constant 0 : i32
      %dma_wait3A_511 = tpu.memref_slice %arg2[%dma_wait3A_509, %dma_wait3A_510] : memref<10000x128xf32, #tpu.memory_space<hbm>> -> memref<10000x128xf32, #tpu.memory_space<hbm>>
      tpu.wait_indirect_dma semaphore(%arg8 : memref<!tpu.dma_semaphore, #tpu.memory_space<semaphore_mem>>) src(%dma_wait3A_511 : memref<10000x128xf32, #tpu.memory_space<hbm>>) dst(%dma_wait3A_506 : memref<64x128xf32, #tpu.memory_space<vmem>>)
      %mul3A_512 = arith.constant 128 : i32
      %mul3A_513 = arith.muli %add3A_479, %mul3A_512 : i32
      %run_scoped3A_514 = arith.constant 0 : i32
      %run_scoped3A_515 = arith.constant 0 : i32
      %run_scoped3A_516 = arith.constant 1 : i32
      "tpu.region"() ({
        %run_scoped3A_626 = tpu.sem_alloc : memref<!tpu.dma_semaphore, #tpu.memory_space<semaphore_mem>>
        %dma_start3A_627 = arith.constant 0 : i32
        %dma_start3A_628 = arith.constant 0 : i32
        %dma_start3A_629 = tpu.memref_slice %arg6[%run_scoped3A_514, %dma_start3A_627, %dma_start3A_628] : memref<2x128x128xf32, #tpu.memory_space<vmem>> -> memref<1x128x128xf32, #tpu.memory_space<vmem>>
        %dma_start3A_630 = tpu.memref_squeeze %dma_start3A_629 : memref<1x128x128xf32, #tpu.memory_space<vmem>> -> memref<128x128xf32, #tpu.memory_space<vmem>>
        %dma_start3A_631 = tpu.memref_slice %arg5[%run_scoped3A_515, %run_scoped3A_516, %mul3A_513] : memref<2x2x3328xi32, #tpu.memory_space<vmem>> -> memref<1x1x128xi32, #tpu.memory_space<vmem>>
        %dma_start3A_632 = tpu.memref_squeeze %dma_start3A_631 : memref<1x1x128xi32, #tpu.memory_space<vmem>> -> memref<128xi32, #tpu.memory_space<vmem>>
        %dma_start3A_633 = arith.constant 0 : i32
        %dma_start3A_634 = arith.constant 0 : i32
        %dma_start3A_635 = tpu.memref_slice %arg7[%dma_start3A_633, %dma_start3A_634] : memref<10240x128xf32, #tpu.memory_space<vmem_shared>> -> memref<10240x128xf32, #tpu.memory_space<vmem_shared>>
        tpu.enqueue_indirect_dma source(%dma_start3A_630 : memref<128x128xf32, #tpu.memory_space<vmem>>) target(%dma_start3A_635 : memref<10240x128xf32, #tpu.memory_space<vmem_shared>>) offsets(%dma_start3A_632 : memref<128xi32, #tpu.memory_space<vmem>>) semaphore(%run_scoped3A_626 : memref<!tpu.dma_semaphore, #tpu.memory_space<semaphore_mem>>) {add = true}
        %dma_wait3A_636 = arith.constant 0 : i32
        %dma_wait3A_637 = arith.constant 0 : i32
        %dma_wait3A_638 = tpu.memref_slice %arg6[%run_scoped3A_514, %dma_wait3A_636, %dma_wait3A_637] : memref<2x128x128xf32, #tpu.memory_space<vmem>> -> memref<1x128x128xf32, #tpu.memory_space<vmem>>
        %dma_wait3A_639 = tpu.memref_squeeze %dma_wait3A_638 : memref<1x128x128xf32, #tpu.memory_space<vmem>> -> memref<128x128xf32, #tpu.memory_space<vmem>>
        %dma_wait3A_640 = tpu.memref_slice %arg5[%run_scoped3A_515, %run_scoped3A_516, %mul3A_513] : memref<2x2x3328xi32, #tpu.memory_space<vmem>> -> memref<1x1x128xi32, #tpu.memory_space<vmem>>
        %dma_wait3A_641 = tpu.memref_squeeze %dma_wait3A_640 : memref<1x1x128xi32, #tpu.memory_space<vmem>> -> memref<128xi32, #tpu.memory_space<vmem>>
        %dma_wait3A_642 = arith.constant 0 : i32
        %dma_wait3A_643 = arith.constant 0 : i32
        %dma_wait3A_644 = tpu.memref_slice %arg7[%dma_wait3A_642, %dma_wait3A_643] : memref<10240x128xf32, #tpu.memory_space<vmem_shared>> -> memref<10240x128xf32, #tpu.memory_space<vmem_shared>>
        tpu.wait_indirect_dma semaphore(%run_scoped3A_626 : memref<!tpu.dma_semaphore, #tpu.memory_space<semaphore_mem>>) src(%dma_wait3A_639 : memref<128x128xf32, #tpu.memory_space<vmem>>) dst(%dma_wait3A_644 : memref<10240x128xf32, #tpu.memory_space<vmem_shared>>)
        tpu.yield
      }) : () -> ()
      %add3A_517 = arith.constant 2 : i32
      %add3A_518 = arith.addi %add3A_479, %add3A_517 : i32
      %mul3A_519 = arith.constant 128 : i32
      %mul3A_520 = arith.muli %add3A_518, %mul3A_519 : i32
      %add3A_521 = arith.constant 0 : i32
      %add3A_522 = arith.addi %mul3A_520, %add3A_521 : i32
      %dma_start3A_523 = arith.constant 0 : i32
      %dma_start3A_524 = arith.constant 0 : i32
      %dma_start3A_525 = arith.constant 0 : i32
      %dma_start3A_526 = arith.constant 0 : i32
      %dma_start3A_527 = arith.constant 0 : i32
      %dma_start3A_528 = tpu.memref_slice %arg6[%dma_start3A_525, %dma_start3A_526, %dma_start3A_527] : memref<2x128x128xf32, #tpu.memory_space<vmem>> -> memref<1x64x128xf32, #tpu.memory_space<vmem>>
      %dma_start3A_529 = tpu.memref_squeeze %dma_start3A_528 : memref<1x64x128xf32, #tpu.memory_space<vmem>> -> memref<64x128xf32, #tpu.memory_space<vmem>>
      %dma_start3A_530 = tpu.memref_slice %arg5[%dma_start3A_523, %dma_start3A_524, %add3A_522] : memref<2x2x3328xi32, #tpu.memory_space<vmem>> -> memref<1x1x64xi32, #tpu.memory_space<vmem>>
      %dma_start3A_531 = tpu.memref_squeeze %dma_start3A_530 : memref<1x1x64xi32, #tpu.memory_space<vmem>> -> memref<64xi32, #tpu.memory_space<vmem>>
      %dma_start3A_532 = arith.constant 0 : i32
      %dma_start3A_533 = arith.constant 0 : i32
      %dma_start3A_534 = tpu.memref_slice %arg2[%dma_start3A_532, %dma_start3A_533] : memref<10000x128xf32, #tpu.memory_space<hbm>> -> memref<10000x128xf32, #tpu.memory_space<hbm>>
      tpu.enqueue_indirect_dma source(%dma_start3A_534 : memref<10000x128xf32, #tpu.memory_space<hbm>>) target(%dma_start3A_529 : memref<64x128xf32, #tpu.memory_space<vmem>>) offsets(%dma_start3A_531 : memref<64xi32, #tpu.memory_space<vmem>>) semaphore(%arg8 : memref<!tpu.dma_semaphore, #tpu.memory_space<semaphore_mem>>)
      %mul3A_535 = arith.constant 128 : i32
      %mul3A_536 = arith.muli %add3A_518, %mul3A_535 : i32
      %add3A_537 = arith.constant 64 : i32
      %add3A_538 = arith.addi %mul3A_536, %add3A_537 : i32
      %dma_start3A_539 = arith.constant 0 : i32
      %dma_start3A_540 = arith.constant 0 : i32
      %dma_start3A_541 = arith.constant 0 : i32
      %dma_start3A_542 = arith.constant 64 : i32
      %dma_start3A_543 = arith.constant 0 : i32
      %dma_start3A_544 = tpu.memref_slice %arg6[%dma_start3A_541, %dma_start3A_542, %dma_start3A_543] : memref<2x128x128xf32, #tpu.memory_space<vmem>> -> memref<1x64x128xf32, #tpu.memory_space<vmem>>
      %dma_start3A_545 = tpu.memref_squeeze %dma_start3A_544 : memref<1x64x128xf32, #tpu.memory_space<vmem>> -> memref<64x128xf32, #tpu.memory_space<vmem>>
      %dma_start3A_546 = tpu.memref_slice %arg5[%dma_start3A_539, %dma_start3A_540, %add3A_538] : memref<2x2x3328xi32, #tpu.memory_space<vmem>> -> memref<1x1x64xi32, #tpu.memory_space<vmem>>
      %dma_start3A_547 = tpu.memref_squeeze %dma_start3A_546 : memref<1x1x64xi32, #tpu.memory_space<vmem>> -> memref<64xi32, #tpu.memory_space<vmem>>
      %dma_start3A_548 = arith.constant 0 : i32
      %dma_start3A_549 = arith.constant 0 : i32
      %dma_start3A_550 = tpu.memref_slice %arg2[%dma_start3A_548, %dma_start3A_549] : memref<10000x128xf32, #tpu.memory_space<hbm>> -> memref<10000x128xf32, #tpu.memory_space<hbm>>
      tpu.enqueue_indirect_dma source(%dma_start3A_550 : memref<10000x128xf32, #tpu.memory_space<hbm>>) target(%dma_start3A_545 : memref<64x128xf32, #tpu.memory_space<vmem>>) offsets(%dma_start3A_547 : memref<64xi32, #tpu.memory_space<vmem>>) semaphore(%arg8 : memref<!tpu.dma_semaphore, #tpu.memory_space<semaphore_mem>>)
      %mul3A_551 = arith.constant 2 : i32
      %mul3A_552 = arith.muli %mul3A_551, %add3A_475 : i32
      %add3A_553 = arith.constant 1 : i32
      %add3A_554 = arith.addi %mul3A_552, %add3A_553 : i32
      %mul3A_555 = arith.constant 128 : i32
      %mul3A_556 = arith.muli %add3A_554, %mul3A_555 : i32
      %add3A_557 = arith.constant 0 : i32
      %add3A_558 = arith.addi %mul3A_556, %add3A_557 : i32
      %dma_wait3A_559 = arith.constant 0 : i32
      %dma_wait3A_560 = arith.constant 0 : i32
      %dma_wait3A_561 = arith.constant 1 : i32
      %dma_wait3A_562 = arith.constant 0 : i32
      %dma_wait3A_563 = arith.constant 0 : i32
      %dma_wait3A_564 = tpu.memref_slice %arg6[%dma_wait3A_561, %dma_wait3A_562, %dma_wait3A_563] : memref<2x128x128xf32, #tpu.memory_space<vmem>> -> memref<1x64x128xf32, #tpu.memory_space<vmem>>
      %dma_wait3A_565 = tpu.memref_squeeze %dma_wait3A_564 : memref<1x64x128xf32, #tpu.memory_space<vmem>> -> memref<64x128xf32, #tpu.memory_space<vmem>>
      %dma_wait3A_566 = tpu.memref_slice %arg5[%dma_wait3A_559, %dma_wait3A_560, %add3A_558] : memref<2x2x3328xi32, #tpu.memory_space<vmem>> -> memref<1x1x64xi32, #tpu.memory_space<vmem>>
      %dma_wait3A_567 = tpu.memref_squeeze %dma_wait3A_566 : memref<1x1x64xi32, #tpu.memory_space<vmem>> -> memref<64xi32, #tpu.memory_space<vmem>>
      %dma_wait3A_568 = arith.constant 0 : i32
      %dma_wait3A_569 = arith.constant 0 : i32
      %dma_wait3A_570 = tpu.memref_slice %arg2[%dma_wait3A_568, %dma_wait3A_569] : memref<10000x128xf32, #tpu.memory_space<hbm>> -> memref<10000x128xf32, #tpu.memory_space<hbm>>
      tpu.wait_indirect_dma semaphore(%arg9 : memref<!tpu.dma_semaphore, #tpu.memory_space<semaphore_mem>>) src(%dma_wait3A_570 : memref<10000x128xf32, #tpu.memory_space<hbm>>) dst(%dma_wait3A_565 : memref<64x128xf32, #tpu.memory_space<vmem>>)
      %mul3A_571 = arith.constant 128 : i32
      %mul3A_572 = arith.muli %add3A_554, %mul3A_571 : i32
      %add3A_573 = arith.constant 64 : i32
      %add3A_574 = arith.addi %mul3A_572, %add3A_573 : i32
      %dma_wait3A_575 = arith.constant 0 : i32
      %dma_wait3A_576 = arith.constant 0 : i32
      %dma_wait3A_577 = arith.constant 1 : i32
      %dma_wait3A_578 = arith.constant 64 : i32
      %dma_wait3A_579 = arith.constant 0 : i32
      %dma_wait3A_580 = tpu.memref_slice %arg6[%dma_wait3A_577, %dma_wait3A_578, %dma_wait3A_579] : memref<2x128x128xf32, #tpu.memory_space<vmem>> -> memref<1x64x128xf32, #tpu.memory_space<vmem>>
      %dma_wait3A_581 = tpu.memref_squeeze %dma_wait3A_580 : memref<1x64x128xf32, #tpu.memory_space<vmem>> -> memref<64x128xf32, #tpu.memory_space<vmem>>
      %dma_wait3A_582 = tpu.memref_slice %arg5[%dma_wait3A_575, %dma_wait3A_576, %add3A_574] : memref<2x2x3328xi32, #tpu.memory_space<vmem>> -> memref<1x1x64xi32, #tpu.memory_space<vmem>>
      %dma_wait3A_583 = tpu.memref_squeeze %dma_wait3A_582 : memref<1x1x64xi32, #tpu.memory_space<vmem>> -> memref<64xi32, #tpu.memory_space<vmem>>
      %dma_wait3A_584 = arith.constant 0 : i32
      %dma_wait3A_585 = arith.constant 0 : i32
      %dma_wait3A_586 = tpu.memref_slice %arg2[%dma_wait3A_584, %dma_wait3A_585] : memref<10000x128xf32, #tpu.memory_space<hbm>> -> memref<10000x128xf32, #tpu.memory_space<hbm>>
      tpu.wait_indirect_dma semaphore(%arg9 : memref<!tpu.dma_semaphore, #tpu.memory_space<semaphore_mem>>) src(%dma_wait3A_586 : memref<10000x128xf32, #tpu.memory_space<hbm>>) dst(%dma_wait3A_581 : memref<64x128xf32, #tpu.memory_space<vmem>>)
      %mul3A_587 = arith.constant 128 : i32
      %mul3A_588 = arith.muli %add3A_554, %mul3A_587 : i32
      %run_scoped3A_589 = arith.constant 1 : i32
      %run_scoped3A_590 = arith.constant 0 : i32
      %run_scoped3A_591 = arith.constant 1 : i32
      "tpu.region"() ({
        %run_scoped3A_626 = tpu.sem_alloc : memref<!tpu.dma_semaphore, #tpu.memory_space<semaphore_mem>>
        %dma_start3A_627 = arith.constant 0 : i32
        %dma_start3A_628 = arith.constant 0 : i32
        %dma_start3A_629 = tpu.memref_slice %arg6[%run_scoped3A_589, %dma_start3A_627, %dma_start3A_628] : memref<2x128x128xf32, #tpu.memory_space<vmem>> -> memref<1x128x128xf32, #tpu.memory_space<vmem>>
        %dma_start3A_630 = tpu.memref_squeeze %dma_start3A_629 : memref<1x128x128xf32, #tpu.memory_space<vmem>> -> memref<128x128xf32, #tpu.memory_space<vmem>>
        %dma_start3A_631 = tpu.memref_slice %arg5[%run_scoped3A_590, %run_scoped3A_591, %mul3A_588] : memref<2x2x3328xi32, #tpu.memory_space<vmem>> -> memref<1x1x128xi32, #tpu.memory_space<vmem>>
        %dma_start3A_632 = tpu.memref_squeeze %dma_start3A_631 : memref<1x1x128xi32, #tpu.memory_space<vmem>> -> memref<128xi32, #tpu.memory_space<vmem>>
        %dma_start3A_633 = arith.constant 0 : i32
        %dma_start3A_634 = arith.constant 0 : i32
        %dma_start3A_635 = tpu.memref_slice %arg7[%dma_start3A_633, %dma_start3A_634] : memref<10240x128xf32, #tpu.memory_space<vmem_shared>> -> memref<10240x128xf32, #tpu.memory_space<vmem_shared>>
        tpu.enqueue_indirect_dma source(%dma_start3A_630 : memref<128x128xf32, #tpu.memory_space<vmem>>) target(%dma_start3A_635 : memref<10240x128xf32, #tpu.memory_space<vmem_shared>>) offsets(%dma_start3A_632 : memref<128xi32, #tpu.memory_space<vmem>>) semaphore(%run_scoped3A_626 : memref<!tpu.dma_semaphore, #tpu.memory_space<semaphore_mem>>) {add = true}
        %dma_wait3A_636 = arith.constant 0 : i32
        %dma_wait3A_637 = arith.constant 0 : i32
        %dma_wait3A_638 = tpu.memref_slice %arg6[%run_scoped3A_589, %dma_wait3A_636, %dma_wait3A_637] : memref<2x128x128xf32, #tpu.memory_space<vmem>> -> memref<1x128x128xf32, #tpu.memory_space<vmem>>
        %dma_wait3A_639 = tpu.memref_squeeze %dma_wait3A_638 : memref<1x128x128xf32, #tpu.memory_space<vmem>> -> memref<128x128xf32, #tpu.memory_space<vmem>>
        %dma_wait3A_640 = tpu.memref_slice %arg5[%run_scoped3A_590, %run_scoped3A_591, %mul3A_588] : memref<2x2x3328xi32, #tpu.memory_space<vmem>> -> memref<1x1x128xi32, #tpu.memory_space<vmem>>
        %dma_wait3A_641 = tpu.memref_squeeze %dma_wait3A_640 : memref<1x1x128xi32, #tpu.memory_space<vmem>> -> memref<128xi32, #tpu.memory_space<vmem>>
        %dma_wait3A_642 = arith.constant 0 : i32
        %dma_wait3A_643 = arith.constant 0 : i32
        %dma_wait3A_644 = tpu.memref_slice %arg7[%dma_wait3A_642, %dma_wait3A_643] : memref<10240x128xf32, #tpu.memory_space<vmem_shared>> -> memref<10240x128xf32, #tpu.memory_space<vmem_shared>>
        tpu.wait_indirect_dma semaphore(%run_scoped3A_626 : memref<!tpu.dma_semaphore, #tpu.memory_space<semaphore_mem>>) src(%dma_wait3A_639 : memref<128x128xf32, #tpu.memory_space<vmem>>) dst(%dma_wait3A_644 : memref<10240x128xf32, #tpu.memory_space<vmem_shared>>)
        tpu.yield
      }) : () -> ()
      %add3A_592 = arith.constant 2 : i32
      %add3A_593 = arith.addi %add3A_554, %add3A_592 : i32
      %mul3A_594 = arith.constant 128 : i32
      %mul3A_595 = arith.muli %add3A_593, %mul3A_594 : i32
      %add3A_596 = arith.constant 0 : i32
      %add3A_597 = arith.addi %mul3A_595, %add3A_596 : i32
      %dma_start3A_598 = arith.constant 0 : i32
      %dma_start3A_599 = arith.constant 0 : i32
      %dma_start3A_600 = arith.constant 1 : i32
      %dma_start3A_601 = arith.constant 0 : i32
      %dma_start3A_602 = arith.constant 0 : i32
      %dma_start3A_603 = tpu.memref_slice %arg6[%dma_start3A_600, %dma_start3A_601, %dma_start3A_602] : memref<2x128x128xf32, #tpu.memory_space<vmem>> -> memref<1x64x128xf32, #tpu.memory_space<vmem>>
      %dma_start3A_604 = tpu.memref_squeeze %dma_start3A_603 : memref<1x64x128xf32, #tpu.memory_space<vmem>> -> memref<64x128xf32, #tpu.memory_space<vmem>>
      %dma_start3A_605 = tpu.memref_slice %arg5[%dma_start3A_598, %dma_start3A_599, %add3A_597] : memref<2x2x3328xi32, #tpu.memory_space<vmem>> -> memref<1x1x64xi32, #tpu.memory_space<vmem>>
      %dma_start3A_606 = tpu.memref_squeeze %dma_start3A_605 : memref<1x1x64xi32, #tpu.memory_space<vmem>> -> memref<64xi32, #tpu.memory_space<vmem>>
      %dma_start3A_607 = arith.constant 0 : i32
      %dma_start3A_608 = arith.constant 0 : i32
      %dma_start3A_609 = tpu.memref_slice %arg2[%dma_start3A_607, %dma_start3A_608] : memref<10000x128xf32, #tpu.memory_space<hbm>> -> memref<10000x128xf32, #tpu.memory_space<hbm>>
      tpu.enqueue_indirect_dma source(%dma_start3A_609 : memref<10000x128xf32, #tpu.memory_space<hbm>>) target(%dma_start3A_604 : memref<64x128xf32, #tpu.memory_space<vmem>>) offsets(%dma_start3A_606 : memref<64xi32, #tpu.memory_space<vmem>>) semaphore(%arg9 : memref<!tpu.dma_semaphore, #tpu.memory_space<semaphore_mem>>)
      %mul3A_610 = arith.constant 128 : i32
      %mul3A_611 = arith.muli %add3A_593, %mul3A_610 : i32
      %add3A_612 = arith.constant 64 : i32
      %add3A_613 = arith.addi %mul3A_611, %add3A_612 : i32
      %dma_start3A_614 = arith.constant 0 : i32
      %dma_start3A_615 = arith.constant 0 : i32
      %dma_start3A_616 = arith.constant 1 : i32
      %dma_start3A_617 = arith.constant 64 : i32
      %dma_start3A_618 = arith.constant 0 : i32
      %dma_start3A_619 = tpu.memref_slice %arg6[%dma_start3A_616, %dma_start3A_617, %dma_start3A_618] : memref<2x128x128xf32, #tpu.memory_space<vmem>> -> memref<1x64x128xf32, #tpu.memory_space<vmem>>
      %dma_start3A_620 = tpu.memref_squeeze %dma_start3A_619 : memref<1x64x128xf32, #tpu.memory_space<vmem>> -> memref<64x128xf32, #tpu.memory_space<vmem>>
      %dma_start3A_621 = tpu.memref_slice %arg5[%dma_start3A_614, %dma_start3A_615, %add3A_613] : memref<2x2x3328xi32, #tpu.memory_space<vmem>> -> memref<1x1x64xi32, #tpu.memory_space<vmem>>
      %dma_start3A_622 = tpu.memref_squeeze %dma_start3A_621 : memref<1x1x64xi32, #tpu.memory_space<vmem>> -> memref<64xi32, #tpu.memory_space<vmem>>
      %dma_start3A_623 = arith.constant 0 : i32
      %dma_start3A_624 = arith.constant 0 : i32
      %dma_start3A_625 = tpu.memref_slice %arg2[%dma_start3A_623, %dma_start3A_624] : memref<10000x128xf32, #tpu.memory_space<hbm>> -> memref<10000x128xf32, #tpu.memory_space<hbm>>
      tpu.enqueue_indirect_dma source(%dma_start3A_625 : memref<10000x128xf32, #tpu.memory_space<hbm>>) target(%dma_start3A_620 : memref<64x128xf32, #tpu.memory_space<vmem>>) offsets(%dma_start3A_622 : memref<64xi32, #tpu.memory_space<vmem>>) semaphore(%arg9 : memref<!tpu.dma_semaphore, #tpu.memory_space<semaphore_mem>>)
    }
    %scan3A_399 = arith.constant 12 : i32
    %dma_wait3A_400 = arith.constant 0 : i32
    %dma_wait3A_401 = arith.constant 0 : i32
    %dma_wait3A_402 = arith.constant 0 : i32
    %dma_wait3A_403 = arith.constant 0 : i32
    %dma_wait3A_404 = arith.constant 0 : i32
    %dma_wait3A_405 = tpu.memref_slice %arg6[%dma_wait3A_402, %dma_wait3A_403, %dma_wait3A_404] : memref<2x128x128xf32, #tpu.memory_space<vmem>> -> memref<1x64x128xf32, #tpu.memory_space<vmem>>
    %dma_wait3A_406 = tpu.memref_squeeze %dma_wait3A_405 : memref<1x64x128xf32, #tpu.memory_space<vmem>> -> memref<64x128xf32, #tpu.memory_space<vmem>>
    %dma_wait3A_407 = arith.constant 3072 : i32
    %dma_wait3A_408 = tpu.memref_slice %arg5[%dma_wait3A_400, %dma_wait3A_401, %dma_wait3A_407] : memref<2x2x3328xi32, #tpu.memory_space<vmem>> -> memref<1x1x64xi32, #tpu.memory_space<vmem>>
    %dma_wait3A_409 = tpu.memref_squeeze %dma_wait3A_408 : memref<1x1x64xi32, #tpu.memory_space<vmem>> -> memref<64xi32, #tpu.memory_space<vmem>>
    %dma_wait3A_410 = arith.constant 0 : i32
    %dma_wait3A_411 = arith.constant 0 : i32
    %dma_wait3A_412 = tpu.memref_slice %arg2[%dma_wait3A_410, %dma_wait3A_411] : memref<10000x128xf32, #tpu.memory_space<hbm>> -> memref<10000x128xf32, #tpu.memory_space<hbm>>
    tpu.wait_indirect_dma semaphore(%arg8 : memref<!tpu.dma_semaphore, #tpu.memory_space<semaphore_mem>>) src(%dma_wait3A_412 : memref<10000x128xf32, #tpu.memory_space<hbm>>) dst(%dma_wait3A_406 : memref<64x128xf32, #tpu.memory_space<vmem>>)
    %dma_wait3A_413 = arith.constant 0 : i32
    %dma_wait3A_414 = arith.constant 0 : i32
    %dma_wait3A_415 = arith.constant 0 : i32
    %dma_wait3A_416 = arith.constant 64 : i32
    %dma_wait3A_417 = arith.constant 0 : i32
    %dma_wait3A_418 = tpu.memref_slice %arg6[%dma_wait3A_415, %dma_wait3A_416, %dma_wait3A_417] : memref<2x128x128xf32, #tpu.memory_space<vmem>> -> memref<1x64x128xf32, #tpu.memory_space<vmem>>
    %dma_wait3A_419 = tpu.memref_squeeze %dma_wait3A_418 : memref<1x64x128xf32, #tpu.memory_space<vmem>> -> memref<64x128xf32, #tpu.memory_space<vmem>>
    %dma_wait3A_420 = arith.constant 3136 : i32
    %dma_wait3A_421 = tpu.memref_slice %arg5[%dma_wait3A_413, %dma_wait3A_414, %dma_wait3A_420] : memref<2x2x3328xi32, #tpu.memory_space<vmem>> -> memref<1x1x64xi32, #tpu.memory_space<vmem>>
    %dma_wait3A_422 = tpu.memref_squeeze %dma_wait3A_421 : memref<1x1x64xi32, #tpu.memory_space<vmem>> -> memref<64xi32, #tpu.memory_space<vmem>>
    %dma_wait3A_423 = arith.constant 0 : i32
    %dma_wait3A_424 = arith.constant 0 : i32
    %dma_wait3A_425 = tpu.memref_slice %arg2[%dma_wait3A_423, %dma_wait3A_424] : memref<10000x128xf32, #tpu.memory_space<hbm>> -> memref<10000x128xf32, #tpu.memory_space<hbm>>
    tpu.wait_indirect_dma semaphore(%arg8 : memref<!tpu.dma_semaphore, #tpu.memory_space<semaphore_mem>>) src(%dma_wait3A_425 : memref<10000x128xf32, #tpu.memory_space<hbm>>) dst(%dma_wait3A_419 : memref<64x128xf32, #tpu.memory_space<vmem>>)
    %run_scoped3A_426 = arith.constant 0 : i32
    %run_scoped3A_427 = arith.constant 0 : i32
    %run_scoped3A_428 = arith.constant 1 : i32
    "tpu.region"() ({
      %run_scoped3A_471 = tpu.sem_alloc : memref<!tpu.dma_semaphore, #tpu.memory_space<semaphore_mem>>
      %dma_start3A_472 = arith.constant 0 : i32
      %dma_start3A_473 = arith.constant 0 : i32
      %dma_start3A_474 = tpu.memref_slice %arg6[%run_scoped3A_426, %dma_start3A_472, %dma_start3A_473] : memref<2x128x128xf32, #tpu.memory_space<vmem>> -> memref<1x128x128xf32, #tpu.memory_space<vmem>>
      %dma_start3A_475 = tpu.memref_squeeze %dma_start3A_474 : memref<1x128x128xf32, #tpu.memory_space<vmem>> -> memref<128x128xf32, #tpu.memory_space<vmem>>
      %dma_start3A_476 = arith.constant 3072 : i32
      %dma_start3A_477 = tpu.memref_slice %arg5[%run_scoped3A_427, %run_scoped3A_428, %dma_start3A_476] : memref<2x2x3328xi32, #tpu.memory_space<vmem>> -> memref<1x1x128xi32, #tpu.memory_space<vmem>>
      %dma_start3A_478 = tpu.memref_squeeze %dma_start3A_477 : memref<1x1x128xi32, #tpu.memory_space<vmem>> -> memref<128xi32, #tpu.memory_space<vmem>>
      %dma_start3A_479 = arith.constant 0 : i32
      %dma_start3A_480 = arith.constant 0 : i32
      %dma_start3A_481 = tpu.memref_slice %arg7[%dma_start3A_479, %dma_start3A_480] : memref<10240x128xf32, #tpu.memory_space<vmem_shared>> -> memref<10240x128xf32, #tpu.memory_space<vmem_shared>>
      tpu.enqueue_indirect_dma source(%dma_start3A_475 : memref<128x128xf32, #tpu.memory_space<vmem>>) target(%dma_start3A_481 : memref<10240x128xf32, #tpu.memory_space<vmem_shared>>) offsets(%dma_start3A_478 : memref<128xi32, #tpu.memory_space<vmem>>) semaphore(%run_scoped3A_471 : memref<!tpu.dma_semaphore, #tpu.memory_space<semaphore_mem>>) {add = true}
      %dma_wait3A_482 = arith.constant 0 : i32
      %dma_wait3A_483 = arith.constant 0 : i32
      %dma_wait3A_484 = tpu.memref_slice %arg6[%run_scoped3A_426, %dma_wait3A_482, %dma_wait3A_483] : memref<2x128x128xf32, #tpu.memory_space<vmem>> -> memref<1x128x128xf32, #tpu.memory_space<vmem>>
      %dma_wait3A_485 = tpu.memref_squeeze %dma_wait3A_484 : memref<1x128x128xf32, #tpu.memory_space<vmem>> -> memref<128x128xf32, #tpu.memory_space<vmem>>
      %dma_wait3A_486 = arith.constant 3072 : i32
      %dma_wait3A_487 = tpu.memref_slice %arg5[%run_scoped3A_427, %run_scoped3A_428, %dma_wait3A_486] : memref<2x2x3328xi32, #tpu.memory_space<vmem>> -> memref<1x1x128xi32, #tpu.memory_space<vmem>>
      %dma_wait3A_488 = tpu.memref_squeeze %dma_wait3A_487 : memref<1x1x128xi32, #tpu.memory_space<vmem>> -> memref<128xi32, #tpu.memory_space<vmem>>
      %dma_wait3A_489 = arith.constant 0 : i32
      %dma_wait3A_490 = arith.constant 0 : i32
      %dma_wait3A_491 = tpu.memref_slice %arg7[%dma_wait3A_489, %dma_wait3A_490] : memref<10240x128xf32, #tpu.memory_space<vmem_shared>> -> memref<10240x128xf32, #tpu.memory_space<vmem_shared>>
      tpu.wait_indirect_dma semaphore(%run_scoped3A_471 : memref<!tpu.dma_semaphore, #tpu.memory_space<semaphore_mem>>) src(%dma_wait3A_485 : memref<128x128xf32, #tpu.memory_space<vmem>>) dst(%dma_wait3A_491 : memref<10240x128xf32, #tpu.memory_space<vmem_shared>>)
      tpu.yield
    }) : () -> ()
    %dma_wait3A_429 = arith.constant 0 : i32
    %dma_wait3A_430 = arith.constant 0 : i32
    %dma_wait3A_431 = arith.constant 1 : i32
    %dma_wait3A_432 = arith.constant 0 : i32
    %dma_wait3A_433 = arith.constant 0 : i32
    %dma_wait3A_434 = tpu.memref_slice %arg6[%dma_wait3A_431, %dma_wait3A_432, %dma_wait3A_433] : memref<2x128x128xf32, #tpu.memory_space<vmem>> -> memref<1x64x128xf32, #tpu.memory_space<vmem>>
    %dma_wait3A_435 = tpu.memref_squeeze %dma_wait3A_434 : memref<1x64x128xf32, #tpu.memory_space<vmem>> -> memref<64x128xf32, #tpu.memory_space<vmem>>
    %dma_wait3A_436 = arith.constant 3200 : i32
    %dma_wait3A_437 = tpu.memref_slice %arg5[%dma_wait3A_429, %dma_wait3A_430, %dma_wait3A_436] : memref<2x2x3328xi32, #tpu.memory_space<vmem>> -> memref<1x1x64xi32, #tpu.memory_space<vmem>>
    %dma_wait3A_438 = tpu.memref_squeeze %dma_wait3A_437 : memref<1x1x64xi32, #tpu.memory_space<vmem>> -> memref<64xi32, #tpu.memory_space<vmem>>
    %dma_wait3A_439 = arith.constant 0 : i32
    %dma_wait3A_440 = arith.constant 0 : i32
    %dma_wait3A_441 = tpu.memref_slice %arg2[%dma_wait3A_439, %dma_wait3A_440] : memref<10000x128xf32, #tpu.memory_space<hbm>> -> memref<10000x128xf32, #tpu.memory_space<hbm>>
    tpu.wait_indirect_dma semaphore(%arg9 : memref<!tpu.dma_semaphore, #tpu.memory_space<semaphore_mem>>) src(%dma_wait3A_441 : memref<10000x128xf32, #tpu.memory_space<hbm>>) dst(%dma_wait3A_435 : memref<64x128xf32, #tpu.memory_space<vmem>>)
    %dma_wait3A_442 = arith.constant 0 : i32
    %dma_wait3A_443 = arith.constant 0 : i32
    %dma_wait3A_444 = arith.constant 1 : i32
    %dma_wait3A_445 = arith.constant 64 : i32
    %dma_wait3A_446 = arith.constant 0 : i32
    %dma_wait3A_447 = tpu.memref_slice %arg6[%dma_wait3A_444, %dma_wait3A_445, %dma_wait3A_446] : memref<2x128x128xf32, #tpu.memory_space<vmem>> -> memref<1x64x128xf32, #tpu.memory_space<vmem>>
    %dma_wait3A_448 = tpu.memref_squeeze %dma_wait3A_447 : memref<1x64x128xf32, #tpu.memory_space<vmem>> -> memref<64x128xf32, #tpu.memory_space<vmem>>
    %dma_wait3A_449 = arith.constant 3264 : i32
    %dma_wait3A_450 = tpu.memref_slice %arg5[%dma_wait3A_442, %dma_wait3A_443, %dma_wait3A_449] : memref<2x2x3328xi32, #tpu.memory_space<vmem>> -> memref<1x1x64xi32, #tpu.memory_space<vmem>>
    %dma_wait3A_451 = tpu.memref_squeeze %dma_wait3A_450 : memref<1x1x64xi32, #tpu.memory_space<vmem>> -> memref<64xi32, #tpu.memory_space<vmem>>
    %dma_wait3A_452 = arith.constant 0 : i32
    %dma_wait3A_453 = arith.constant 0 : i32
    %dma_wait3A_454 = tpu.memref_slice %arg2[%dma_wait3A_452, %dma_wait3A_453] : memref<10000x128xf32, #tpu.memory_space<hbm>> -> memref<10000x128xf32, #tpu.memory_space<hbm>>
    tpu.wait_indirect_dma semaphore(%arg9 : memref<!tpu.dma_semaphore, #tpu.memory_space<semaphore_mem>>) src(%dma_wait3A_454 : memref<10000x128xf32, #tpu.memory_space<hbm>>) dst(%dma_wait3A_448 : memref<64x128xf32, #tpu.memory_space<vmem>>)
    %run_scoped3A_455 = arith.constant 1 : i32
    %run_scoped3A_456 = arith.constant 0 : i32
    %run_scoped3A_457 = arith.constant 1 : i32
    "tpu.region"() ({
      %run_scoped3A_471 = tpu.sem_alloc : memref<!tpu.dma_semaphore, #tpu.memory_space<semaphore_mem>>
      %dma_start3A_472 = arith.constant 0 : i32
      %dma_start3A_473 = arith.constant 0 : i32
      %dma_start3A_474 = tpu.memref_slice %arg6[%run_scoped3A_455, %dma_start3A_472, %dma_start3A_473] : memref<2x128x128xf32, #tpu.memory_space<vmem>> -> memref<1x128x128xf32, #tpu.memory_space<vmem>>
      %dma_start3A_475 = tpu.memref_squeeze %dma_start3A_474 : memref<1x128x128xf32, #tpu.memory_space<vmem>> -> memref<128x128xf32, #tpu.memory_space<vmem>>
      %dma_start3A_476 = arith.constant 3200 : i32
      %dma_start3A_477 = tpu.memref_slice %arg5[%run_scoped3A_456, %run_scoped3A_457, %dma_start3A_476] : memref<2x2x3328xi32, #tpu.memory_space<vmem>> -> memref<1x1x128xi32, #tpu.memory_space<vmem>>
      %dma_start3A_478 = tpu.memref_squeeze %dma_start3A_477 : memref<1x1x128xi32, #tpu.memory_space<vmem>> -> memref<128xi32, #tpu.memory_space<vmem>>
      %dma_start3A_479 = arith.constant 0 : i32
      %dma_start3A_480 = arith.constant 0 : i32
      %dma_start3A_481 = tpu.memref_slice %arg7[%dma_start3A_479, %dma_start3A_480] : memref<10240x128xf32, #tpu.memory_space<vmem_shared>> -> memref<10240x128xf32, #tpu.memory_space<vmem_shared>>
      tpu.enqueue_indirect_dma source(%dma_start3A_475 : memref<128x128xf32, #tpu.memory_space<vmem>>) target(%dma_start3A_481 : memref<10240x128xf32, #tpu.memory_space<vmem_shared>>) offsets(%dma_start3A_478 : memref<128xi32, #tpu.memory_space<vmem>>) semaphore(%run_scoped3A_471 : memref<!tpu.dma_semaphore, #tpu.memory_space<semaphore_mem>>) {add = true}
      %dma_wait3A_482 = arith.constant 0 : i32
      %dma_wait3A_483 = arith.constant 0 : i32
      %dma_wait3A_484 = tpu.memref_slice %arg6[%run_scoped3A_455, %dma_wait3A_482, %dma_wait3A_483] : memref<2x128x128xf32, #tpu.memory_space<vmem>> -> memref<1x128x128xf32, #tpu.memory_space<vmem>>
      %dma_wait3A_485 = tpu.memref_squeeze %dma_wait3A_484 : memref<1x128x128xf32, #tpu.memory_space<vmem>> -> memref<128x128xf32, #tpu.memory_space<vmem>>
      %dma_wait3A_486 = arith.constant 3200 : i32
      %dma_wait3A_487 = tpu.memref_slice %arg5[%run_scoped3A_456, %run_scoped3A_457, %dma_wait3A_486] : memref<2x2x3328xi32, #tpu.memory_space<vmem>> -> memref<1x1x128xi32, #tpu.memory_space<vmem>>
      %dma_wait3A_488 = tpu.memref_squeeze %dma_wait3A_487 : memref<1x1x128xi32, #tpu.memory_space<vmem>> -> memref<128xi32, #tpu.memory_space<vmem>>
      %dma_wait3A_489 = arith.constant 0 : i32
      %dma_wait3A_490 = arith.constant 0 : i32
      %dma_wait3A_491 = tpu.memref_slice %arg7[%dma_wait3A_489, %dma_wait3A_490] : memref<10240x128xf32, #tpu.memory_space<vmem_shared>> -> memref<10240x128xf32, #tpu.memory_space<vmem_shared>>
      tpu.wait_indirect_dma semaphore(%run_scoped3A_471 : memref<!tpu.dma_semaphore, #tpu.memory_space<semaphore_mem>>) src(%dma_wait3A_485 : memref<128x128xf32, #tpu.memory_space<vmem>>) dst(%dma_wait3A_491 : memref<10240x128xf32, #tpu.memory_space<vmem_shared>>)
      tpu.yield
    }) : () -> ()
    %mul3A_458 = arith.constant 2 : i32
    %mul3A_459 = arith.muli %arg1, %mul3A_458 : i32
    %add3A_460 = arith.addi %mul3A_459, %arg0 : i32
    %lt3A_461 = arith.constant 2 : i32
    %lt3A_462 = arith.cmpi slt, %arg1, %lt3A_461 : i32
    %convert_element_type3A_463 = arith.extui %lt3A_462 : i1 to i32
    %cond3A_464 = arith.constant 0 : i32
    %cond3A_465 = arith.cmpi ne, %convert_element_type3A_463, %cond3A_464 : i32
    scf.if %cond3A_465 {
      %mul3A_471 = arith.constant 128 : i32
      %mul3A_472 = arith.muli %add3A_460, %mul3A_471 : i32
      %add3A_473 = arith.constant 319488 : i32
      %add3A_474 = arith.addi %add3A_473, %mul3A_472 : i32
      %dma_start3A_475 = arith.constant 0 : i32
      %dma_start3A_476 = arith.constant 0 : i32
      %dma_start3A_477 = arith.constant 0 : i32
      %dma_start3A_478 = tpu.memref_slice %arg5[%dma_start3A_475, %dma_start3A_476, %dma_start3A_477] : memref<2x2x3328xi32, #tpu.memory_space<vmem>> -> memref<1x2x128xi32, #tpu.memory_space<vmem>>
      %dma_start3A_479 = tpu.memref_squeeze %dma_start3A_478 : memref<1x2x128xi32, #tpu.memory_space<vmem>> -> memref<2x128xi32, #tpu.memory_space<vmem>>
      %dma_start3A_480 = arith.constant 0 : i32
      %dma_start3A_481 = tpu.memref_slice %arg3[%dma_start3A_480, %add3A_474] : memref<2x320000xi32, #tpu.memory_space<hbm>> -> memref<2x128xi32, #tpu.memory_space<hbm>>
      %dma_start3A_482 = arith.constant 0 : i32
      %dma_start3A_483 = arith.constant 0 : i32
      %dma_start3A_484 = tpu.memref_slice %arg5[%dma_start3A_475, %dma_start3A_482, %dma_start3A_483] : memref<2x2x3328xi32, #tpu.memory_space<vmem>> -> memref<1x2x128xi32, #tpu.memory_space<vmem>>
      %dma_start3A_485 = tpu.memref_squeeze %dma_start3A_484 : memref<1x2x128xi32, #tpu.memory_space<vmem>> -> memref<2x128xi32, #tpu.memory_space<vmem>>
      %dma_start3A_486 = arith.constant 0 : i32
      %dma_start3A_487 = tpu.memref_slice %arg3[%dma_start3A_486, %add3A_474] : memref<2x320000xi32, #tpu.memory_space<hbm>> -> memref<2x128xi32, #tpu.memory_space<hbm>>
      tpu.enqueue_dma source(%dma_start3A_487 : memref<2x128xi32, #tpu.memory_space<hbm>>) target(%dma_start3A_485 : memref<2x128xi32, #tpu.memory_space<vmem>>) target_semaphore(%arg10 : memref<!tpu.dma_semaphore, #tpu.memory_space<semaphore_mem>>)
      %mul3A_488 = arith.constant 128 : i32
      %mul3A_489 = arith.muli %add3A_460, %mul3A_488 : i32
      %add3A_490 = arith.constant 319488 : i32
      %add3A_491 = arith.addi %add3A_490, %mul3A_489 : i32
      %dma_wait3A_492 = arith.constant 0 : i32
      %dma_wait3A_493 = arith.constant 0 : i32
      %dma_wait3A_494 = arith.constant 0 : i32
      %dma_wait3A_495 = tpu.memref_slice %arg5[%dma_wait3A_492, %dma_wait3A_493, %dma_wait3A_494] : memref<2x2x3328xi32, #tpu.memory_space<vmem>> -> memref<1x2x128xi32, #tpu.memory_space<vmem>>
      %dma_wait3A_496 = tpu.memref_squeeze %dma_wait3A_495 : memref<1x2x128xi32, #tpu.memory_space<vmem>> -> memref<2x128xi32, #tpu.memory_space<vmem>>
      %dma_wait3A_497 = arith.constant 0 : i32
      %dma_wait3A_498 = tpu.memref_slice %arg3[%dma_wait3A_497, %add3A_491] : memref<2x320000xi32, #tpu.memory_space<hbm>> -> memref<2x128xi32, #tpu.memory_space<hbm>>
      %dma_wait3A_499 = arith.constant 0 : i32
      %dma_wait3A_500 = arith.constant 0 : i32
      %dma_wait3A_501 = tpu.memref_slice %arg5[%dma_wait3A_492, %dma_wait3A_499, %dma_wait3A_500] : memref<2x2x3328xi32, #tpu.memory_space<vmem>> -> memref<1x2x128xi32, #tpu.memory_space<vmem>>
      %dma_wait3A_502 = tpu.memref_squeeze %dma_wait3A_501 : memref<1x2x128xi32, #tpu.memory_space<vmem>> -> memref<2x128xi32, #tpu.memory_space<vmem>>
      %dma_wait3A_503 = arith.constant 0 : i32
      %dma_wait3A_504 = tpu.memref_slice %arg3[%dma_wait3A_503, %add3A_491] : memref<2x320000xi32, #tpu.memory_space<hbm>> -> memref<2x128xi32, #tpu.memory_space<hbm>>
      tpu.wait_dma2 semaphore(%arg10 : memref<!tpu.dma_semaphore, #tpu.memory_space<semaphore_mem>>) src(%dma_wait3A_504 : memref<2x128xi32, #tpu.memory_space<hbm>>) dst(%dma_wait3A_502 : memref<2x128xi32, #tpu.memory_space<vmem>>)
      %dma_start3A_505 = arith.constant 0 : i32
      %dma_start3A_506 = arith.constant 0 : i32
      %dma_start3A_507 = arith.constant 0 : i32
      %dma_start3A_508 = arith.constant 0 : i32
      %dma_start3A_509 = arith.constant 0 : i32
      %dma_start3A_510 = tpu.memref_slice %arg6[%dma_start3A_507, %dma_start3A_508, %dma_start3A_509] : memref<2x128x128xf32, #tpu.memory_space<vmem>> -> memref<1x128x128xf32, #tpu.memory_space<vmem>>
      %dma_start3A_511 = tpu.memref_squeeze %dma_start3A_510 : memref<1x128x128xf32, #tpu.memory_space<vmem>> -> memref<128x128xf32, #tpu.memory_space<vmem>>
      %dma_start3A_512 = arith.constant 0 : i32
      %dma_start3A_513 = tpu.memref_slice %arg5[%dma_start3A_505, %dma_start3A_506, %dma_start3A_512] : memref<2x2x3328xi32, #tpu.memory_space<vmem>> -> memref<1x1x128xi32, #tpu.memory_space<vmem>>
      %dma_start3A_514 = tpu.memref_squeeze %dma_start3A_513 : memref<1x1x128xi32, #tpu.memory_space<vmem>> -> memref<128xi32, #tpu.memory_space<vmem>>
      %dma_start3A_515 = arith.constant 0 : i32
      %dma_start3A_516 = arith.constant 0 : i32
      %dma_start3A_517 = tpu.memref_slice %arg2[%dma_start3A_515, %dma_start3A_516] : memref<10000x128xf32, #tpu.memory_space<hbm>> -> memref<10000x128xf32, #tpu.memory_space<hbm>>
      tpu.enqueue_indirect_dma source(%dma_start3A_517 : memref<10000x128xf32, #tpu.memory_space<hbm>>) target(%dma_start3A_511 : memref<128x128xf32, #tpu.memory_space<vmem>>) offsets(%dma_start3A_514 : memref<128xi32, #tpu.memory_space<vmem>>) semaphore(%arg8 : memref<!tpu.dma_semaphore, #tpu.memory_space<semaphore_mem>>)
      %dma_wait3A_518 = arith.constant 0 : i32
      %dma_wait3A_519 = arith.constant 0 : i32
      %dma_wait3A_520 = arith.constant 0 : i32
      %dma_wait3A_521 = arith.constant 0 : i32
      %dma_wait3A_522 = arith.constant 0 : i32
      %dma_wait3A_523 = tpu.memref_slice %arg6[%dma_wait3A_520, %dma_wait3A_521, %dma_wait3A_522] : memref<2x128x128xf32, #tpu.memory_space<vmem>> -> memref<1x128x128xf32, #tpu.memory_space<vmem>>
      %dma_wait3A_524 = tpu.memref_squeeze %dma_wait3A_523 : memref<1x128x128xf32, #tpu.memory_space<vmem>> -> memref<128x128xf32, #tpu.memory_space<vmem>>
      %dma_wait3A_525 = arith.constant 0 : i32
      %dma_wait3A_526 = tpu.memref_slice %arg5[%dma_wait3A_518, %dma_wait3A_519, %dma_wait3A_525] : memref<2x2x3328xi32, #tpu.memory_space<vmem>> -> memref<1x1x128xi32, #tpu.memory_space<vmem>>
      %dma_wait3A_527 = tpu.memref_squeeze %dma_wait3A_526 : memref<1x1x128xi32, #tpu.memory_space<vmem>> -> memref<128xi32, #tpu.memory_space<vmem>>
      %dma_wait3A_528 = arith.constant 0 : i32
      %dma_wait3A_529 = arith.constant 0 : i32
      %dma_wait3A_530 = tpu.memref_slice %arg2[%dma_wait3A_528, %dma_wait3A_529] : memref<10000x128xf32, #tpu.memory_space<hbm>> -> memref<10000x128xf32, #tpu.memory_space<hbm>>
      tpu.wait_indirect_dma semaphore(%arg8 : memref<!tpu.dma_semaphore, #tpu.memory_space<semaphore_mem>>) src(%dma_wait3A_530 : memref<10000x128xf32, #tpu.memory_space<hbm>>) dst(%dma_wait3A_524 : memref<128x128xf32, #tpu.memory_space<vmem>>)
      %run_scoped3A_531 = arith.constant 0 : i32
      %run_scoped3A_532 = arith.constant 0 : i32
      %run_scoped3A_533 = arith.constant 1 : i32
      "tpu.region"() ({
        %run_scoped3A_534 = tpu.sem_alloc : memref<!tpu.dma_semaphore, #tpu.memory_space<semaphore_mem>>
        %dma_start3A_535 = arith.constant 0 : i32
        %dma_start3A_536 = arith.constant 0 : i32
        %dma_start3A_537 = tpu.memref_slice %arg6[%run_scoped3A_531, %dma_start3A_535, %dma_start3A_536] : memref<2x128x128xf32, #tpu.memory_space<vmem>> -> memref<1x128x128xf32, #tpu.memory_space<vmem>>
        %dma_start3A_538 = tpu.memref_squeeze %dma_start3A_537 : memref<1x128x128xf32, #tpu.memory_space<vmem>> -> memref<128x128xf32, #tpu.memory_space<vmem>>
        %dma_start3A_539 = arith.constant 0 : i32
        %dma_start3A_540 = tpu.memref_slice %arg5[%run_scoped3A_532, %run_scoped3A_533, %dma_start3A_539] : memref<2x2x3328xi32, #tpu.memory_space<vmem>> -> memref<1x1x128xi32, #tpu.memory_space<vmem>>
        %dma_start3A_541 = tpu.memref_squeeze %dma_start3A_540 : memref<1x1x128xi32, #tpu.memory_space<vmem>> -> memref<128xi32, #tpu.memory_space<vmem>>
        %dma_start3A_542 = arith.constant 0 : i32
        %dma_start3A_543 = arith.constant 0 : i32
        %dma_start3A_544 = tpu.memref_slice %arg7[%dma_start3A_542, %dma_start3A_543] : memref<10240x128xf32, #tpu.memory_space<vmem_shared>> -> memref<10240x128xf32, #tpu.memory_space<vmem_shared>>
        tpu.enqueue_indirect_dma source(%dma_start3A_538 : memref<128x128xf32, #tpu.memory_space<vmem>>) target(%dma_start3A_544 : memref<10240x128xf32, #tpu.memory_space<vmem_shared>>) offsets(%dma_start3A_541 : memref<128xi32, #tpu.memory_space<vmem>>) semaphore(%run_scoped3A_534 : memref<!tpu.dma_semaphore, #tpu.memory_space<semaphore_mem>>) {add = true}
        %dma_wait3A_545 = arith.constant 0 : i32
        %dma_wait3A_546 = arith.constant 0 : i32
        %dma_wait3A_547 = tpu.memref_slice %arg6[%run_scoped3A_531, %dma_wait3A_545, %dma_wait3A_546] : memref<2x128x128xf32, #tpu.memory_space<vmem>> -> memref<1x128x128xf32, #tpu.memory_space<vmem>>
        %dma_wait3A_548 = tpu.memref_squeeze %dma_wait3A_547 : memref<1x128x128xf32, #tpu.memory_space<vmem>> -> memref<128x128xf32, #tpu.memory_space<vmem>>
        %dma_wait3A_549 = arith.constant 0 : i32
        %dma_wait3A_550 = tpu.memref_slice %arg5[%run_scoped3A_532, %run_scoped3A_533, %dma_wait3A_549] : memref<2x2x3328xi32, #tpu.memory_space<vmem>> -> memref<1x1x128xi32, #tpu.memory_space<vmem>>
        %dma_wait3A_551 = tpu.memref_squeeze %dma_wait3A_550 : memref<1x1x128xi32, #tpu.memory_space<vmem>> -> memref<128xi32, #tpu.memory_space<vmem>>
        %dma_wait3A_552 = arith.constant 0 : i32
        %dma_wait3A_553 = arith.constant 0 : i32
        %dma_wait3A_554 = tpu.memref_slice %arg7[%dma_wait3A_552, %dma_wait3A_553] : memref<10240x128xf32, #tpu.memory_space<vmem_shared>> -> memref<10240x128xf32, #tpu.memory_space<vmem_shared>>
        tpu.wait_indirect_dma semaphore(%run_scoped3A_534 : memref<!tpu.dma_semaphore, #tpu.memory_space<semaphore_mem>>) src(%dma_wait3A_548 : memref<128x128xf32, #tpu.memory_space<vmem>>) dst(%dma_wait3A_554 : memref<10240x128xf32, #tpu.memory_space<vmem_shared>>)
        tpu.yield
      }) : () -> ()
    } else {
    }
    %barrier3A_466 = arith.constant 0 : index
    tpu.barrier barrier_id(%barrier3A_466)
    %mul3A_467 = arith.constant 640 : i32
    %mul3A_468 = arith.muli %arg1, %mul3A_467 : i32
    %mul3A_469 = arith.constant 640 : i32
    %mul3A_470 = arith.muli %arg1, %mul3A_469 : i32
    "tpu.region"() ({
      %run_scoped3A_471 = tpu.sem_alloc : memref<!tpu.dma_semaphore, #tpu.memory_space<semaphore_mem>>
      %dma_start3A_472 = arith.constant 0 : i32
      %dma_start3A_473 = tpu.memref_slice %arg4[%arg0, %mul3A_470, %dma_start3A_472] : memref<2x10240x128xf32, #tpu.memory_space<hbm>> -> memref<1x640x128xf32, #tpu.memory_space<hbm>>
      %dma_start3A_474 = tpu.memref_squeeze %dma_start3A_473 : memref<1x640x128xf32, #tpu.memory_space<hbm>> -> memref<640x128xf32, #tpu.memory_space<hbm>>
      %dma_start3A_475 = arith.constant 0 : i32
      %dma_start3A_476 = tpu.memref_slice %arg7[%mul3A_468, %dma_start3A_475] : memref<10240x128xf32, #tpu.memory_space<vmem_shared>> -> memref<640x128xf32, #tpu.memory_space<vmem_shared>>
      tpu.enqueue_dma source(%dma_start3A_476 : memref<640x128xf32, #tpu.memory_space<vmem_shared>>) target(%dma_start3A_474 : memref<640x128xf32, #tpu.memory_space<hbm>>) target_semaphore(%run_scoped3A_471 : memref<!tpu.dma_semaphore, #tpu.memory_space<semaphore_mem>>)
      %dma_wait3A_477 = arith.constant 0 : i32
      %dma_wait3A_478 = tpu.memref_slice %arg4[%arg0, %mul3A_470, %dma_wait3A_477] : memref<2x10240x128xf32, #tpu.memory_space<hbm>> -> memref<1x640x128xf32, #tpu.memory_space<hbm>>
      %dma_wait3A_479 = tpu.memref_squeeze %dma_wait3A_478 : memref<1x640x128xf32, #tpu.memory_space<hbm>> -> memref<640x128xf32, #tpu.memory_space<hbm>>
      %dma_wait3A_480 = arith.constant 0 : i32
      %dma_wait3A_481 = tpu.memref_slice %arg7[%mul3A_468, %dma_wait3A_480] : memref<10240x128xf32, #tpu.memory_space<vmem_shared>> -> memref<640x128xf32, #tpu.memory_space<vmem_shared>>
      tpu.wait_dma2 semaphore(%run_scoped3A_471 : memref<!tpu.dma_semaphore, #tpu.memory_space<semaphore_mem>>) src(%dma_wait3A_481 : memref<640x128xf32, #tpu.memory_space<vmem_shared>>) dst(%dma_wait3A_479 : memref<640x128xf32, #tpu.memory_space<hbm>>)
      tpu.yield
    }) : () -> ()
    return
  }
}

module attributes {stable_mosaic.version = 14 : i64} {
  func.func @_tc_body(%arg0: i32, %arg1: memref<2x2048x128xf32, #tpu.memory_space<vmem>>, %arg2: memref<1x1x2048xi32, #tpu.memory_space<vmem>>, %arg3: memref<128x128xf32, #tpu.memory_space<vmem>>, %arg4: memref<1x128xf32, #tpu.memory_space<vmem>>, %arg5: memref<128x128xf32, #tpu.memory_space<vmem>>, %arg6: memref<1x128xf32, #tpu.memory_space<vmem>>, %arg7: memref<128x1xf32, #tpu.memory_space<vmem>>, %arg8: memref<1x1xf32, #tpu.memory_space<vmem>>, %arg9: memref<128x1xf32, #tpu.memory_space<vmem>>, %arg10: memref<128x128xf32, #tpu.memory_space<vmem>>) attributes {dimension_semantics = [#tpu.dimension_semantics<arbitrary>], iteration_bounds = array<i64: 5>, scalar_prefetch = 0 : i64, scratch_operands = 1 : i64, tpu.core_type = #tpu.core_type<tc>, window_params = [{transform_indices = @transform_0, window_bounds = array<i64: 2, 2048, 128>}, {transform_indices = @transform_1, window_bounds = array<i64: 1, 1, 2048>}, {pipeline_mode = #tpu.pipeline_mode<synchronous>, transform_indices = @transform_2, window_bounds = array<i64: 128, 128>}, {pipeline_mode = #tpu.pipeline_mode<synchronous>, transform_indices = @transform_3, window_bounds = array<i64: 1, 128>}, {pipeline_mode = #tpu.pipeline_mode<synchronous>, transform_indices = @transform_4, window_bounds = array<i64: 128, 128>}, {pipeline_mode = #tpu.pipeline_mode<synchronous>, transform_indices = @transform_5, window_bounds = array<i64: 1, 128>}, {pipeline_mode = #tpu.pipeline_mode<synchronous>, transform_indices = @transform_6, window_bounds = array<i64: 128, 1>}, {pipeline_mode = #tpu.pipeline_mode<synchronous>, transform_indices = @transform_7, window_bounds = array<i64: 1, 1>}, {pipeline_mode = #tpu.pipeline_mode<synchronous>, transform_indices = @transform_8, window_bounds = array<i64: 128, 1>}]} {
    %get3A = arith.constant 0 : index
    %get3A_0 = arith.constant 0 : index
    %get3A_1 = arith.constant 0 : index
    %get3A_2 = vector.load %arg1[%get3A, %get3A_0, %get3A_1] : memref<2x2048x128xf32, #tpu.memory_space<vmem>>, vector<1x2048x128xf32>
    %get3A_3 = vector.shape_cast %get3A_2 : vector<1x2048x128xf32> to vector<2048x128xf32>
    %get3A_4 = arith.constant 1 : index
    %get3A_5 = arith.constant 0 : index
    %get3A_6 = arith.constant 0 : index
    %get3A_7 = vector.load %arg1[%get3A_4, %get3A_5, %get3A_6] : memref<2x2048x128xf32, #tpu.memory_space<vmem>>, vector<1x2048x128xf32>
    %get3A_8 = vector.shape_cast %get3A_7 : vector<1x2048x128xf32> to vector<2048x128xf32>
    %add3A = arith.addf %get3A_3, %get3A_8 : vector<2048x128xf32>
    %get3A_9 = arith.constant 0 : index
    %get3A_10 = arith.constant 0 : index
    %get3A_11 = vector.load %arg3[%get3A_9, %get3A_10] : memref<128x128xf32, #tpu.memory_space<vmem>>, vector<128x128xf32>
    %dot_general3A = arith.constant dense<0.000000e+00> : vector<2048x128xf32>
    %dot_general3A_12 = tpu.matmul %add3A, %get3A_11, %dot_general3A {dimension_numbers = #tpu.dot_dimension_numbers<[1], [0], [0], [1], [0, 0, 1, 1], [], []>, transpose_lhs_hint = false} : vector<2048x128xf32>, vector<128x128xf32>, vector<2048x128xf32> -> vector<2048x128xf32>
    %get3A_13 = arith.constant 0 : index
    %get3A_14 = arith.constant 0 : index
    %get3A_15 = vector.load %arg4[%get3A_13, %get3A_14] : memref<1x128xf32, #tpu.memory_space<vmem>>, vector<1x128xf32>
    %add3A_16 = vector.broadcast %get3A_15 : vector<1x128xf32> to vector<2048x128xf32>
    %add3A_17 = arith.addf %dot_general3A_12, %add3A_16 : vector<2048x128xf32>
    %max3A = arith.constant 0.000000e+00 : f32
    %max3A_18 = vector.broadcast %max3A : f32 to vector<2048x128xf32>
    %max3A_19 = arith.maximumf %add3A_17, %max3A_18 : vector<2048x128xf32>
    %get3A_20 = arith.constant 0 : index
    %get3A_21 = arith.constant 0 : index
    %get3A_22 = vector.load %arg5[%get3A_20, %get3A_21] : memref<128x128xf32, #tpu.memory_space<vmem>>, vector<128x128xf32>
    %dot_general3A_23 = arith.constant dense<0.000000e+00> : vector<2048x128xf32>
    %dot_general3A_24 = tpu.matmul %max3A_19, %get3A_22, %dot_general3A_23 {dimension_numbers = #tpu.dot_dimension_numbers<[1], [0], [0], [1], [0, 0, 1, 1], [], []>, transpose_lhs_hint = false} : vector<2048x128xf32>, vector<128x128xf32>, vector<2048x128xf32> -> vector<2048x128xf32>
    %get3A_25 = arith.constant 0 : index
    %get3A_26 = arith.constant 0 : index
    %get3A_27 = vector.load %arg6[%get3A_25, %get3A_26] : memref<1x128xf32, #tpu.memory_space<vmem>>, vector<1x128xf32>
    %add3A_28 = vector.broadcast %get3A_27 : vector<1x128xf32> to vector<2048x128xf32>
    %add3A_29 = arith.addf %dot_general3A_24, %add3A_28 : vector<2048x128xf32>
    %get3A_30 = arith.constant 0 : index
    %get3A_31 = arith.constant 0 : index
    %get3A_32 = arith.constant 0 : index
    %get3A_33 = vector.load %arg2[%get3A_30, %get3A_31, %get3A_32] : memref<1x1x2048xi32, #tpu.memory_space<vmem>>, vector<1x1x2048xi32>
    %get3A_34 = vector.shape_cast %get3A_33 : vector<1x1x2048xi32> to vector<1x2048xi32>
    %iota3A = tpu.iota {dimensions = array<i32: 0>} : vector<128x2048xi32>
    %eq3A = vector.broadcast %get3A_34 : vector<1x2048xi32> to vector<128x2048xi32>
    %eq3A_35 = arith.cmpi eq, %iota3A, %eq3A : vector<128x2048xi32>
    %convert_element_type3A = arith.extui %eq3A_35 : vector<128x2048xi1> to vector<128x2048xi32>
    %convert_element_type3A_36 = arith.sitofp %convert_element_type3A : vector<128x2048xi32> to vector<128x2048xf32>
    %dot_general3A_37 = arith.constant dense<0.000000e+00> : vector<128x128xf32>
    %dot_general3A_38 = tpu.matmul %convert_element_type3A_36, %add3A_29, %dot_general3A_37 {dimension_numbers = #tpu.dot_dimension_numbers<[1], [0], [0], [1], [0, 0, 1, 1], [], []>, precision = #tpu.contract_precision<fp32>, transpose_lhs_hint = false} : vector<128x2048xf32>, vector<2048x128xf32>, vector<128x128xf32> -> vector<128x128xf32>
    %eq3A_39 = arith.constant 0 : i32
    %eq3A_40 = arith.cmpi eq, %arg0, %eq3A_39 : i32
    %convert_element_type3A_41 = arith.extui %eq3A_40 : i1 to i32
    %cond3A = arith.constant 0 : i32
    %cond3A_42 = arith.cmpi ne, %convert_element_type3A_41, %cond3A : i32
    scf.if %cond3A_42 {
      %broadcast_in_dim3A = arith.constant 0.000000e+00 : f32
      %broadcast_in_dim3A_54 = vector.broadcast %broadcast_in_dim3A : f32 to vector<128x128xf32>
      %swap3A_55 = arith.constant 0 : index
      %swap3A_56 = arith.constant 0 : index
      %swap3A_57 = vector.load %arg10[%swap3A_55, %swap3A_56] : memref<128x128xf32, #tpu.memory_space<vmem>>, vector<128x128xf32>
      tpu.vector_store %arg10[%swap3A_55, %swap3A_56], %broadcast_in_dim3A_54 {strides = array<i32>} : memref<128x128xf32, #tpu.memory_space<vmem>>, vector<128x128xf32>,
      %broadcast_in_dim3A_58 = arith.constant 0.000000e+00 : f32
      %broadcast_in_dim3A_59 = vector.broadcast %broadcast_in_dim3A_58 : f32 to vector<128x1xf32>
      %swap3A_60 = arith.constant 0 : index
      %swap3A_61 = arith.constant 0 : index
      %swap3A_62 = vector.load %arg9[%swap3A_60, %swap3A_61] : memref<128x1xf32, #tpu.memory_space<vmem>>, vector<128x1xf32>
      tpu.vector_store %arg9[%swap3A_60, %swap3A_61], %broadcast_in_dim3A_59 {strides = array<i32>} : memref<128x1xf32, #tpu.memory_space<vmem>>, vector<128x1xf32>,
    } else {
    }
    %get3A_43 = arith.constant 0 : index
    %get3A_44 = arith.constant 0 : index
    %get3A_45 = vector.load %arg10[%get3A_43, %get3A_44] : memref<128x128xf32, #tpu.memory_space<vmem>>, vector<128x128xf32>
    %add3A_46 = arith.addf %get3A_45, %dot_general3A_38 : vector<128x128xf32>
    %swap3A = arith.constant 0 : index
    %swap3A_47 = arith.constant 0 : index
    %swap3A_48 = vector.load %arg10[%swap3A, %swap3A_47] : memref<128x128xf32, #tpu.memory_space<vmem>>, vector<128x128xf32>
    tpu.vector_store %arg10[%swap3A, %swap3A_47], %add3A_46 {strides = array<i32>} : memref<128x128xf32, #tpu.memory_space<vmem>>, vector<128x128xf32>,
    %eq3A_49 = arith.constant 4 : i32
    %eq3A_50 = arith.cmpi eq, %arg0, %eq3A_49 : i32
    %convert_element_type3A_51 = arith.extui %eq3A_50 : i1 to i32
    %cond3A_52 = arith.constant 0 : i32
    %cond3A_53 = arith.cmpi ne, %convert_element_type3A_51, %cond3A_52 : i32
    scf.if %cond3A_53 {
      %get3A_54 = arith.constant 0 : index
      %get3A_55 = arith.constant 0 : index
      %get3A_56 = vector.load %arg10[%get3A_54, %get3A_55] : memref<128x128xf32, #tpu.memory_space<vmem>>, vector<128x128xf32>
      %get3A_57 = arith.constant 0 : index
      %get3A_58 = arith.constant 0 : index
      %get3A_59 = vector.load %arg7[%get3A_57, %get3A_58] : memref<128x1xf32, #tpu.memory_space<vmem>>, vector<128x1xf32>
      %dot_general3A_60 = arith.constant dense<0.000000e+00> : vector<128x1xf32>
      %dot_general3A_61 = tpu.matmul %get3A_56, %get3A_59, %dot_general3A_60 {dimension_numbers = #tpu.dot_dimension_numbers<[1], [0], [0], [1], [0, 0, 1, 1], [], []>, transpose_lhs_hint = false} : vector<128x128xf32>, vector<128x1xf32>, vector<128x1xf32> -> vector<128x1xf32>
      %get3A_62 = arith.constant 0 : index
      %get3A_63 = arith.constant 0 : index
      %get3A_64 = vector.load %arg8[%get3A_62, %get3A_63] : memref<1x1xf32, #tpu.memory_space<vmem>>, vector<1x1xf32>
      %add3A_65 = vector.broadcast %get3A_64 : vector<1x1xf32> to vector<128x1xf32>
      %add3A_66 = arith.addf %dot_general3A_61, %add3A_65 : vector<128x1xf32>
      %swap3A_67 = arith.constant 0 : index
      %swap3A_68 = arith.constant 0 : index
      %swap3A_69 = vector.load %arg9[%swap3A_67, %swap3A_68] : memref<128x1xf32, #tpu.memory_space<vmem>>, vector<128x1xf32>
      tpu.vector_store %arg9[%swap3A_67, %swap3A_68], %add3A_66 {strides = array<i32>} : memref<128x1xf32, #tpu.memory_space<vmem>>, vector<128x1xf32>,
    } else {
    }
    return
  }
  func.func @transform_0(%arg0: i32) -> (i32, i32, i32) {
    %c0_i32 = arith.constant 0 : i32
    %c0_i32_0 = arith.constant 0 : i32
    %c0_i32_1 = arith.constant 0 : i32
    return %c0_i32, %arg0, %c0_i32_0 : i32, i32, i32
  }
  func.func @transform_1(%arg0: i32) -> (i32, i32, i32) {
    %c0_i32 = arith.constant 0 : i32
    %c0_i32_0 = arith.constant 0 : i32
    %c0_i32_1 = arith.constant 0 : i32
    return %arg0, %c0_i32, %c0_i32_0 : i32, i32, i32
  }
  func.func @transform_2(%arg0: i32) -> (i32, i32) {
    %c0_i32 = arith.constant 0 : i32
    %c0_i32_0 = arith.constant 0 : i32
    %c0_i32_1 = arith.constant 0 : i32
    return %c0_i32, %c0_i32_0 : i32, i32
  }
  func.func @transform_3(%arg0: i32) -> (i32, i32) {
    %c0_i32 = arith.constant 0 : i32
    %c0_i32_0 = arith.constant 0 : i32
    %c0_i32_1 = arith.constant 0 : i32
    return %c0_i32, %c0_i32_0 : i32, i32
  }
  func.func @transform_4(%arg0: i32) -> (i32, i32) {
    %c0_i32 = arith.constant 0 : i32
    %c0_i32_0 = arith.constant 0 : i32
    %c0_i32_1 = arith.constant 0 : i32
    return %c0_i32, %c0_i32_0 : i32, i32
  }
  func.func @transform_5(%arg0: i32) -> (i32, i32) {
    %c0_i32 = arith.constant 0 : i32
    %c0_i32_0 = arith.constant 0 : i32
    %c0_i32_1 = arith.constant 0 : i32
    return %c0_i32, %c0_i32_0 : i32, i32
  }
  func.func @transform_6(%arg0: i32) -> (i32, i32) {
    %c0_i32 = arith.constant 0 : i32
    %c0_i32_0 = arith.constant 0 : i32
    %c0_i32_1 = arith.constant 0 : i32
    return %c0_i32, %c0_i32_0 : i32, i32
  }
  func.func @transform_7(%arg0: i32) -> (i32, i32) {
    %c0_i32 = arith.constant 0 : i32
    %c0_i32_0 = arith.constant 0 : i32
    %c0_i32_1 = arith.constant 0 : i32
    return %c0_i32, %c0_i32_0 : i32, i32
  }
  func.func @transform_8(%arg0: i32) -> (i32, i32) {
    %c0_i32 = arith.constant 0 : i32
    %c0_i32_0 = arith.constant 0 : i32
    %c0_i32_1 = arith.constant 0 : i32
    return %c0_i32, %c0_i32_0 : i32, i32
  }
}

</mosaic_0001>

<sc_bundles>
// kernel: kernel.4.cloned.1.call-start
scs
__scs_entry_jumppad:
0x0: {  	(pc) =	sbr.rel $0x88, $3  }
0x1: {  	(tag) =	ssettag $0x0;
	lr =	simm.s32 $0x1  }
0x2: {  	[smem:$0x3F98] =	sst lr;
	_ =	strace $0xD0000000  }
0x3: {  	_ = 	snop  }
0x4: {  	_ = 	snop  }
0x5: {  	_ = 	snop  }
0x6: {  	_ = 	snop  }
0x7: {  	_ = 	snop  }
__scs_overlays_trampoline_lowered:
0x8: {  	[smem:$0x3FA7] =	sst s0  }
0x9: {  	[smem:$0x3FA8] =	sst s1  }
0xa: {  	[smem:$0x3FA9] =	sst s2  }
0xb: {  	[smem:$0x3FAA] =	sst s3  }
0xc: {  	[smem:$0x3FAB] =	sst s4  }
0xd: {  	[smem:$0x3FAC] =	sst s5  }
0xe: {  	[smem:$0x3FAD] =	sst s6  }
0xf: {  	[smem:$0x3FAE] =	sst s7  }
0x10: {  	[smem:$0x3FAF] =	sst s8  }
0x11: {  	[smem:$0x3FB0] =	sst s9;
	s0 =	simm.s32 @!p0 $0x0  }
0x12: {  	s1 =	sld [smem:$0x3F96];
	s0 =	simm.s32 @p0 $0x1  }
0x13: {  	[smem:$0x3FB1] =	sst s0;
	s0 =	simm.s32 @!p1 $0x0  }
0x14: {  	s2 =	sld [smem:$0x3F95];
	s0 =	simm.s32 @p1 $0x1  }
0x15: {  	[smem:$0x3FB2] =	sst s0;
	s0 =	simm.s32 @!p2 $0x0  }
0x16: {  	s3 =	sld [smem:$0x3FDB];
	s0 =	simm.s32 @p2 $0x1  }
0x17: {  	s4 =	simm.s32 $0x1BF5;
	[smem:$0x3FB4] =	sst s0  }
0x18: {  	s0 =	sld [smem:$0x3F97];
	_ =	swait.ge [sflag:s4], $0x0  }
0x19: {  	s7 =	sld [smem:$0x3F98]  }
0x1a: {  	s8 =	sadd.s32 $0xFFFFE003, lr  }
0x1b: {  	s9 =	sadd.s32 $0xFFFFFEF7, lr;
	s5 =	simm.s32 $0xFFFFFFFF;
	p2 =	slt.u32 s8, $0xFFFFF086  }
0x1c: {  	p1 =	slt.u32 s9, $0xF7A;
	s5 =	simm.s32 @!p2 $0x0  }
0x1d: {  	s5 =	simm.s32 @p1 $0x1;
	p0 =	seq.s32 s7, s2  }
0x1e: {  	s7 =	smul.u32 @!p0 $0xF7A, s2;
	p2 =	seq.s32 @!p0 s5, $0x0  }
0x1f: {  	s9 =	smul.u32 $0xF7A, s1;
	s8 =	simm.s32 @!p0 $0x1BF5;
	p2 =	por !p2, p0  }
0x20: {  	[sflag:s8] =	ssyncset.s32 @!p0 $0xFFFFF086;
	s6 =	sadd.s32 @!p0 s3, s7;
	s7 =	simm.s32 @!p0 $0x108  }
0x21: {  	s3 =	sadd.s32 s3, s9;
	s6 =	sadd.s32 @!p0 $0x88, s6;
	s7 =	simm.s32 @p2 $0x1082  }
0x22: {  	[simem:s7], [sflag:s8] =	dma.local @!p0 [hbm:s6], $0xF7A  }
0x23: {  	s9 =	sor.u32 $0xD0000000, s2;
	s6 =	simm.s32 $0x108;
	_ =	swait.ge @!p0 [sflag:s8], $0x0  }
0x24: {  	s3 =	sadd.s32 $0x88, s3;
	s6 =	simm.s32 @!p1 $0x1082;
	[sflag:s4] =	ssyncset.s32 $0xFFFFF086  }
0x25: {  	[simem:s6], [sflag:s4] =	dma.local [hbm:s3], $0xF7A  }
0x26: {  	[smem:$0x3F98] =	sst s1;
	(tag) =	ssettag s2;
	_ =	strace s9  }
0x27: {  	s1 =	sld [smem:$0x3FA8]  }
0x28: {  	s2 =	sld [smem:$0x3FA9]  }
0x29: {  	s4 =	sld [smem:$0x3FAB]  }
0x2a: {  	p0 =	seq.s32 s5, $0x0;
	s5 =	sld [smem:$0x3FAC]  }
0x2b: {  	s6 =	sld [smem:$0x3FAD]  }
0x2c: {  	s7 =	sld [smem:$0x3FAE]  }
0x2d: {  	s3 =	simm.s32 $0x108;
	s8 =	sld [smem:$0x3FAF]  }
0x2e: {  	s3 =	simm.s32 @!p0 $0x1082;
	s9 =	sld [smem:$0x3FB0]  }
0x2f: {  	lr =	sadd.s32 s0, s3;
	s0 =	sld [smem:$0x3FA7]  }
0x30: {  	s3 =	sld [smem:$0x3FAA]  }
0x31: {  	[smem:$0x3FB3] =	sst s10  }
0x32: {  	s10 =	sld [smem:$0x3FB1];
	_ =	sdelay $0x3  }
0x33: {  	p0 =	seq.s32 s10, $0x1;
	s10 =	sld [smem:$0x3FB3];
	_ =	sdelay $0x3  }
0x34: {  	[smem:$0x3FB3] =	sst s10  }
0x35: {  	s10 =	sld [smem:$0x3FB2];
	_ =	sdelay $0x3  }
0x36: {  	p1 =	seq.s32 s10, $0x1;
	s10 =	sld [smem:$0x3FB3];
	_ =	sdelay $0x3  }
0x37: {  	[smem:$0x3FB3] =	sst s10  }
0x38: {  	s10 =	sld [smem:$0x3FB4]  }
0x39: {  	_ = 	snop;
	(pc) =	sbr.ind lr, $3  }
0x3a: {  	_ = 	snop  }
0x3b: {  	_ = 	snop  }
0x3c: {  	p2 =	seq.s32 s10, $0x1;
	s10 =	sld [smem:$0x3FB3]  }
0x3d: {  	_ =	shalt  }
0x3e: {  	_ =	shalt  }
0x3f: {  	_ =	shalt  }
0x40: {  	_ =	shalt  }
0x41: {  	_ =	shalt  }
0x42: {  	_ =	shalt  }
0x43: {  	_ =	shalt  }
0x44: {  	_ =	shalt  }
0x45: {  	_ =	shalt  }
0x46: {  	_ =	shalt  }
0x47: {  	_ =	shalt  }
0x48: {  	_ =	shalt  }
0x49: {  	_ =	shalt  }
0x4a: {  	_ =	shalt  }
0x4b: {  	_ =	shalt  }
0x4c: {  	_ =	shalt  }
0x4d: {  	_ =	shalt  }
0x4e: {  	_ =	shalt  }
0x4f: {  	_ =	shalt  }
0x50: {  	_ =	shalt  }
0x51: {  	_ =	shalt  }
0x52: {  	_ =	shalt  }
0x53: {  	_ =	shalt  }
0x54: {  	_ =	shalt  }
0x55: {  	_ =	shalt  }
0x56: {  	_ =	shalt  }
0x57: {  	_ =	shalt  }
0x58: {  	_ =	shalt  }
0x59: {  	_ =	shalt  }
0x5a: {  	_ =	shalt  }
0x5b: {  	_ =	shalt  }
0x5c: {  	_ =	shalt  }
0x5d: {  	_ =	shalt  }
0x5e: {  	_ =	shalt  }
0x5f: {  	_ =	shalt  }
0x60: {  	_ =	shalt  }
0x61: {  	_ =	shalt  }
0x62: {  	_ =	shalt  }
0x63: {  	_ =	shalt  }
0x64: {  	_ =	shalt  }
0x65: {  	_ =	shalt  }
0x66: {  	_ =	shalt  }
0x67: {  	_ =	shalt  }
0x68: {  	_ =	shalt  }
0x69: {  	_ =	shalt  }
0x6a: {  	_ =	shalt  }
0x6b: {  	_ =	shalt  }
0x6c: {  	_ =	shalt  }
0x6d: {  	_ =	shalt  }
0x6e: {  	_ =	shalt  }
0x6f: {  	_ =	shalt  }
0x70: {  	_ =	shalt  }
0x71: {  	_ =	shalt  }
0x72: {  	_ =	shalt  }
0x73: {  	_ =	shalt  }
0x74: {  	_ =	shalt  }
0x75: {  	_ =	shalt  }
0x76: {  	_ =	shalt  }
0x77: {  	_ =	shalt  }
0x78: {  	_ =	shalt  }
0x79: {  	_ =	shalt  }
0x7a: {  	_ =	shalt  }
0x7b: {  	_ =	shalt  }
0x7c: {  	_ =	shalt  }
0x7d: {  	_ =	shalt  }
0x7e: {  	_ =	shalt  }
0x7f: {  	_ =	shalt  }
0x80: {  	_ =	shalt  }
0x81: {  	_ =	shalt  }
0x82: {  	_ =	shalt  }
0x83: {  	_ =	shalt  }
0x84: {  	_ =	shalt  }
0x85: {  	_ =	shalt  }
0x86: {  	_ =	shalt  }
0x87: {  	_ =	shalt  }
.Lfunc_end0:
.L_simem_size_0:
called_computation_lowered:
.L_overlay_start_0:
0x88: {  	s2 =	sld [smem:$0x3FD9]  }
0x89: {  	s3 =	sld [smem:$0x3FFE];
	_ =	sdelay $0x1  }
0x8a: {  	s1 =	srdreg.scid  }
0x8b: {  	s0 =	sand.u32 $0x1, s1  }
0x8c: {  	s17 =	sshll.u32 s0, $0xA;
	s2 =	sadd.s32 s3, s2  }
0x8d: {  	s2 =	sadd.s32 s2, s17  }
0x8e: {  	[smem:$0x3FBF] =	sst s2  }
0x8f: {  	_ = 	snop  }
0x90: {  	s2 =	sld [smem:$0x3FC9]  }
0x91: {  	s18 =	sld [smem:$0x3FC8];
	(tm) =	ssettm $0x1  }
0x92: {  	s4 =	sld [smem:$0x3FFB];
	_ =	sdelay $0x3  }
0x93: {  	_ =	strace s4  }
0x94: {  	s4 =	sld [smem:$0x3FFC];
	_ =	sdelay $0x3  }
0x95: {  	_ =	strace s4  }
0x96: {  	s4 =	sld [smem:$0x3FFD];
	_ =	sdelay $0x3  }
0x97: {  	_ =	strace s4  }
0x98: {  	_ =	strace $0x8FFFFFFF  }
0x99: {  	s19 =	sld [smem:$0x3FDB];
	_ =	sdelay $0x1  }
0x9a: {  	s5 =	simm.s32 $_scs_section_size  }
0x9b: {  	s6 =	simm.s32 $_size__tile_overlayer_lowered;
	s7 =	simm.s32 $_tile_overlayer_lowered  }
0x9c: {  	s22 =	simm.s32 $0x1BFF;
	s21 =	sshll.u32 s7, $0x1;
	s4 =	sadd.s32 s5, s19  }
0x9d: {  	s8 =	simm.s32 $0x0;
	s20 =	sshll.u32 s6, $0x1;
	s6 =	sadd.s32 s21, s4  }
0x9e: {  	[timem:s8], [sflag:s22] =	dma.local [hbm:s6], s20  }
0x9f: {  	_ =	swait.ge [sflag:s22], s20  }
0xa0: {  	s5 =	ssub.s32 $0x0, s20;
	[sflag:s22] =	ssyncset.done $0x0  }
0xa1: {  	[sflag:s22] =	ssyncadd.s32 s5;
	_ =	sdelay $0x1  }
0xa2: {  	s23 =	simm.s32 $0x1B8B  }
0xa3: {  	_ =	swait.ge [sflag:s23], $0x1  }
0xa4: {  	[sflag:s23] =	ssyncset.done $0x0  }
0xa5: {  	s25 =	simm.s32 $0x1B8E;
	s24 =	sld [smem:$0x3FFE];
	[sflag:s23] =	ssyncadd.s32 $0xFFFFFFFF  }
0xa6: {  	s26 =	simm.s32 $execute0_lowered;
	[smem:$0x3FD2] =	sst s25  }
0xa7: {  	s6 =	sshll.u32 s26, $0x1;
	_ =	strace $0x80000046;
	[dreg:$0x1] =	wrdreg $0xFFFFFFFF  }
0xa8: {  	s28 =	simm.s32 $_size_execute0_lowered;
	s4 =	sadd.s32 s4, s6;
	[dreg:$0x0] =	wrdreg $0x0  }
0xa9: {  	s6 =	sshll.u32 s28, $0x1;
	[dreg:$0x2] =	wrdreg s4  }
0xaa: {  	[dreg:$0x3] =	wrdreg s6  }
0xab: {  	[dreg:$0x4] =	wrdreg $0xC0  }
0xac: {  	_ =	task [dreg:s8], $0x5FFFF  }
0xad: {  	[dreg:$0x1] =	wrdreg $0xFFFFFFFF  }
0xae: {  	[dreg:$0x0] =	wrdreg $0x60  }
0xaf: {  	[dreg:$0x2] =	wrdreg s2  }
0xb0: {  	[dreg:$0x3] =	wrdreg s18  }
0xb1: {  	[dreg:$0x4] =	wrdreg s24  }
0xb2: {  	[dreg:$0x5] =	wrdreg $0xB4000  }
0xb3: {  	[dreg:$0x6] =	wrdreg $0x9  }
0xb4: {  	_ =	task.clear_ibuf [dreg:s8], $0x7FFFF;
	_ =	strace $0x90000046  }
0xb5: {  	s29 =	simm.s32 $0x9;
	_ =	strace $0x80000048  }
0xb6: {  	_ =	swait.ge [sflag:s29], $0x1  }
0xb7: {  	[sflag:s29] =	ssyncadd.s32 $0xFFFFFFFF  }
0xb8: {  	_ =	strace $0x90000048  }
0xb9: {  	_ =	sfence  }
0xba: {  	s30 =	sld [smem:$0x0];
	_ =	sdelay $0x2  }
0xbb: {  	s31 =	sshll.u32 s1, $0xD;
	s1 =	sshrl.u32 s1, $0x2  }
0xbc: {  	s3 =	sand.u32 $0x4000, s31;
	s1 =	sadd.s32 s1, s30  }
0xbd: {  	s0 =	sor.u32 s3, s0;
	s1 =	sshll.u32 s1, $0x11  }
0xbe: {  	s0 =	sor.u32 s1, s0  }
0xbf: {  	s0 =	sadd.s32 $0x8F2B, s0  }
0xc0: {  	[sflag:s0] =	ssyncadd.remote.s32 $0x1  }
0xc1: {  	_ =	sfence.sel $0xFFFF  }
0xc2: {  	[dreg:$0x0] =	wrdreg $0xFFFFFFFF;
	(pc) =	sbr.abs _section_cstart, $3  }
0xc3: {  	[dreg:$0x1] =	wrdreg $0xFFFFFFFF  }
0xc4: {  	_ =	task.clear_ibuf [dreg:s8], $0x2FFFF;
	_ =	strace $0x9FFFFFFF  }
0xc5: {  	(tm) =	ssettm $0x7FFFFFFF  }
tec
execute0_lowered:
.L_overlay_start_1:
0x0: {  	(tag) =	ssettag $0x1  }
0x1: {  	s0 =	rddreg [dreg:$0x0]  }
0x2: {  	s1 =	rddreg [dreg:$0x1]  }
0x3: {  	s2 =	rddreg [dreg:$0x2];
	s4 =	srdreg.scid  }
0x4: {  	s3 =	rddreg [dreg:$0x3];
	s10 =	stileid.u32;
	s7 =	simm.s32 $0x0  }
0x5: {  	s28 =	simm.s32 $0x100;
	s29 =	simm.s32 $0x7400;
	s30 =	simm.s32 $0x140  }
0x6: {  	s31 =	simm.s32 $0x9400;
	s4 =	sand.u32 $0x1, s4;
	s6 =	smul.u32 $0x14000, s10  }
0x7: {  	[smem:$0x7FF] =	sst s7;
	p2 =	sne.s32 s10, $0xF;
	s17 =	smul.u32 $0x50000, s10  }
0x8: {  	s19 =	smul.u32 $0x2800, s10;
	s21 =	sadd.s32 $0x138800, s3;
	s22 =	sadd.s32 $0x25800, s0  }
0x9: {  	s23 =	sadd.s32 $0x13C800, s3;
	p3 =	sgt.u32 s10, $0x1;
	s5 =	smul.u32 $0x140000, s4  }
0xa: {  	_ =	strace $0x80000047;
	s13 =	ssub.s32 $0x2, s4;
	[dreg:$0x7] =	wrdreg s21  }
0xb: {  	s14 =	sshll.u32 s4, $0x3;
	s9 =	sshll.u32 s4, $0x4;
	[dreg:$0x8] =	wrdreg s22  }
0xc: {  	p6 =	seq.s32 s4, $0x0;
	[dreg:$0x9] =	wrdreg s23;
	s4 =	sshll.u32 s4, $0x5  }
0xd: {  	s22 =	simm.s32 $0x3;
	s23 =	simm.s32 $0x1A00;
	s15 =	sshrl.u32 s13, $0x1  }
0xe: {  	s8 =	sadd.s32 $0x8, s14;
	p0 =	sge.u32 s10, s14;
	s16 =	sor.u32 s10, s9  }
0xf: {  	s20 =	sadd.s32 s0, s19;
	s9 =	simm.s32 $0x1980;
	s5 =	sadd.s32 s6, s5  }
0x10: {  	p1 =	slt.u32 s10, s8;
	s18 =	smul.u32 $0x9C0, s16;
	s6 =	sshrl.u32 s17, $0x2  }
0x11: {  	[dreg:$0x6] =	wrdreg s20;
	s7 =	smul.u32 $0x4E00, s16;
	s5 =	sshrl.u32 s5, $0x3  }
0x12: {  	p0 =	por !p0, !p1;
	p1 =	por p6, p2;
	s6 =	sadd.s32 s6, s3  }
0x13: {  	s2 =	sadd.s32 s5, s2;
	s5 =	ssub.s32 s13, s15;
	p0 =	por !p0, !p0  }
0x14: {  	s8 =	sadd.s32 s1, s18;
	s24 =	sadd.s32 $0x4000, s6;
	s25 =	sadd.s32 $0x8000, s6  }
0x15: {  	s26 =	sadd.s32 $0xC000, s6;
	s14 =	sadd.s32 $0x10000, s6;
	[dreg:$0x5] =	wrdreg s8  }
0x16: {  	s7 =	sshrl.u32 s7, $0x3;
	s15 =	sshll.u32 s10, $0x6;
	[dreg:$0xa] =	wrdreg s24  }
0x17: {  	s10 =	simm.s32 $0x0;
	p2 =	por !p1, !p0;
	[dreg:$0xb] =	wrdreg s25  }
0x18: {  	s8 =	sadd.s32 $0x12C000, s3;
	[dreg:$0xc] =	wrdreg s26;
	s7 =	sadd.s32 s1, s7  }
0x19: {  	s1 =	sadd.s32 s4, s1;
	s19 =	sadd.s32 $0x1200, s2;
	s20 =	smax.u32 s5, $0x1  }
0x1a: {  	s24 =	simm.s32 $0x40;
	s25 =	simm.s32 $0x3400;
	s26 =	simm.s32 $0x5400  }
0x1b: {  	s4 =	simm.s32 $0x80;
	s2 =	simm.s32 $0x5;
	s5 =	simm.s32 $0x2  }
0x1c: {  	p2 =	por !p2, !p2;
	s16 =	sadd.s32 $0x340, s7;
	s17 =	sadd.s32 $0x680, s7  }
0x1d: {  	s1 =	sadd.s32 s15, s1;
	s21 =	sshrl.u32 @!p1 s8, $0x3;
	s7 =	simm.s32 $0x4  }
0x1e: {  	v0 =	vimm.f32 $0.0e+00;
	s8 =	simm.s32 $0x1880;
	s18 =	sadd.s32 $0x13800, s1;
	s1 =	simm.s32 $0x1  }
.LBB2_1:
0x1f: {  	s11 =	simm.s32 $0x0;
	s12 =	rddreg [dreg:$0x5]  }
0x20: {  	[tilespmem:s11], [sflag:$0x3] =	stream.linear.gather [hbm4b:s12+s11], $0x1A00, $0x38;
	[tilespmem:$0x1F400] =	vst v63  }
0x21: {  	s11 =	simm.s32 $0x0;
	s12 =	simm.s32 $0x200  }
.LBB2_2:
0x22: {  	p4 =	sne.s32 s12, $0xFE00;
	[tilespmem:s11+$0x3470] =	vst v0  }
0x23: {  	[tilespmem:s11+$0x3400] =	vst v0  }
0x24: {  	[tilespmem:s11+$0x3410] =	vst v0  }
.Ltmp0:
0x25: {  	[tilespmem:s11+$0x3420] =	vst v0;
	(pc) =	sbr.rel @p4 .LBB2_2-.Ltmp0, $4  }
0x26: {  	[tilespmem:s11+$0x3430] =	vst v0  }
0x27: {  	[tilespmem:s11+$0x3440] =	vst v0  }
0x28: {  	[tilespmem:s11+$0x3450] =	vst v0  }
0x29: {  	[tilespmem:s11+$0x3460] =	vst v0;
	s11 =	sshra.s32 s12, $0x2;
	s12 =	sadd.s32 $0x200, s12  }
0x2a: {  	[tilespmem:s11+$0x3470] =	vst v0  }
0x2b: {  	[tilespmem:s11+$0x3400] =	vst v0  }
0x2c: {  	[tilespmem:s11+$0x3410] =	vst v0  }
0x2d: {  	[tilespmem:s11+$0x3420] =	vst v0  }
0x2e: {  	[tilespmem:s11+$0x3430] =	vst v0  }
0x2f: {  	[tilespmem:s11+$0x3440] =	vst v0;
	s12 =	stileid.u32  }
0x30: {  	[tilespmem:s11+$0x3450] =	vst v0;
	s12 =	sshll.u32 @p2 s12, $0x6  }
0x31: {  	[tilespmem:s11+$0x3460] =	vst v0;
	s13 =	rddreg [dreg:$0x6];
	s11 =	sor.u32 @p2 $0x1C05, s12;
	s12 =	sshrl.u32 @p2 s6, $0x3  }
0x32: {  	[spmem:s12], [sflag:s11] =	dma.local @p2 [hbm:s13], $0x2800  }
0x33: {  	s11 =	simm.s32 @p2 $0x5  }
0x34: {  	_ =	swait.ge @p2 [sflag:s11], $0x2800  }
0x35: {  	[sflag:s11] =	ssyncset.done @p2 $0x0  }
0x36: {  	s12 =	rddreg [dreg:$0x8];
	[sflag:s11] =	ssyncadd.s32 @p2 $0xFFFFD800;
	s11 =	simm.s32 @!p1 $0x1FC5  }
0x37: {  	[spmem:s21], [sflag:s11] =	dma.local @!p1 [hbm:s12], $0x1900  }
0x38: {  	s11 =	simm.s32 @!p1 $0x5  }
0x39: {  	_ =	swait.ge @!p1 [sflag:s11], $0x1900  }
0x3a: {  	[sflag:s11] =	ssyncset.done @!p1 $0x0  }
0x3b: {  	s12 =	simm.s32 @!p1 $0x3400;
	s13 =	rddreg [dreg:$0x7];
	[sflag:s11] =	ssyncadd.s32 @!p1 $0xFFFFE700  }
0x3c: {  	[spmem:s13] =	stream.linear.scatter @!p1 [tilespmem:s12], [sflag:$0x5], $0x4000, $0x38;
	[tilespmem:$0x1F400] =	vst v63  }
0x3d: {  	_ =	swait.ge @!p1 [sflag:s11], $0x4000  }
0x3e: {  	[sflag:s11] =	ssyncset.done @!p1 $0x0  }
0x3f: {  	s13 =	rddreg [dreg:$0x9];
	[sflag:s11] =	ssyncadd.s32 @!p1 $0xFFFFC000  }
0x40: {  	[spmem:s13] =	stream.linear.scatter @!p1 [tilespmem:s12], [sflag:$0x5], $0x3800, $0x38;
	[tilespmem:$0x1F400] =	vst v63  }
0x41: {  	_ =	swait.ge @!p1 [sflag:s11], $0x3800  }
0x42: {  	[sflag:s11] =	ssyncset.done @!p1 $0x0  }
0x43: {  	s12 =	simm.s32 @!p0 $0x5;
	[sflag:s11] =	ssyncadd.s32 @!p1 $0xFFFFC800;
	s11 =	simm.s32 @!p0 $0x3400  }
0x44: {  	[spmem:s6] =	stream.linear.scatter @!p0 [tilespmem:s11], [sflag:$0x5], $0x4000, $0x38;
	[tilespmem:$0x1F400] =	vst v63  }
0x45: {  	_ =	swait.ge @!p0 [sflag:s12], $0x4000  }
0x46: {  	[sflag:s12] =	ssyncset.done @!p0 $0x0  }
0x47: {  	s13 =	rddreg [dreg:$0xa];
	[sflag:s12] =	ssyncadd.s32 @!p0 $0xFFFFC000  }
0x48: {  	[spmem:s13] =	stream.linear.scatter @!p0 [tilespmem:s11], [sflag:$0x5], $0x4000, $0x38;
	[tilespmem:$0x1F400] =	vst v63  }
0x49: {  	_ =	swait.ge @!p0 [sflag:s12], $0x4000  }
0x4a: {  	[sflag:s12] =	ssyncset.done @!p0 $0x0  }
0x4b: {  	s13 =	rddreg [dreg:$0xb];
	[sflag:s12] =	ssyncadd.s32 @!p0 $0xFFFFC000  }
0x4c: {  	[spmem:s13] =	stream.linear.scatter @!p0 [tilespmem:s11], [sflag:$0x5], $0x4000, $0x38;
	[tilespmem:$0x1F400] =	vst v63  }
0x4d: {  	_ =	swait.ge @!p0 [sflag:s12], $0x4000  }
0x4e: {  	[sflag:s12] =	ssyncset.done @!p0 $0x0  }
0x4f: {  	s13 =	rddreg [dreg:$0xc];
	[sflag:s12] =	ssyncadd.s32 @!p0 $0xFFFFC000  }
0x50: {  	[spmem:s13] =	stream.linear.scatter @!p0 [tilespmem:s11], [sflag:$0x5], $0x4000, $0x38;
	[tilespmem:$0x1F400] =	vst v63  }
0x51: {  	_ =	swait.ge @!p0 [sflag:s12], $0x4000  }
0x52: {  	[sflag:s12] =	ssyncset.done @!p0 $0x0  }
0x53: {  	[sflag:s12] =	ssyncadd.s32 @!p0 $0xFFFFC000  }
0x54: {  	[spmem:s14] =	stream.linear.scatter @!p0 [tilespmem:s11], [sflag:$0x5], $0x4000, $0x38;
	[tilespmem:$0x1F400] =	vst v63  }
0x55: {  	_ =	swait.ge @!p0 [sflag:s12], $0x4000  }
0x56: {  	[sflag:s12] =	ssyncset.done @!p0 $0x0  }
0x57: {  	[sflag:s12] =	ssyncadd.s32 @!p0 $0xFFFFC000  }
0x58: {  	[bflag:$0x0] =	sbarrier.arrive $0xFFFF  }
0x59: {  	_ =	swait.ge [sflag:s22], $0x1A00  }
0x5a: {  	[sflag:s22] =	ssyncset.done $0x0  }
0x5b: {  	s12 =	simm.s32 $0x0;
	[sflag:s22] =	ssyncadd.s32 $0xFFFFE600  }
0x5c: {  	[tilespmem:s23], [sflag:$0x4] =	stream.linear.gather [hbm4b:s16+s12], $0x1A00, $0x38;
	[tilespmem:$0x1F400] =	vst v63  }
0x5d: {  	_ = 	snop  }
0x5e: {  	[tilespmem:s25], [sflag:$0x1] =	stream.indirect.gather [hbm4b:s0+s24], $0x80, s12, s24, $0xb8;
	[tilespmem:$0x1F400] =	vst v63  }
0x5f: {  	_ = 	snop  }
0x60: {  	[tilespmem:s26], [sflag:$0x1] =	stream.indirect.gather [hbm4b:s0+s24], $0x80, s24, s24, $0xb8;
	[tilespmem:$0x1F400] =	vst v63  }
0x61: {  	_ = 	snop  }
0x62: {  	[tilespmem:s29], [sflag:$0x2] =	stream.indirect.gather [hbm4b:s0+s24], $0x80, s28, s24, $0xb8;
	[tilespmem:$0x1F400] =	vst v63  }
0x63: {  	_ = 	snop  }
0x64: {  	[tilespmem:s31], [sflag:$0x2] =	stream.indirect.gather [hbm4b:s0+s24], $0x80, s30, s24, $0xb8;
	[tilespmem:$0x1F400] =	vst v63  }
0x65: {  	_ =	swait.ge [sflag:s1], $0x2000  }
0x66: {  	[sflag:s1] =	ssyncset.done $0x0  }
0x67: {  	[sflag:s1] =	ssyncadd.s32 $0xFFFFE000  }
0x68: {  	_ =	swait.ge [sflag:s1], $0x2000  }
0x69: {  	[sflag:s1] =	ssyncset.done $0x0  }
0x6a: {  	s13 =	simm.s32 $0x80;
	[sflag:s1] =	ssyncadd.s32 $0xFFFFE000  }
0x6b: {  	[spmem:s3] =	stream.indirect.scatter.add.f32 [tilespmem:s25], [sflag:$0x5], $0x80, s13, s4, $0xb8;
	[tilespmem:$0x1F400] =	vst v63  }
0x6c: {  	_ =	swait.ge [sflag:s2], $0x4000  }
0x6d: {  	[sflag:s2] =	ssyncset.done $0x0  }
0x6e: {  	s12 =	simm.s32 $0x200;
	[sflag:s2] =	ssyncadd.s32 $0xFFFFC000  }
0x6f: {  	[tilespmem:s25], [sflag:$0x1] =	stream.indirect.gather [hbm4b:s0+s24], $0x80, s12, s24, $0xb8;
	[tilespmem:$0x1F400] =	vst v63  }
0x70: {  	s13 =	simm.s32 $0x240  }
0x71: {  	[tilespmem:s26], [sflag:$0x1] =	stream.indirect.gather [hbm4b:s0+s24], $0x80, s13, s24, $0xb8;
	[tilespmem:$0x1F400] =	vst v63  }
0x72: {  	_ =	swait.ge [sflag:s5], $0x2000  }
0x73: {  	[sflag:s5] =	ssyncset.done $0x0  }
0x74: {  	[sflag:s5] =	ssyncadd.s32 $0xFFFFE000  }
0x75: {  	_ =	swait.ge [sflag:s5], $0x2000  }
0x76: {  	[sflag:s5] =	ssyncset.done $0x0  }
0x77: {  	s12 =	simm.s32 $0x180;
	[sflag:s5] =	ssyncadd.s32 $0xFFFFE000  }
0x78: {  	[spmem:s3] =	stream.indirect.scatter.add.f32 [tilespmem:s29], [sflag:$0x5], $0x80, s12, s4, $0xb8;
	[tilespmem:$0x1F400] =	vst v63  }
0x79: {  	_ =	swait.ge [sflag:s2], $0x4000  }
0x7a: {  	s11 =	simm.s32 $0x800;
	[sflag:s2] =	ssyncset.done $0x0  }
0x7b: {  	s13 =	simm.s32 $0x300;
	s12 =	simm.s32 $0x340;
	[sflag:s2] =	ssyncadd.s32 $0xFFFFC000  }
0x7c: {  	[tilespmem:s29], [sflag:$0x2] =	stream.indirect.gather [hbm4b:s0+s24], $0x80, s13, s24, $0xb8;
	[tilespmem:$0x1F400] =	vst v63  }
.LBB2_4:
0x7d: {  	[tilespmem:s31], [sflag:$0x2] =	stream.indirect.gather [hbm4b:s0+s24], $0x80, s12, s24, $0xb8;
	[tilespmem:$0x1F400] =	vst v63  }
0x7e: {  	s12 =	smov.u32 s11  }
0x7f: {  	p4 =	sne.s32 s11, $0x5800;
	s11 =	sadd.s32 $0x800, s11;
	_ =	swait.ge [sflag:s1], $0x2000  }
0x80: {  	[sflag:s1] =	ssyncset.done $0x0  }
0x81: {  	[sflag:s1] =	ssyncadd.s32 $0xFFFFE000  }
0x82: {  	_ =	swait.ge [sflag:s1], $0x2000  }
0x83: {  	s12 =	sshra.s32 s12, $0x2;
	[sflag:s1] =	ssyncset.done $0x0  }
0x84: {  	s13 =	sadd.s32 $0x80, s12;
	[sflag:s1] =	ssyncadd.s32 $0xFFFFE000  }
0x85: {  	[spmem:s3] =	stream.indirect.scatter.add.f32 [tilespmem:s25], [sflag:$0x5], $0x80, s13, s4, $0xb8;
	[tilespmem:$0x1F400] =	vst v63  }
0x86: {  	_ =	swait.ge [sflag:s2], $0x4000  }
0x87: {  	[sflag:s2] =	ssyncset.done $0x0  }
0x88: {  	s13 =	sadd.s32 $0x200, s12;
	[sflag:s2] =	ssyncadd.s32 $0xFFFFC000  }
0x89: {  	[tilespmem:s25], [sflag:$0x1] =	stream.indirect.gather [hbm4b:s0+s24], $0x80, s13, s24, $0xb8;
	[tilespmem:$0x1F400] =	vst v63  }
0x8a: {  	s13 =	sadd.s32 $0x240, s12  }
0x8b: {  	[tilespmem:s26], [sflag:$0x1] =	stream.indirect.gather [hbm4b:s0+s24], $0x80, s13, s24, $0xb8;
	[tilespmem:$0x1F400] =	vst v63  }
0x8c: {  	_ =	swait.ge [sflag:s5], $0x2000  }
0x8d: {  	[sflag:s5] =	ssyncset.done $0x0  }
0x8e: {  	[sflag:s5] =	ssyncadd.s32 $0xFFFFE000  }
0x8f: {  	_ =	swait.ge [sflag:s5], $0x2000  }
0x90: {  	[sflag:s5] =	ssyncset.done $0x0  }
0x91: {  	s13 =	sadd.s32 $0x180, s12;
	[sflag:s5] =	ssyncadd.s32 $0xFFFFE000  }
0x92: {  	[spmem:s3] =	stream.indirect.scatter.add.f32 [tilespmem:s29], [sflag:$0x5], $0x80, s13, s4, $0xb8;
	[tilespmem:$0x1F400] =	vst v63  }
.Ltmp1:
0x93: {  	_ =	swait.ge [sflag:s2], $0x4000;
	(pc) =	sbr.rel @p4 .LBB2_4-.Ltmp1, $4  }
0x94: {  	[sflag:s2] =	ssyncset.done $0x0  }
0x95: {  	s13 =	sadd.s32 $0x300, s12;
	[sflag:s2] =	ssyncadd.s32 $0xFFFFC000  }
0x96: {  	[tilespmem:s29], [sflag:$0x2] =	stream.indirect.gather [hbm4b:s0+s24], $0x80, s13, s24, $0xb8;
	[tilespmem:$0x1F400] =	vst v63  }
0x97: {  	s12 =	sadd.s32 $0x340, s12  }
0x98: {  	[tilespmem:s31], [sflag:$0x2] =	stream.indirect.gather [hbm4b:s0+s24], $0x80, s12, s24, $0xb8;
	[tilespmem:$0x1F400] =	vst v63  }
0x99: {  	_ =	swait.ge [sflag:s7], $0x1A00  }
0x9a: {  	[sflag:s7] =	ssyncset.done $0x0  }
0x9b: {  	[sflag:s7] =	ssyncadd.s32 $0xFFFFE600  }
0x9c: {  	_ =	swait.ge [sflag:s1], $0x2000  }
0x9d: {  	[sflag:s1] =	ssyncset.done $0x0  }
0x9e: {  	[sflag:s1] =	ssyncadd.s32 $0xFFFFE000  }
0x9f: {  	_ =	swait.ge [sflag:s1], $0x2000  }
0xa0: {  	[sflag:s1] =	ssyncset.done $0x0  }
0xa1: {  	[sflag:s1] =	ssyncadd.s32 $0xFFFFE000  }
0xa2: {  	[spmem:s3] =	stream.indirect.scatter.add.f32 [tilespmem:s25], [sflag:$0x5], $0x80, s8, s4, $0xb8;
	[tilespmem:$0x1F400] =	vst v63  }
0xa3: {  	_ =	swait.ge [sflag:s2], $0x4000  }
0xa4: {  	[sflag:s2] =	ssyncset.done $0x0  }
0xa5: {  	[sflag:s2] =	ssyncadd.s32 $0xFFFFC000  }
0xa6: {  	[tilespmem:s25], [sflag:$0x1] =	stream.indirect.gather [hbm4b:s0+s24], $0x80, s23, s24, $0xb8;
	[tilespmem:$0x1F400] =	vst v63  }
0xa7: {  	s11 =	simm.s32 $0x1A40  }
0xa8: {  	[tilespmem:s26], [sflag:$0x1] =	stream.indirect.gather [hbm4b:s0+s24], $0x80, s11, s24, $0xb8;
	[tilespmem:$0x1F400] =	vst v63  }
0xa9: {  	_ =	swait.ge [sflag:s5], $0x2000  }
0xaa: {  	[sflag:s5] =	ssyncset.done $0x0  }
0xab: {  	[sflag:s5] =	ssyncadd.s32 $0xFFFFE000  }
0xac: {  	_ =	swait.ge [sflag:s5], $0x2000  }
0xad: {  	[sflag:s5] =	ssyncset.done $0x0  }
0xae: {  	[sflag:s5] =	ssyncadd.s32 $0xFFFFE000  }
0xaf: {  	[spmem:s3] =	stream.indirect.scatter.add.f32 [tilespmem:s29], [sflag:$0x5], $0x80, s9, s4, $0xb8;
	[tilespmem:$0x1F400] =	vst v63  }
0xb0: {  	_ =	swait.ge [sflag:s2], $0x4000  }
0xb1: {  	[sflag:s2] =	ssyncset.done $0x0  }
0xb2: {  	s12 =	simm.s32 $0x1B00;
	[sflag:s2] =	ssyncadd.s32 $0xFFFFC000  }
0xb3: {  	[tilespmem:s29], [sflag:$0x2] =	stream.indirect.gather [hbm4b:s0+s24], $0x80, s12, s24, $0xb8;
	[tilespmem:$0x1F400] =	vst v63  }
0xb4: {  	s13 =	simm.s32 $0x1B40  }
0xb5: {  	[tilespmem:s31], [sflag:$0x2] =	stream.indirect.gather [hbm4b:s0+s24], $0x80, s13, s24, $0xb8;
	[tilespmem:$0x1F400] =	vst v63  }
0xb6: {  	s12 =	simm.s32 $0x0  }
0xb7: {  	[tilespmem:s12], [sflag:$0x3] =	stream.linear.gather [hbm4b:s17+s12], $0x1A00, $0x38;
	[tilespmem:$0x1F400] =	vst v63  }
0xb8: {  	_ =	swait.ge [sflag:s1], $0x2000  }
0xb9: {  	[sflag:s1] =	ssyncset.done $0x0  }
0xba: {  	[sflag:s1] =	ssyncadd.s32 $0xFFFFE000  }
0xbb: {  	_ =	swait.ge [sflag:s1], $0x2000  }
0xbc: {  	[sflag:s1] =	ssyncset.done $0x0  }
0xbd: {  	s13 =	simm.s32 $0x1A80;
	[sflag:s1] =	ssyncadd.s32 $0xFFFFE000  }
0xbe: {  	[spmem:s3] =	stream.indirect.scatter.add.f32 [tilespmem:s25], [sflag:$0x5], $0x80, s13, s4, $0xb8;
	[tilespmem:$0x1F400] =	vst v63  }
0xbf: {  	_ =	swait.ge [sflag:s2], $0x4000  }
0xc0: {  	[sflag:s2] =	ssyncset.done $0x0  }
0xc1: {  	s12 =	simm.s32 $0x1C00;
	[sflag:s2] =	ssyncadd.s32 $0xFFFFC000  }
0xc2: {  	[tilespmem:s25], [sflag:$0x1] =	stream.indirect.gather [hbm4b:s0+s24], $0x80, s12, s24, $0xb8;
	[tilespmem:$0x1F400] =	vst v63  }
0xc3: {  	s13 =	simm.s32 $0x1C40  }
0xc4: {  	[tilespmem:s26], [sflag:$0x1] =	stream.indirect.gather [hbm4b:s0+s24], $0x80, s13, s24, $0xb8;
	[tilespmem:$0x1F400] =	vst v63  }
0xc5: {  	_ =	swait.ge [sflag:s5], $0x2000  }
0xc6: {  	[sflag:s5] =	ssyncset.done $0x0  }
0xc7: {  	[sflag:s5] =	ssyncadd.s32 $0xFFFFE000  }
0xc8: {  	_ =	swait.ge [sflag:s5], $0x2000  }
0xc9: {  	[sflag:s5] =	ssyncset.done $0x0  }
0xca: {  	s12 =	simm.s32 $0x1B80;
	[sflag:s5] =	ssyncadd.s32 $0xFFFFE000  }
0xcb: {  	[spmem:s3] =	stream.indirect.scatter.add.f32 [tilespmem:s29], [sflag:$0x5], $0x80, s12, s4, $0xb8;
	[tilespmem:$0x1F400] =	vst v63  }
0xcc: {  	_ =	swait.ge [sflag:s2], $0x4000  }
0xcd: {  	s11 =	simm.s32 $0x800;
	[sflag:s2] =	ssyncset.done $0x0  }
0xce: {  	s13 =	simm.s32 $0x1D00;
	s12 =	simm.s32 $0x1D40;
	[sflag:s2] =	ssyncadd.s32 $0xFFFFC000  }
0xcf: {  	[tilespmem:s29], [sflag:$0x2] =	stream.indirect.gather [hbm4b:s0+s24], $0x80, s13, s24, $0xb8;
	[tilespmem:$0x1F400] =	vst v63  }
.LBB2_6:
0xd0: {  	[tilespmem:s31], [sflag:$0x2] =	stream.indirect.gather [hbm4b:s0+s24], $0x80, s12, s24, $0xb8;
	[tilespmem:$0x1F400] =	vst v63  }
0xd1: {  	s12 =	smov.u32 s11  }
0xd2: {  	p4 =	sne.s32 s11, $0x5800;
	s11 =	sadd.s32 $0x800, s11;
	_ =	swait.ge [sflag:s1], $0x2000  }
0xd3: {  	[sflag:s1] =	ssyncset.done $0x0  }
0xd4: {  	[sflag:s1] =	ssyncadd.s32 $0xFFFFE000  }
0xd5: {  	_ =	swait.ge [sflag:s1], $0x2000  }
0xd6: {  	s12 =	sshra.s32 s12, $0x2;
	[sflag:s1] =	ssyncset.done $0x0  }
0xd7: {  	s13 =	sadd.s32 $0x1A80, s12;
	[sflag:s1] =	ssyncadd.s32 $0xFFFFE000  }
0xd8: {  	[spmem:s3] =	stream.indirect.scatter.add.f32 [tilespmem:s25], [sflag:$0x5], $0x80, s13, s4, $0xb8;
	[tilespmem:$0x1F400] =	vst v63  }
0xd9: {  	_ =	swait.ge [sflag:s2], $0x4000  }
0xda: {  	[sflag:s2] =	ssyncset.done $0x0  }
0xdb: {  	s13 =	sadd.s32 $0x1C00, s12;
	[sflag:s2] =	ssyncadd.s32 $0xFFFFC000  }
0xdc: {  	[tilespmem:s25], [sflag:$0x1] =	stream.indirect.gather [hbm4b:s0+s24], $0x80, s13, s24, $0xb8;
	[tilespmem:$0x1F400] =	vst v63  }
0xdd: {  	s13 =	sadd.s32 $0x1C40, s12  }
0xde: {  	[tilespmem:s26], [sflag:$0x1] =	stream.indirect.gather [hbm4b:s0+s24], $0x80, s13, s24, $0xb8;
	[tilespmem:$0x1F400] =	vst v63  }
0xdf: {  	_ =	swait.ge [sflag:s5], $0x2000  }
0xe0: {  	[sflag:s5] =	ssyncset.done $0x0  }
0xe1: {  	[sflag:s5] =	ssyncadd.s32 $0xFFFFE000  }
0xe2: {  	_ =	swait.ge [sflag:s5], $0x2000  }
0xe3: {  	[sflag:s5] =	ssyncset.done $0x0  }
0xe4: {  	s13 =	sadd.s32 $0x1B80, s12;
	[sflag:s5] =	ssyncadd.s32 $0xFFFFE000  }
0xe5: {  	[spmem:s3] =	stream.indirect.scatter.add.f32 [tilespmem:s29], [sflag:$0x5], $0x80, s13, s4, $0xb8;
	[tilespmem:$0x1F400] =	vst v63  }
.Ltmp2:
0xe6: {  	_ =	swait.ge [sflag:s2], $0x4000;
	(pc) =	sbr.rel @p4 .LBB2_6-.Ltmp2, $4  }
0xe7: {  	[sflag:s2] =	ssyncset.done $0x0  }
0xe8: {  	s13 =	sadd.s32 $0x1D00, s12;
	[sflag:s2] =	ssyncadd.s32 $0xFFFFC000  }
0xe9: {  	[tilespmem:s29], [sflag:$0x2] =	stream.indirect.gather [hbm4b:s0+s24], $0x80, s13, s24, $0xb8;
	[tilespmem:$0x1F400] =	vst v63  }
0xea: {  	s12 =	sadd.s32 $0x1D40, s12  }
0xeb: {  	[tilespmem:s31], [sflag:$0x2] =	stream.indirect.gather [hbm4b:s0+s24], $0x80, s12, s24, $0xb8;
	[tilespmem:$0x1F400] =	vst v63  }
0xec: {  	_ =	swait.ge [sflag:s22], $0x1A00  }
0xed: {  	[sflag:s22] =	ssyncset.done $0x0  }
0xee: {  	[sflag:s22] =	ssyncadd.s32 $0xFFFFE600  }
0xef: {  	_ =	swait.ge [sflag:s1], $0x2000  }
0xf0: {  	[sflag:s1] =	ssyncset.done $0x0  }
0xf1: {  	[sflag:s1] =	ssyncadd.s32 $0xFFFFE000  }
0xf2: {  	_ =	swait.ge [sflag:s1], $0x2000  }
0xf3: {  	[sflag:s1] =	ssyncset.done $0x0  }
0xf4: {  	s11 =	simm.s32 $0x3280;
	[sflag:s1] =	ssyncadd.s32 $0xFFFFE000  }
0xf5: {  	[spmem:s3] =	stream.indirect.scatter.add.f32 [tilespmem:s25], [sflag:$0x5], $0x80, s11, s4, $0xb8;
	[tilespmem:$0x1F400] =	vst v63  }
0xf6: {  	_ =	swait.ge [sflag:s2], $0x4000  }
0xf7: {  	[sflag:s2] =	ssyncset.done $0x0  }
0xf8: {  	s13 =	simm.s32 $0x0;
	[sflag:s2] =	ssyncadd.s32 $0xFFFFC000  }
0xf9: {  	[tilespmem:s25], [sflag:$0x1] =	stream.indirect.gather [hbm4b:s0+s24], $0x80, s13, s24, $0xb8;
	[tilespmem:$0x1F400] =	vst v63  }
0xfa: {  	_ = 	snop  }
0xfb: {  	[tilespmem:s26], [sflag:$0x1] =	stream.indirect.gather [hbm4b:s0+s24], $0x80, s24, s24, $0xb8;
	[tilespmem:$0x1F400] =	vst v63  }
0xfc: {  	_ =	swait.ge [sflag:s5], $0x2000  }
0xfd: {  	[sflag:s5] =	ssyncset.done $0x0  }
0xfe: {  	[sflag:s5] =	ssyncadd.s32 $0xFFFFE000  }
0xff: {  	_ =	swait.ge [sflag:s5], $0x2000  }
0x100: {  	[sflag:s5] =	ssyncset.done $0x0  }
0x101: {  	s12 =	simm.s32 $0x3380;
	[sflag:s5] =	ssyncadd.s32 $0xFFFFE000  }
0x102: {  	[spmem:s3] =	stream.indirect.scatter.add.f32 [tilespmem:s29], [sflag:$0x5], $0x80, s12, s4, $0xb8;
	[tilespmem:$0x1F400] =	vst v63  }
0x103: {  	_ =	swait.ge [sflag:s2], $0x4000  }
0x104: {  	[sflag:s2] =	ssyncset.done $0x0  }
0x105: {  	[sflag:s2] =	ssyncadd.s32 $0xFFFFC000  }
0x106: {  	[tilespmem:s29], [sflag:$0x2] =	stream.indirect.gather [hbm4b:s0+s24], $0x80, s28, s24, $0xb8;
	[tilespmem:$0x1F400] =	vst v63  }
0x107: {  	_ = 	snop  }
0x108: {  	[tilespmem:s31], [sflag:$0x2] =	stream.indirect.gather [hbm4b:s0+s24], $0x80, s30, s24, $0xb8;
	[tilespmem:$0x1F400] =	vst v63  }
0x109: {  	_ =	swait.ge [sflag:s1], $0x2000  }
0x10a: {  	[sflag:s1] =	ssyncset.done $0x0  }
0x10b: {  	[sflag:s1] =	ssyncadd.s32 $0xFFFFE000  }
0x10c: {  	_ =	swait.ge [sflag:s1], $0x2000  }
0x10d: {  	[sflag:s1] =	ssyncset.done $0x0  }
0x10e: {  	s13 =	simm.s32 $0x80;
	[sflag:s1] =	ssyncadd.s32 $0xFFFFE000  }
0x10f: {  	[spmem:s3] =	stream.indirect.scatter.add.f32 [tilespmem:s25], [sflag:$0x5], $0x80, s13, s4, $0xb8;
	[tilespmem:$0x1F400] =	vst v63  }
0x110: {  	_ =	swait.ge [sflag:s2], $0x4000  }
0x111: {  	[sflag:s2] =	ssyncset.done $0x0  }
0x112: {  	s12 =	simm.s32 $0x200;
	[sflag:s2] =	ssyncadd.s32 $0xFFFFC000  }
0x113: {  	[tilespmem:s25], [sflag:$0x1] =	stream.indirect.gather [hbm4b:s0+s24], $0x80, s12, s24, $0xb8;
	[tilespmem:$0x1F400] =	vst v63  }
0x114: {  	s13 =	simm.s32 $0x240  }
0x115: {  	[tilespmem:s26], [sflag:$0x1] =	stream.indirect.gather [hbm4b:s0+s24], $0x80, s13, s24, $0xb8;
	[tilespmem:$0x1F400] =	vst v63  }
0x116: {  	_ =	swait.ge [sflag:s5], $0x2000  }
0x117: {  	[sflag:s5] =	ssyncset.done $0x0  }
0x118: {  	[sflag:s5] =	ssyncadd.s32 $0xFFFFE000  }
0x119: {  	_ =	swait.ge [sflag:s5], $0x2000  }
0x11a: {  	[sflag:s5] =	ssyncset.done $0x0  }
0x11b: {  	s12 =	simm.s32 $0x180;
	[sflag:s5] =	ssyncadd.s32 $0xFFFFE000  }
0x11c: {  	[spmem:s3] =	stream.indirect.scatter.add.f32 [tilespmem:s29], [sflag:$0x5], $0x80, s12, s4, $0xb8;
	[tilespmem:$0x1F400] =	vst v63  }
0x11d: {  	_ =	swait.ge [sflag:s2], $0x4000  }
0x11e: {  	s11 =	simm.s32 $0x800;
	[sflag:s2] =	ssyncset.done $0x0  }
0x11f: {  	s13 =	simm.s32 $0x300;
	s12 =	simm.s32 $0x340;
	[sflag:s2] =	ssyncadd.s32 $0xFFFFC000  }
0x120: {  	[tilespmem:s29], [sflag:$0x2] =	stream.indirect.gather [hbm4b:s0+s24], $0x80, s13, s24, $0xb8;
	[tilespmem:$0x1F400] =	vst v63  }
.LBB2_8:
0x121: {  	[tilespmem:s31], [sflag:$0x2] =	stream.indirect.gather [hbm4b:s0+s24], $0x80, s12, s24, $0xb8;
	[tilespmem:$0x1F400] =	vst v63  }
0x122: {  	s12 =	smov.u32 s11  }
0x123: {  	p4 =	sne.s32 s11, $0x5800;
	s11 =	sadd.s32 $0x800, s11;
	_ =	swait.ge [sflag:s1], $0x2000  }
0x124: {  	[sflag:s1] =	ssyncset.done $0x0  }
0x125: {  	[sflag:s1] =	ssyncadd.s32 $0xFFFFE000  }
0x126: {  	_ =	swait.ge [sflag:s1], $0x2000  }
0x127: {  	s12 =	sshra.s32 s12, $0x2;
	[sflag:s1] =	ssyncset.done $0x0  }
0x128: {  	s13 =	sadd.s32 $0x80, s12;
	[sflag:s1] =	ssyncadd.s32 $0xFFFFE000  }
0x129: {  	[spmem:s3] =	stream.indirect.scatter.add.f32 [tilespmem:s25], [sflag:$0x5], $0x80, s13, s4, $0xb8;
	[tilespmem:$0x1F400] =	vst v63  }
0x12a: {  	_ =	swait.ge [sflag:s2], $0x4000  }
0x12b: {  	[sflag:s2] =	ssyncset.done $0x0  }
0x12c: {  	s13 =	sadd.s32 $0x200, s12;
	[sflag:s2] =	ssyncadd.s32 $0xFFFFC000  }
0x12d: {  	[tilespmem:s25], [sflag:$0x1] =	stream.indirect.gather [hbm4b:s0+s24], $0x80, s13, s24, $0xb8;
	[tilespmem:$0x1F400] =	vst v63  }
0x12e: {  	s13 =	sadd.s32 $0x240, s12  }
0x12f: {  	[tilespmem:s26], [sflag:$0x1] =	stream.indirect.gather [hbm4b:s0+s24], $0x80, s13, s24, $0xb8;
	[tilespmem:$0x1F400] =	vst v63  }
0x130: {  	_ =	swait.ge [sflag:s5], $0x2000  }
0x131: {  	[sflag:s5] =	ssyncset.done $0x0  }
0x132: {  	[sflag:s5] =	ssyncadd.s32 $0xFFFFE000  }
0x133: {  	_ =	swait.ge [sflag:s5], $0x2000  }
0x134: {  	[sflag:s5] =	ssyncset.done $0x0  }
0x135: {  	s13 =	sadd.s32 $0x180, s12;
	[sflag:s5] =	ssyncadd.s32 $0xFFFFE000  }
0x136: {  	[spmem:s3] =	stream.indirect.scatter.add.f32 [tilespmem:s29], [sflag:$0x5], $0x80, s13, s4, $0xb8;
	[tilespmem:$0x1F400] =	vst v63  }
.Ltmp3:
0x137: {  	_ =	swait.ge [sflag:s2], $0x4000;
	(pc) =	sbr.rel @p4 .LBB2_8-.Ltmp3, $4  }
0x138: {  	[sflag:s2] =	ssyncset.done $0x0  }
0x139: {  	s13 =	sadd.s32 $0x300, s12;
	[sflag:s2] =	ssyncadd.s32 $0xFFFFC000  }
0x13a: {  	[tilespmem:s29], [sflag:$0x2] =	stream.indirect.gather [hbm4b:s0+s24], $0x80, s13, s24, $0xb8;
	[tilespmem:$0x1F400] =	vst v63  }
0x13b: {  	s12 =	sadd.s32 $0x340, s12  }
0x13c: {  	[tilespmem:s31], [sflag:$0x2] =	stream.indirect.gather [hbm4b:s0+s24], $0x80, s12, s24, $0xb8;
	[tilespmem:$0x1F400] =	vst v63  }
0x13d: {  	_ =	swait.ge [sflag:s1], $0x2000  }
0x13e: {  	[sflag:s1] =	ssyncset.done $0x0  }
0x13f: {  	[sflag:s1] =	ssyncadd.s32 $0xFFFFE000  }
0x140: {  	_ =	swait.ge [sflag:s1], $0x2000  }
0x141: {  	[sflag:s1] =	ssyncset.done $0x0  }
0x142: {  	[sflag:s1] =	ssyncadd.s32 $0xFFFFE000  }
0x143: {  	[spmem:s3] =	stream.indirect.scatter.add.f32 [tilespmem:s25], [sflag:$0x5], $0x80, s8, s4, $0xb8;
	[tilespmem:$0x1F400] =	vst v63  }
0x144: {  	_ =	swait.ge [sflag:s2], $0x4000  }
0x145: {  	[sflag:s2] =	ssyncset.done $0x0  }
0x146: {  	[sflag:s2] =	ssyncadd.s32 $0xFFFFC000  }
0x147: {  	_ =	swait.ge [sflag:s5], $0x2000  }
0x148: {  	[sflag:s5] =	ssyncset.done $0x0  }
0x149: {  	[sflag:s5] =	ssyncadd.s32 $0xFFFFE000  }
0x14a: {  	_ =	swait.ge [sflag:s5], $0x2000  }
0x14b: {  	[sflag:s5] =	ssyncset.done $0x0  }
0x14c: {  	[sflag:s5] =	ssyncadd.s32 $0xFFFFE000  }
0x14d: {  	[spmem:s3] =	stream.indirect.scatter.add.f32 [tilespmem:s29], [sflag:$0x5], $0x80, s9, s4, $0xb8;
	[tilespmem:$0x1F400] =	vst v63  }
0x14e: {  	_ =	swait.ge [sflag:s2], $0x4000  }
0x14f: {  	[sflag:s2] =	ssyncset.done $0x0  }
0x150: {  	s11 =	simm.s32 @!p3 $0x0;
	s12 =	simm.s32 @!p3 $0x3;
	[sflag:s2] =	ssyncadd.s32 $0xFFFFC000  }
0x151: {  	[tilespmem:s11], [sflag:$0x3] =	stream.linear.gather @!p3 [hbm4b:s18+s11], $0x100, $0x38;
	[tilespmem:$0x1F400] =	vst v63  }
0x152: {  	_ =	swait.ge @!p3 [sflag:s12], $0x100  }
0x153: {  	[sflag:s12] =	ssyncset.done @!p3 $0x0  }
0x154: {  	s13 =	simm.s32 @!p3 $0x3400;
	[sflag:s12] =	ssyncadd.s32 @!p3 $0xFFFFFF00;
	s12 =	simm.s32 @!p3 $0x80  }
0x155: {  	[tilespmem:s13], [sflag:$0x1] =	stream.indirect.gather @!p3 [hbm4b:s0+s12], $0x80, s11, s12, $0xb8;
	[tilespmem:$0x1F400] =	vst v63  }
0x156: {  	s11 =	simm.s32 @!p3 $0x1  }
0x157: {  	_ =	swait.ge @!p3 [sflag:s11], $0x4000  }
0x158: {  	[sflag:s11] =	ssyncset.done @!p3 $0x0  }
0x159: {  	[sflag:s11] =	ssyncadd.s32 @!p3 $0xFFFFC000;
	s11 =	simm.s32 @!p3 $0x5  }
0x15a: {  	[spmem:s3] =	stream.indirect.scatter.add.f32 @!p3 [tilespmem:s13], [sflag:$0x5], $0x80, s12, s12, $0xb8;
	[tilespmem:$0x1F400] =	vst v63  }
0x15b: {  	_ =	swait.ge @!p3 [sflag:s11], $0x4000  }
0x15c: {  	s10 =	sadd.s32 $0x1, s10;
	[sflag:s11] =	ssyncset.done @!p3 $0x0  }
0x15d: {  	p4 =	sne.s32 s10, s20;
	s12 =	sor.u32 $0x1C05, s15;
	[sflag:s11] =	ssyncadd.s32 @!p3 $0xFFFFC000  }
.Ltmp4:
0x15e: {  	s13 =	sshrl.u32 s6, $0x3;
	[bflag:$0x0] =	sbarrier.arrive $0xFFFF;
	(pc) =	sbr.rel @p4 .LBB2_1-.Ltmp4, $4  }
0x15f: {  	[hbm:s19], [sflag:s12] =	dma.local [spmem:s13], $0x2800  }
0x160: {  	_ =	swait.ge [sflag:s2], $0x2800  }
0x161: {  	[sflag:s2] =	ssyncset.done $0x0  }
0x162: {  	[sflag:s2] =	ssyncadd.s32 $0xFFFFD800  }
0x163: {  	_ =	sfence.sel $0x180000  }
0x164: {  	[bflag:$0x0] =	sbarrier.arrive $0xFFFF  }
0x165: {  	_ =	strace $0x90000047  }
0x166: {  	s0 =	stileid.u32;
	[bflag:$0x2] =	sbarrier.arrive $0xFFFF  }
0x167: {  	p0 =	sne.s32 s0, $0x0;
	s0 =	rddreg [dreg:$0x4]  }
0x168: {  	s0 =	sadd.s32 @!p0 $0x100000, s0  }
0x169: {  	[sflag:s0] =	ssyncadd.tile.s32 @!p0 $0x1;
	_ =	shalt  }
.Lfunc_end2:
_tile_overlayer_lowered:
.L_overlay_start_2:
0x16a: {  	(tag) =	ssettag $0x2  }
0x16b: {  	s0 =	rddreg [dreg:$0x0];
	s2 =	stileid.u32  }
0x16c: {  	s1 =	rddreg [dreg:$0x1];
	p0 =	sne.s32 s2, $0x0  }
0x16d: {  	s3 =	rddreg [dreg:$0x2];
	[bflag:$0x3] =	sbarrier.arrive $0xFFFF;
	s2 =	simm.s32 @!p0 $0x1C05  }
0x16e: {  	[timem:s3], [sflag:s2] =	dma.local @!p0 [hbm:s0], s1  }
0x16f: {  	s0 =	simm.s32 @!p0 $0x5  }
0x170: {  	_ =	swait.ge @!p0 [sflag:s0], s1  }
0x171: {  	s1 =	ssub.s32 @!p0 $0x0, s1;
	[sflag:s0] =	ssyncset.done @!p0 $0x0  }
0x172: {  	[sflag:s0] =	ssyncadd.s32 @!p0 s1  }
0x173: {  	[bflag:$0x3] =	sbarrier.arrive $0xFFFF  }
0x174: {  	_ =	shalt  }

</sc_bundles>
